<compile_context>
chip_gen: v7x
topology: tpu7x:2x2x1
jax: 0.10.2.dev20260603
libtpu: 0.0.44.dev20260713+nightly
codegen_flags: <defaults>
</compile_context>

<pallas_src>
import functools

import jax
import jax.numpy as jnp
from jax import lax
from jax.experimental import pallas as pl
from jax.experimental.pallas import tpu as pltpu
from jax.experimental.pallas import tpu_sc as plsc

_R2 = 0.2 * 0.2
_NS = 32
_TD = 128
_OUTROW = 131 * 32


def _mask_kernel(q_ref, x_ref, o_ref, q16_ref):
    q = q_ref[0]
    q16_ref[0] = jnp.concatenate(
        [q, jnp.zeros((q.shape[0], 13), jnp.float32)], axis=1)
    x = x_ref[0]
    nq = jnp.sum(q * q, axis=-1)
    nk = jnp.sum(x * x, axis=-1)
    cross = lax.dot_general(q, x, (((1,), (1,)), ((), ())))
    d2 = nq[:, None] + nk[None, :] - 2.0 * cross
    m = (d2 < _R2).astype(jnp.float32)
    row = lax.broadcasted_iota(jnp.int32, (512, 32), 0)
    col = lax.broadcasted_iota(jnp.int32, (512, 32), 1)
    w = jnp.where(row // 16 == col, 1 << (row % 16), 0).astype(jnp.float32)
    n = x.shape[0]
    outs = []
    for c in range(n // 512):
        mc = lax.slice(m, (0, 512 * c), (q.shape[0], 512 * (c + 1)))
        pk = lax.dot_general(mc, w, (((1,), (0,)), ((), ())))
        outs.append(pk.astype(jnp.int32))
    o_ref[0] = jnp.concatenate(outs, axis=1)


def _table_kernel(f_ref, o_ref):
    o_ref[0] = jnp.transpose(f_ref[0])


def _make_sc_kernel(G, NWORD, N, TOT):
    info = plsc.get_sparse_core_info()
    nc, ns = info.num_cores, info.num_subcores
    mesh = plsc.VectorSubcoreMesh(core_axis_name="c", subcore_axis_name="s")

    @functools.partial(
        pl.kernel,
        mesh=mesh,
        out_type=jax.ShapeDtypeStruct((TOT * _OUTROW,), jnp.float32),
        scratch_types=[
            pltpu.VMEM((4, NWORD), jnp.int32),
            pltpu.VMEM((G, 16), jnp.float32),
            pltpu.VMEM((304,), jnp.int32),
            pltpu.VMEM((2 * _NS, _TD), jnp.float32),
            pltpu.VMEM((262 * 40,), jnp.float32),
            pltpu.VMEM((4 * _OUTROW,), jnp.float32),
            pltpu.VMEM((N,), jnp.float32),
            pltpu.VMEM((N,), jnp.float32),
            pltpu.VMEM((N,), jnp.float32),
            pltpu.SemaphoreType.DMA,
            pltpu.SemaphoreType.DMA,
            pltpu.SemaphoreType.DMA,
        ],
        compiler_params=pltpu.CompilerParams(
            needs_layout_passes=False, disable_bounds_checks=True),
    )
    def sc_group(pk_hbm, tbl_hbm, nq_hbm, xyzt_hbm, out_hbm,
                 pkbuf, nqbuf, idxbuf, rows_v, obuf, obufc, xbuf, ybuf, zbuf,
                 gsem, osem, psem):
        wid = lax.axis_index("s") * nc + lax.axis_index("c")
        base = wid * G
        b = base // (TOT // 2)
        boff = b * N
        pltpu.sync_copy(nq_hbm.at[pl.ds(base, G)], nqbuf)
        pltpu.sync_copy(xyzt_hbm.at[3 * b], xbuf)
        pltpu.sync_copy(xyzt_hbm.at[3 * b + 1], ybuf)
        pltpu.sync_copy(xyzt_hbm.at[3 * b + 2], zbuf)
        lanes = lax.broadcasted_iota(jnp.int32, (16,), 0)
        lanes33 = lanes * 40

        def pk_copy(j):
            return pltpu.make_async_copy(
                pk_hbm.at[pl.ds(base + 2 * j, 2)],
                pkbuf.at[pl.ds((j % 2) * 2, 2)], psem)

        def select(p):
            zz = jnp.zeros((16,), jnp.int32)
            idxbuf[pl.ds(0, 16)] = zz
            idxbuf[pl.ds(16, 16)] = zz

            def cond(c):
                wi, cnt = c
                return jnp.logical_and(cnt < _NS, wi < NWORD)

            def body(c):
                wi, cnt = c
                wv = pkbuf[p, pl.ds(wi, 16)]
                for k in range(16):
                    w = wv[k]
                    bits = lax.shift_right_logical(
                        jnp.full((16,), w, jnp.int32), lanes) & 1
                    mk = bits != 0
                    ids = (wi + k) * 16 + lanes
                    plsc.store_compressed(idxbuf.at[pl.ds(cnt, 16)], ids,
                                          mask=mk)
                    pc = plsc.all_reduce_population_count(mk)
                    cnt = cnt + pc[0]
                return (wi + 16, cnt)

            _, cnt = lax.while_loop(cond, body, (jnp.int32(0), jnp.int32(0)))
            v0 = idxbuf[pl.ds(0, 16)]
            v1 = idxbuf[pl.ds(16, 16)]
            cntv = jnp.full((16,), cnt, jnp.int32)
            fv = jnp.full((16,), v0[0], jnp.int32)
            il0 = jnp.where(lanes < cntv, v0, fv)
            il1 = jnp.where(lanes + 16 < cntv, v1, fv)
            return il0, il1

        def fire_gather(il0, il1, rb):
            cp0 = pltpu.async_copy(tbl_hbm.at[il0 + boff],
                                   rows_v.at[pl.ds(rb * _NS, 16)], gsem)
            cp1 = pltpu.async_copy(tbl_hbm.at[il1 + boff],
                                   rows_v.at[pl.ds(rb * _NS + 16, 16)], gsem)
            return cp0, cp1

        def emit(p, il0, il1, rb, half):
            orow = half * 131
            qrow = nqbuf[p, pl.ds(0, 16)]
            for c, cb in enumerate((xbuf, ybuf, zbuf)):
                qv = jnp.full((16,), qrow[c], jnp.float32)
                obuf[pl.ds((orow + c) * 40, 16)] = (
                    plsc.load_gather(cb, [il0]) - qv)
                obuf[pl.ds((orow + c) * 40 + 16, 16)] = (
                    plsc.load_gather(cb, [il1]) - qv)

            def trans_body(si, _):
                s0 = si * 4
                for ds_ in range(4):
                    s = s0 + ds_
                    row = rb * _NS + s
                    for k in range(8):
                        src = rows_v[row, pl.ds(16 * k, 16)]
                        dstv = lanes33 + ((orow + 16 * k + 3) * 40 + s)
                        plsc.store_scatter(obuf, [dstv], src)
                return 0
            lax.fori_loop(0, _NS // 4, trans_body, 0)

        NPAIR = G // 2

        def compact(ooff):
            def cbody(ri, _):
                r0 = ri * 2
                for dr in range(2):
                    r = r0 + dr
                    obufc[pl.ds(ooff + r * 32, 16)] = obuf[pl.ds(r * 40, 16)]
                    obufc[pl.ds(ooff + r * 32 + 16, 16)] = (
                        obuf[pl.ds(r * 40 + 16, 16)])
                return 0
            lax.fori_loop(0, 131, cbody, 0)

        def per_pair(j, _):
            ooff = (j % 2) * 2 * _OUTROW
            p0 = 2 * j
            p1 = p0 + 1
            pk_copy(j).wait()

            @pl.when(j + 1 < NPAIR)
            def _():
                pk_copy(j + 1).start()

            slot = (j % 2) * 2
            ilA0, ilA1 = select(slot)
            cpA = fire_gather(ilA0, ilA1, 0)
            ilB0, ilB1 = select(slot + 1)
            cpB = fire_gather(ilB0, ilB1, 1)

            @pl.when(j >= 2)
            def _():
                pltpu.make_async_copy(
                    obufc.at[pl.ds(ooff, 2 * _OUTROW)],
                    out_hbm.at[pl.ds((base + p0 - 4) * _OUTROW, 2 * _OUTROW)],
                    osem).wait()

            cpA[0].wait()
            cpA[1].wait()
            emit(p0, ilA0, ilA1, 0, 0)
            cpB[0].wait()
            cpB[1].wait()
            emit(p1, ilB0, ilB1, 1, 1)
            compact(ooff)
            pltpu.async_copy(
                obufc.at[pl.ds(ooff, 2 * _OUTROW)],
                out_hbm.at[pl.ds((base + p0) * _OUTROW, 2 * _OUTROW)],
                osem)
            return 0

        pk_copy(0).start()
        lax.fori_loop(0, NPAIR, per_pair, 0)
        for t in (NPAIR - 2, NPAIR - 1):
            pltpu.make_async_copy(
                obufc.at[pl.ds((t % 2) * 2 * _OUTROW, 2 * _OUTROW)],
                out_hbm.at[pl.ds((base + 2 * t) * _OUTROW, 2 * _OUTROW)],
                osem).wait()

    return sc_group


def kernel(xyz, new_xyz, features):
    B, N, _ = xyz.shape
    P = new_xyz.shape[1]
    C = features.shape[1]
    NWORD = N // 16
    TOT = B * P

    pk, q16 = pl.pallas_call(
        _mask_kernel,
        grid=(B, P // 256),
        in_specs=[
            pl.BlockSpec((1, 256, 3), lambda b, i: (b, i, 0)),
            pl.BlockSpec((1, N, 3), lambda b, i: (b, 0, 0)),
        ],
        out_specs=[
            pl.BlockSpec((1, 256, NWORD), lambda b, i: (b, i, 0)),
            pl.BlockSpec((1, 256, 16), lambda b, i: (b, i, 0)),
        ],
        out_shape=[
            jax.ShapeDtypeStruct((B, P, NWORD), jnp.int32),
            jax.ShapeDtypeStruct((B, P, 16), jnp.float32),
        ],
    )(new_xyz, xyz)

    tbl = pl.pallas_call(
        _table_kernel,
        grid=(B, N // 512),
        in_specs=[
            pl.BlockSpec((1, C, 512), lambda b, i: (b, 0, i)),
        ],
        out_specs=pl.BlockSpec((1, 512, _TD), lambda b, i: (b, i, 0)),
        out_shape=jax.ShapeDtypeStruct((B, N, _TD), jnp.float32),
    )(features)

    G = TOT // 32
    sc_group = _make_sc_kernel(G, NWORD, N, TOT)
    xyzt = jnp.transpose(xyz, (0, 2, 1)).reshape(B * 3, N)
    out_flat = sc_group(pk.reshape(TOT, NWORD),
                        tbl.reshape(B * N, _TD),
                        q16.reshape(TOT, 16),
                        xyzt)
    return out_flat.reshape(B, P, 131, _NS)

# --- scband reference (transcript-rebuilt; emitter-appended) ---
"""Pipeline reference for scband-point-net2-grouping-layer-53506702574030 (READ-ONLY COPY).

The authoritative reference and input builder live on the scoring server;
editing this copy changes nothing except your own understanding.
"""

import jax, jax.numpy as jnp
import numpy as np

RADIUS = 0.2
NSAMPLE = 32


def setup_inputs(seed: int = 0) -> dict:
    key = jax.random.key(seed)
    k1, k2, k3 = jax.random.split(key, 3)
    xyz = jax.random.uniform(k1, (2, 8192, 3), dtype=jnp.float32)
    new_xyz = jax.random.uniform(k2, (2, 2048, 3), dtype=jnp.float32)
    features = jax.random.normal(k3, (2, 128, 8192), dtype=jnp.float32)
    return {"xyz": xyz, "new_xyz": new_xyz, "features": features}


def _ball_query(new_xyz, xyz, radius, nsample):
    # squared distances (B, npoint, N) without materializing (B,npoint,N,3)
    nq = jnp.sum(new_xyz * new_xyz, axis=-1)  # (B, npoint)
    nk = jnp.sum(xyz * xyz, axis=-1)          # (B, N)
    cross = jnp.einsum('bpc,bnc->bpn', new_xyz, xyz)
    d2 = nq[:, :, None] + nk[:, None, :] - 2.0 * cross
    N = xyz.shape[1]
    within = d2 < (radius * radius)
    ar = jnp.arange(N, dtype=jnp.int32)
    key = jnp.where(within, ar[None, None, :], N)
    # smallest `nsample` in-radius indices, in original point order (CUDA semantics)
    sk = -jax.lax.top_k(-key, nsample)[0]  # (B, npoint, nsample)
    first = jnp.where(sk[..., :1] == N, 0, sk[..., :1])
    idx = jnp.where(sk == N, first, sk)  # pad missing slots with first found (or 0)
    return idx.astype(jnp.int32)


def _group_gather(features, idx):
    # features: (B, C, N), idx: (B, npoint, nsample) -> (B, C, npoint, nsample)
    return jax.vmap(lambda f, i: f[:, i])(features, idx)


def reference(xyz, new_xyz, features):
    idx = _ball_query(new_xyz, xyz, RADIUS, NSAMPLE)
    xyz_trans = jnp.transpose(xyz, (0, 2, 1))  # (B, 3, N)
    grouped_xyz = _group_gather(xyz_trans, idx)  # (B, 3, npoint, nsample)
    grouped_xyz = grouped_xyz - jnp.transpose(new_xyz, (0, 2, 1))[..., None]
    grouped_features = _group_gather(features, idx)  # (B, C, npoint, nsample)
    new_features = jnp.concatenate([grouped_xyz, grouped_features], axis=1)
    # torch .transpose(1, 2): (B, 3+C, npoint, nsample) -> (B, npoint, 3+C, nsample)
    return jnp.transpose(new_features, (0, 2, 1, 3))

if __name__ == "__main__":
    import jax
    _d = setup_inputs()
    print(jax.jit(kernel)(*tuple(_d.values())))

</pallas_src>

<mosaic_0001>
#map = affine_map<(d0, d1) -> (0, 0)>
#map1 = affine_map<(d0, d1) -> (0)>
module attributes {stable_mosaic.version = 14 : i64} {
  func.func @sc_group(%arg0: i32, %arg1: i32, %arg2: memref<4096x512xi32, #tpu.memory_space<hbm>>, %arg3: memref<16384x128xf32, #tpu.memory_space<hbm>>, %arg4: memref<4096x16xf32, #tpu.memory_space<hbm>>, %arg5: memref<6x8192xf32, #tpu.memory_space<hbm>>, %arg6: memref<17170432xf32, #tpu.memory_space<hbm>>, %arg7: memref<4x512xi32, #tpu.memory_space<vmem>>, %arg8: memref<128x16xf32, #tpu.memory_space<vmem>>, %arg9: memref<304xi32, #tpu.memory_space<vmem>>, %arg10: memref<64x128xf32, #tpu.memory_space<vmem>>, %arg11: memref<10480xf32, #tpu.memory_space<vmem>>, %arg12: memref<16768xf32, #tpu.memory_space<vmem>>, %arg13: memref<8192xf32, #tpu.memory_space<vmem>>, %arg14: memref<8192xf32, #tpu.memory_space<vmem>>, %arg15: memref<8192xf32, #tpu.memory_space<vmem>>, %arg16: memref<!tpu.dma_semaphore, #tpu.memory_space<semaphore_mem>>, %arg17: memref<!tpu.dma_semaphore, #tpu.memory_space<semaphore_mem>>, %arg18: memref<!tpu.dma_semaphore, #tpu.memory_space<semaphore_mem>>) attributes {dimension_semantics = [#tpu.dimension_semantics<core_parallel>, #tpu.dimension_semantics<subcore_parallel>], iteration_bounds = array<i64: 2, 16>, scalar_prefetch = 0 : i64, scratch_operands = 12 : i64, tpu.core_type = #tpu.core_type<sc_vector_subcore>, window_params = [{transform_indices = #map}, {transform_indices = #map}, {transform_indices = #map}, {transform_indices = #map}, {transform_indices = #map1}]} {
    %mul3A = arith.constant 2 : i32
    %mul3A_0 = arith.muli %arg1, %mul3A : i32
    %add3A = arith.addi %mul3A_0, %arg0 : i32
    %mul3A_1 = arith.constant 128 : i32
    %mul3A_2 = arith.muli %add3A, %mul3A_1 : i32
    %jit3A = arith.constant 2048 : i32
    %div3A = arith.divsi %mul3A_2, %jit3A : i32
    %sign3A = arith.constant 0 : i32
    %sign3A_3 = arith.cmpi sgt, %mul3A_2, %sign3A : i32
    %sign3A_4 = arith.extui %sign3A_3 : i1 to i32
    %sign3A_5 = arith.constant 0 : i32
    %sign3A_6 = arith.cmpi slt, %mul3A_2, %sign3A_5 : i32
    %sign3A_7 = arith.extui %sign3A_6 : i1 to i32
    %sign3A_8 = arith.subi %sign3A_4, %sign3A_7 : i32
    %sign3A_9 = arith.constant 0 : i32
    %sign3A_10 = arith.cmpi sgt, %jit3A, %sign3A_9 : i32
    %sign3A_11 = arith.extui %sign3A_10 : i1 to i32
    %sign3A_12 = arith.constant 0 : i32
    %sign3A_13 = arith.cmpi slt, %jit3A, %sign3A_12 : i32
    %sign3A_14 = arith.extui %sign3A_13 : i1 to i32
    %sign3A_15 = arith.subi %sign3A_11, %sign3A_14 : i32
    %ne3A = arith.cmpi ne, %sign3A_8, %sign3A_15 : i32
    %rem3A = arith.remsi %mul3A_2, %jit3A : i32
    %ne3A_16 = arith.constant 0 : i32
    %ne3A_17 = arith.cmpi ne, %rem3A, %ne3A_16 : i32
    %and3A = arith.andi %ne3A, %ne3A_17 : i1
    %sub3A = arith.constant 1 : i32
    %sub3A_18 = arith.subi %div3A, %sub3A : i32
    %select_n3A = arith.select %and3A, %sub3A_18, %div3A : i32
    %mul3A_19 = arith.constant 8192 : i32
    %mul3A_20 = arith.muli %select_n3A, %mul3A_19 : i32
    "tpu.region"() ({
      %run_scoped3A = tpu.sem_alloc : memref<!tpu.dma_semaphore, #tpu.memory_space<semaphore_mem>>
      %dma_start3A_70 = arith.constant 0 : i32
      %dma_start3A_71 = tpu.memref_slice %arg4[%mul3A_2, %dma_start3A_70] : memref<4096x16xf32, #tpu.memory_space<hbm>> -> memref<128x16xf32, #tpu.memory_space<hbm>>
      %dma_start3A_72 = arith.constant 0 : i32
      %dma_start3A_73 = tpu.memref_slice %arg4[%mul3A_2, %dma_start3A_72] : memref<4096x16xf32, #tpu.memory_space<hbm>> -> memref<128x16xf32, #tpu.memory_space<hbm>>
      tpu.enqueue_dma source(%dma_start3A_73 : memref<128x16xf32, #tpu.memory_space<hbm>>) target(%arg8 : memref<128x16xf32, #tpu.memory_space<vmem>>) target_semaphore(%run_scoped3A : memref<!tpu.dma_semaphore, #tpu.memory_space<semaphore_mem>>)
      %dma_wait3A_74 = arith.constant 0 : i32
      %dma_wait3A_75 = tpu.memref_slice %arg4[%mul3A_2, %dma_wait3A_74] : memref<4096x16xf32, #tpu.memory_space<hbm>> -> memref<128x16xf32, #tpu.memory_space<hbm>>
      %dma_wait3A_76 = arith.constant 0 : i32
      %dma_wait3A_77 = tpu.memref_slice %arg4[%mul3A_2, %dma_wait3A_76] : memref<4096x16xf32, #tpu.memory_space<hbm>> -> memref<128x16xf32, #tpu.memory_space<hbm>>
      tpu.wait_dma2 semaphore(%run_scoped3A : memref<!tpu.dma_semaphore, #tpu.memory_space<semaphore_mem>>) src(%dma_wait3A_77 : memref<128x16xf32, #tpu.memory_space<hbm>>) dst(%arg8 : memref<128x16xf32, #tpu.memory_space<vmem>>)
      tpu.yield
    }) : () -> ()
    %mul3A_21 = arith.constant 3 : i32
    %mul3A_22 = arith.muli %mul3A_21, %select_n3A : i32
    "tpu.region"() ({
      %run_scoped3A = tpu.sem_alloc : memref<!tpu.dma_semaphore, #tpu.memory_space<semaphore_mem>>
      %dma_start3A_70 = arith.constant 0 : i32
      %dma_start3A_71 = tpu.memref_slice %arg5[%mul3A_22, %dma_start3A_70] : memref<6x8192xf32, #tpu.memory_space<hbm>> -> memref<1x8192xf32, #tpu.memory_space<hbm>>
      %dma_start3A_72 = tpu.memref_squeeze %dma_start3A_71 : memref<1x8192xf32, #tpu.memory_space<hbm>> -> memref<8192xf32, #tpu.memory_space<hbm>>
      %dma_start3A_73 = arith.constant 0 : i32
      %dma_start3A_74 = tpu.memref_slice %arg5[%mul3A_22, %dma_start3A_73] : memref<6x8192xf32, #tpu.memory_space<hbm>> -> memref<1x8192xf32, #tpu.memory_space<hbm>>
      %dma_start3A_75 = tpu.memref_squeeze %dma_start3A_74 : memref<1x8192xf32, #tpu.memory_space<hbm>> -> memref<8192xf32, #tpu.memory_space<hbm>>
      tpu.enqueue_dma source(%dma_start3A_75 : memref<8192xf32, #tpu.memory_space<hbm>>) target(%arg13 : memref<8192xf32, #tpu.memory_space<vmem>>) target_semaphore(%run_scoped3A : memref<!tpu.dma_semaphore, #tpu.memory_space<semaphore_mem>>)
      %dma_wait3A_76 = arith.constant 0 : i32
      %dma_wait3A_77 = tpu.memref_slice %arg5[%mul3A_22, %dma_wait3A_76] : memref<6x8192xf32, #tpu.memory_space<hbm>> -> memref<1x8192xf32, #tpu.memory_space<hbm>>
      %dma_wait3A_78 = tpu.memref_squeeze %dma_wait3A_77 : memref<1x8192xf32, #tpu.memory_space<hbm>> -> memref<8192xf32, #tpu.memory_space<hbm>>
      %dma_wait3A_79 = arith.constant 0 : i32
      %dma_wait3A_80 = tpu.memref_slice %arg5[%mul3A_22, %dma_wait3A_79] : memref<6x8192xf32, #tpu.memory_space<hbm>> -> memref<1x8192xf32, #tpu.memory_space<hbm>>
      %dma_wait3A_81 = tpu.memref_squeeze %dma_wait3A_80 : memref<1x8192xf32, #tpu.memory_space<hbm>> -> memref<8192xf32, #tpu.memory_space<hbm>>
      tpu.wait_dma2 semaphore(%run_scoped3A : memref<!tpu.dma_semaphore, #tpu.memory_space<semaphore_mem>>) src(%dma_wait3A_81 : memref<8192xf32, #tpu.memory_space<hbm>>) dst(%arg13 : memref<8192xf32, #tpu.memory_space<vmem>>)
      tpu.yield
    }) : () -> ()
    %mul3A_23 = arith.constant 3 : i32
    %mul3A_24 = arith.muli %mul3A_23, %select_n3A : i32
    %add3A_25 = arith.constant 1 : i32
    %add3A_26 = arith.addi %mul3A_24, %add3A_25 : i32
    "tpu.region"() ({
      %run_scoped3A = tpu.sem_alloc : memref<!tpu.dma_semaphore, #tpu.memory_space<semaphore_mem>>
      %dma_start3A_70 = arith.constant 0 : i32
      %dma_start3A_71 = tpu.memref_slice %arg5[%add3A_26, %dma_start3A_70] : memref<6x8192xf32, #tpu.memory_space<hbm>> -> memref<1x8192xf32, #tpu.memory_space<hbm>>
      %dma_start3A_72 = tpu.memref_squeeze %dma_start3A_71 : memref<1x8192xf32, #tpu.memory_space<hbm>> -> memref<8192xf32, #tpu.memory_space<hbm>>
      %dma_start3A_73 = arith.constant 0 : i32
      %dma_start3A_74 = tpu.memref_slice %arg5[%add3A_26, %dma_start3A_73] : memref<6x8192xf32, #tpu.memory_space<hbm>> -> memref<1x8192xf32, #tpu.memory_space<hbm>>
      %dma_start3A_75 = tpu.memref_squeeze %dma_start3A_74 : memref<1x8192xf32, #tpu.memory_space<hbm>> -> memref<8192xf32, #tpu.memory_space<hbm>>
      tpu.enqueue_dma source(%dma_start3A_75 : memref<8192xf32, #tpu.memory_space<hbm>>) target(%arg14 : memref<8192xf32, #tpu.memory_space<vmem>>) target_semaphore(%run_scoped3A : memref<!tpu.dma_semaphore, #tpu.memory_space<semaphore_mem>>)
      %dma_wait3A_76 = arith.constant 0 : i32
      %dma_wait3A_77 = tpu.memref_slice %arg5[%add3A_26, %dma_wait3A_76] : memref<6x8192xf32, #tpu.memory_space<hbm>> -> memref<1x8192xf32, #tpu.memory_space<hbm>>
      %dma_wait3A_78 = tpu.memref_squeeze %dma_wait3A_77 : memref<1x8192xf32, #tpu.memory_space<hbm>> -> memref<8192xf32, #tpu.memory_space<hbm>>
      %dma_wait3A_79 = arith.constant 0 : i32
      %dma_wait3A_80 = tpu.memref_slice %arg5[%add3A_26, %dma_wait3A_79] : memref<6x8192xf32, #tpu.memory_space<hbm>> -> memref<1x8192xf32, #tpu.memory_space<hbm>>
      %dma_wait3A_81 = tpu.memref_squeeze %dma_wait3A_80 : memref<1x8192xf32, #tpu.memory_space<hbm>> -> memref<8192xf32, #tpu.memory_space<hbm>>
      tpu.wait_dma2 semaphore(%run_scoped3A : memref<!tpu.dma_semaphore, #tpu.memory_space<semaphore_mem>>) src(%dma_wait3A_81 : memref<8192xf32, #tpu.memory_space<hbm>>) dst(%arg14 : memref<8192xf32, #tpu.memory_space<vmem>>)
      tpu.yield
    }) : () -> ()
    %mul3A_27 = arith.constant 3 : i32
    %mul3A_28 = arith.muli %mul3A_27, %select_n3A : i32
    %add3A_29 = arith.constant 2 : i32
    %add3A_30 = arith.addi %mul3A_28, %add3A_29 : i32
    "tpu.region"() ({
      %run_scoped3A = tpu.sem_alloc : memref<!tpu.dma_semaphore, #tpu.memory_space<semaphore_mem>>
      %dma_start3A_70 = arith.constant 0 : i32
      %dma_start3A_71 = tpu.memref_slice %arg5[%add3A_30, %dma_start3A_70] : memref<6x8192xf32, #tpu.memory_space<hbm>> -> memref<1x8192xf32, #tpu.memory_space<hbm>>
      %dma_start3A_72 = tpu.memref_squeeze %dma_start3A_71 : memref<1x8192xf32, #tpu.memory_space<hbm>> -> memref<8192xf32, #tpu.memory_space<hbm>>
      %dma_start3A_73 = arith.constant 0 : i32
      %dma_start3A_74 = tpu.memref_slice %arg5[%add3A_30, %dma_start3A_73] : memref<6x8192xf32, #tpu.memory_space<hbm>> -> memref<1x8192xf32, #tpu.memory_space<hbm>>
      %dma_start3A_75 = tpu.memref_squeeze %dma_start3A_74 : memref<1x8192xf32, #tpu.memory_space<hbm>> -> memref<8192xf32, #tpu.memory_space<hbm>>
      tpu.enqueue_dma source(%dma_start3A_75 : memref<8192xf32, #tpu.memory_space<hbm>>) target(%arg15 : memref<8192xf32, #tpu.memory_space<vmem>>) target_semaphore(%run_scoped3A : memref<!tpu.dma_semaphore, #tpu.memory_space<semaphore_mem>>)
      %dma_wait3A_76 = arith.constant 0 : i32
      %dma_wait3A_77 = tpu.memref_slice %arg5[%add3A_30, %dma_wait3A_76] : memref<6x8192xf32, #tpu.memory_space<hbm>> -> memref<1x8192xf32, #tpu.memory_space<hbm>>
      %dma_wait3A_78 = tpu.memref_squeeze %dma_wait3A_77 : memref<1x8192xf32, #tpu.memory_space<hbm>> -> memref<8192xf32, #tpu.memory_space<hbm>>
      %dma_wait3A_79 = arith.constant 0 : i32
      %dma_wait3A_80 = tpu.memref_slice %arg5[%add3A_30, %dma_wait3A_79] : memref<6x8192xf32, #tpu.memory_space<hbm>> -> memref<1x8192xf32, #tpu.memory_space<hbm>>
      %dma_wait3A_81 = tpu.memref_squeeze %dma_wait3A_80 : memref<1x8192xf32, #tpu.memory_space<hbm>> -> memref<8192xf32, #tpu.memory_space<hbm>>
      tpu.wait_dma2 semaphore(%run_scoped3A : memref<!tpu.dma_semaphore, #tpu.memory_space<semaphore_mem>>) src(%dma_wait3A_81 : memref<8192xf32, #tpu.memory_space<hbm>>) dst(%arg15 : memref<8192xf32, #tpu.memory_space<vmem>>)
      tpu.yield
    }) : () -> ()
    %iota3A = tpu.iota {dimensions = array<i32: 0>} : vector<16xi32>
    %mul3A_31 = arith.constant 40 : i32
    %mul3A_32 = vector.broadcast %mul3A_31 : i32 to vector<16xi32>
    %mul3A_33 = arith.muli %iota3A, %mul3A_32 : vector<16xi32>
    %add3A_34 = arith.constant 0 : i32
    %add3A_35 = arith.addi %mul3A_2, %add3A_34 : i32
    %dma_start3A = arith.constant 0 : i32
    %dma_start3A_36 = arith.constant 0 : i32
    %dma_start3A_37 = tpu.memref_slice %arg7[%dma_start3A, %dma_start3A_36] : memref<4x512xi32, #tpu.memory_space<vmem>> -> memref<2x512xi32, #tpu.memory_space<vmem>>
    %dma_start3A_38 = arith.constant 0 : i32
    %dma_start3A_39 = tpu.memref_slice %arg2[%add3A_35, %dma_start3A_38] : memref<4096x512xi32, #tpu.memory_space<hbm>> -> memref<2x512xi32, #tpu.memory_space<hbm>>
    %dma_start3A_40 = arith.constant 0 : i32
    %dma_start3A_41 = arith.constant 0 : i32
    %dma_start3A_42 = tpu.memref_slice %arg7[%dma_start3A_40, %dma_start3A_41] : memref<4x512xi32, #tpu.memory_space<vmem>> -> memref<2x512xi32, #tpu.memory_space<vmem>>
    %dma_start3A_43 = arith.constant 0 : i32
    %dma_start3A_44 = tpu.memref_slice %arg2[%add3A_35, %dma_start3A_43] : memref<4096x512xi32, #tpu.memory_space<hbm>> -> memref<2x512xi32, #tpu.memory_space<hbm>>
    tpu.enqueue_dma source(%dma_start3A_44 : memref<2x512xi32, #tpu.memory_space<hbm>>) target(%dma_start3A_42 : memref<2x512xi32, #tpu.memory_space<vmem>>) target_semaphore(%arg18 : memref<!tpu.dma_semaphore, #tpu.memory_space<semaphore_mem>>)
    %scan3A = arith.constant 0 : i32
    %scan3A_45 = arith.constant 0 : i32
    %scan3A_46 = arith.constant 64 : i32
    %scan3A_47 = arith.addi %scan3A_45, %scan3A_46 : i32
    %scan3A_48 = arith.constant 1 : i32
    %scan3A_49 = scf.for %scan3A_70 = %scan3A_45 to %scan3A_47 step %scan3A_48 iter_args(%scan3A_71 = %scan3A) -> (i32)  : i32 {
      %jit3A_72 = arith.constant 2 : i32
      %eq3A = arith.constant 0 : i32
      %eq3A_73 = arith.cmpi eq, %jit3A_72, %eq3A : i32
      %jit3A_74 = arith.constant 1 : i32
      %select_n3A_75 = arith.select %eq3A_73, %jit3A_74, %jit3A_72 : i32
      %rem3A_76 = arith.remsi %scan3A_70, %select_n3A_75 : i32
      %ne3A_77 = arith.constant 0 : i32
      %ne3A_78 = arith.cmpi ne, %rem3A_76, %ne3A_77 : i32
      %lt3A = arith.constant 0 : i32
      %lt3A_79 = arith.cmpi slt, %rem3A_76, %lt3A : i32
      %lt3A_80 = arith.constant 0 : i32
      %lt3A_81 = arith.cmpi slt, %select_n3A_75, %lt3A_80 : i32
      %ne3A_82 = arith.xori %lt3A_79, %lt3A_81 : i1
      %and3A_83 = arith.andi %ne3A_82, %ne3A_78 : i1
      %add3A_84 = arith.addi %rem3A_76, %select_n3A_75 : i32
      %select_n3A_85 = arith.select %and3A_83, %add3A_84, %rem3A_76 : i32
      %mul3A_86 = arith.constant 2 : i32
      %mul3A_87 = arith.muli %select_n3A_85, %mul3A_86 : i32
      %mul3A_88 = arith.constant 4192 : i32
      %mul3A_89 = arith.muli %mul3A_87, %mul3A_88 : i32
      %mul3A_90 = arith.constant 2 : i32
      %mul3A_91 = arith.muli %mul3A_90, %scan3A_70 : i32
      %add3A_92 = arith.constant 1 : i32
      %add3A_93 = arith.addi %mul3A_91, %add3A_92 : i32
      %mul3A_94 = arith.constant 2 : i32
      %mul3A_95 = arith.muli %mul3A_94, %scan3A_70 : i32
      %add3A_96 = arith.addi %mul3A_2, %mul3A_95 : i32
      %jit3A_97 = arith.constant 2 : i32
      %eq3A_98 = arith.constant 0 : i32
      %eq3A_99 = arith.cmpi eq, %jit3A_97, %eq3A_98 : i32
      %jit3A_100 = arith.constant 1 : i32
      %select_n3A_101 = arith.select %eq3A_99, %jit3A_100, %jit3A_97 : i32
      %rem3A_102 = arith.remsi %scan3A_70, %select_n3A_101 : i32
      %ne3A_103 = arith.constant 0 : i32
      %ne3A_104 = arith.cmpi ne, %rem3A_102, %ne3A_103 : i32
      %lt3A_105 = arith.constant 0 : i32
      %lt3A_106 = arith.cmpi slt, %rem3A_102, %lt3A_105 : i32
      %lt3A_107 = arith.constant 0 : i32
      %lt3A_108 = arith.cmpi slt, %select_n3A_101, %lt3A_107 : i32
      %ne3A_109 = arith.xori %lt3A_106, %lt3A_108 : i1
      %and3A_110 = arith.andi %ne3A_109, %ne3A_104 : i1
      %add3A_111 = arith.addi %rem3A_102, %select_n3A_101 : i32
      %select_n3A_112 = arith.select %and3A_110, %add3A_111, %rem3A_102 : i32
      %mul3A_113 = arith.constant 2 : i32
      %mul3A_114 = arith.muli %select_n3A_112, %mul3A_113 : i32
      %dma_wait3A_115 = arith.constant 0 : i32
      %dma_wait3A_116 = tpu.memref_slice %arg7[%mul3A_114, %dma_wait3A_115] : memref<4x512xi32, #tpu.memory_space<vmem>> -> memref<2x512xi32, #tpu.memory_space<vmem>>
      %dma_wait3A_117 = arith.constant 0 : i32
      %dma_wait3A_118 = tpu.memref_slice %arg2[%add3A_96, %dma_wait3A_117] : memref<4096x512xi32, #tpu.memory_space<hbm>> -> memref<2x512xi32, #tpu.memory_space<hbm>>
      %dma_wait3A_119 = arith.constant 0 : i32
      %dma_wait3A_120 = tpu.memref_slice %arg7[%mul3A_114, %dma_wait3A_119] : memref<4x512xi32, #tpu.memory_space<vmem>> -> memref<2x512xi32, #tpu.memory_space<vmem>>
      %dma_wait3A_121 = arith.constant 0 : i32
      %dma_wait3A_122 = tpu.memref_slice %arg2[%add3A_96, %dma_wait3A_121] : memref<4096x512xi32, #tpu.memory_space<hbm>> -> memref<2x512xi32, #tpu.memory_space<hbm>>
      tpu.wait_dma2 semaphore(%arg18 : memref<!tpu.dma_semaphore, #tpu.memory_space<semaphore_mem>>) src(%dma_wait3A_122 : memref<2x512xi32, #tpu.memory_space<hbm>>) dst(%dma_wait3A_120 : memref<2x512xi32, #tpu.memory_space<vmem>>)
      %add3A_123 = arith.constant 1 : i32
      %add3A_124 = arith.addi %scan3A_70, %add3A_123 : i32
      %lt3A_125 = arith.constant 64 : i32
      %lt3A_126 = arith.cmpi slt, %add3A_124, %lt3A_125 : i32
      %convert_element_type3A = arith.extui %lt3A_126 : i1 to i32
      %cond3A = arith.constant 0 : i32
      %cond3A_127 = arith.cmpi ne, %convert_element_type3A, %cond3A : i32
      scf.if %cond3A_127 {
        %add3A_350 = arith.constant 1 : i32
        %add3A_351 = arith.addi %scan3A_70, %add3A_350 : i32
        %mul3A_352 = arith.constant 2 : i32
        %mul3A_353 = arith.muli %mul3A_352, %add3A_351 : i32
        %add3A_354 = arith.addi %mul3A_2, %mul3A_353 : i32
        %jit3A_355 = arith.constant 2 : i32
        %eq3A_356 = arith.constant 0 : i32
        %eq3A_357 = arith.cmpi eq, %jit3A_355, %eq3A_356 : i32
        %jit3A_358 = arith.constant 1 : i32
        %select_n3A_359 = arith.select %eq3A_357, %jit3A_358, %jit3A_355 : i32
        %rem3A_360 = arith.remsi %add3A_351, %select_n3A_359 : i32
        %ne3A_361 = arith.constant 0 : i32
        %ne3A_362 = arith.cmpi ne, %rem3A_360, %ne3A_361 : i32
        %lt3A_363 = arith.constant 0 : i32
        %lt3A_364 = arith.cmpi slt, %rem3A_360, %lt3A_363 : i32
        %lt3A_365 = arith.constant 0 : i32
        %lt3A_366 = arith.cmpi slt, %select_n3A_359, %lt3A_365 : i32
        %ne3A_367 = arith.xori %lt3A_364, %lt3A_366 : i1
        %and3A_368 = arith.andi %ne3A_367, %ne3A_362 : i1
        %add3A_369 = arith.addi %rem3A_360, %select_n3A_359 : i32
        %select_n3A_370 = arith.select %and3A_368, %add3A_369, %rem3A_360 : i32
        %mul3A_371 = arith.constant 2 : i32
        %mul3A_372 = arith.muli %select_n3A_370, %mul3A_371 : i32
        %dma_start3A_373 = arith.constant 0 : i32
        %dma_start3A_374 = tpu.memref_slice %arg7[%mul3A_372, %dma_start3A_373] : memref<4x512xi32, #tpu.memory_space<vmem>> -> memref<2x512xi32, #tpu.memory_space<vmem>>
        %dma_start3A_375 = arith.constant 0 : i32
        %dma_start3A_376 = tpu.memref_slice %arg2[%add3A_354, %dma_start3A_375] : memref<4096x512xi32, #tpu.memory_space<hbm>> -> memref<2x512xi32, #tpu.memory_space<hbm>>
        %dma_start3A_377 = arith.constant 0 : i32
        %dma_start3A_378 = tpu.memref_slice %arg7[%mul3A_372, %dma_start3A_377] : memref<4x512xi32, #tpu.memory_space<vmem>> -> memref<2x512xi32, #tpu.memory_space<vmem>>
        %dma_start3A_379 = arith.constant 0 : i32
        %dma_start3A_380 = tpu.memref_slice %arg2[%add3A_354, %dma_start3A_379] : memref<4096x512xi32, #tpu.memory_space<hbm>> -> memref<2x512xi32, #tpu.memory_space<hbm>>
        tpu.enqueue_dma source(%dma_start3A_380 : memref<2x512xi32, #tpu.memory_space<hbm>>) target(%dma_start3A_378 : memref<2x512xi32, #tpu.memory_space<vmem>>) target_semaphore(%arg18 : memref<!tpu.dma_semaphore, #tpu.memory_space<semaphore_mem>>)
      } else {
      }
      %jit3A_128 = arith.constant 2 : i32
      %eq3A_129 = arith.constant 0 : i32
      %eq3A_130 = arith.cmpi eq, %jit3A_128, %eq3A_129 : i32
      %jit3A_131 = arith.constant 1 : i32
      %select_n3A_132 = arith.select %eq3A_130, %jit3A_131, %jit3A_128 : i32
      %rem3A_133 = arith.remsi %scan3A_70, %select_n3A_132 : i32
      %ne3A_134 = arith.constant 0 : i32
      %ne3A_135 = arith.cmpi ne, %rem3A_133, %ne3A_134 : i32
      %lt3A_136 = arith.constant 0 : i32
      %lt3A_137 = arith.cmpi slt, %rem3A_133, %lt3A_136 : i32
      %lt3A_138 = arith.constant 0 : i32
      %lt3A_139 = arith.cmpi slt, %select_n3A_132, %lt3A_138 : i32
      %ne3A_140 = arith.xori %lt3A_137, %lt3A_139 : i1
      %and3A_141 = arith.andi %ne3A_140, %ne3A_135 : i1
      %add3A_142 = arith.addi %rem3A_133, %select_n3A_132 : i32
      %select_n3A_143 = arith.select %and3A_141, %add3A_142, %rem3A_133 : i32
      %mul3A_144 = arith.constant 2 : i32
      %mul3A_145 = arith.muli %select_n3A_143, %mul3A_144 : i32
      %broadcast_in_dim3A = arith.constant 0 : i32
      %broadcast_in_dim3A_146 = vector.broadcast %broadcast_in_dim3A : i32 to vector<16xi32>
      %swap3A = arith.constant 0 : index
      %swap3A_147 = tpu.vector_load %arg9[%swap3A] {strides = array<i32>} : memref<304xi32, #tpu.memory_space<vmem>>, vector<16xi32>,
      tpu.vector_store %arg9[%swap3A], %broadcast_in_dim3A_146 {strides = array<i32>} : memref<304xi32, #tpu.memory_space<vmem>>, vector<16xi32>,
      %swap3A_148 = arith.constant 16 : index
      %swap3A_149 = tpu.vector_load %arg9[%swap3A_148] {strides = array<i32>} : memref<304xi32, #tpu.memory_space<vmem>>, vector<16xi32>,
      tpu.vector_store %arg9[%swap3A_148], %broadcast_in_dim3A_146 {strides = array<i32>} : memref<304xi32, #tpu.memory_space<vmem>>, vector<16xi32>,
      %while3A = arith.constant 0 : i32
      %while3A_150 = arith.constant 0 : i32
      %while3A_151:2 = scf.while (%while3A_350 = %while3A, %while3A_351 = %while3A_150) : (i32, i32) -> (i32, i32) {
        %lt3A_352 = arith.constant 32 : i32
        %lt3A_353 = arith.cmpi slt, %while3A_351, %lt3A_352 : i32
        %lt3A_354 = arith.constant 512 : i32
        %lt3A_355 = arith.cmpi slt, %while3A_350, %lt3A_354 : i32
        %and3A_356 = arith.andi %lt3A_353, %lt3A_355 : i1
        scf.condition(%and3A_356) %while3A_350, %while3A_351 : i32, i32
      } do {
      ^bb0(%while3A_350: i32, %while3A_351: i32):
        %get3A_352 = arith.index_cast %mul3A_145 : i32 to index
        %get3A_353 = arith.index_cast %while3A_350 : i32 to index
        %get3A_354 = tpu.vector_load %arg7[%get3A_352, %get3A_353] {strides = array<i32>} : memref<4x512xi32, #tpu.memory_space<vmem>>, vector<16xi32>,
        %slice3A_355 = vector.extract_strided_slice %get3A_354 {offsets = [0], sizes = [1], strides = [1]} : vector<16xi32> to vector<1xi32>
        %squeeze3A_356 = vector.extract %slice3A_355[0] : i32 from vector<1xi32>
        %broadcast_in_dim3A_357 = vector.broadcast %squeeze3A_356 : i32 to vector<16xi32>
        %shift_right_logical3A = arith.shrui %broadcast_in_dim3A_357, %iota3A : vector<16xi32>
        %and3A_358 = arith.constant 1 : i32
        %and3A_359 = vector.broadcast %and3A_358 : i32 to vector<16xi32>
        %and3A_360 = arith.andi %shift_right_logical3A, %and3A_359 : vector<16xi32>
        %ne3A_361 = arith.constant 0 : i32
        %ne3A_362 = vector.broadcast %ne3A_361 : i32 to vector<16xi32>
        %ne3A_363 = arith.cmpi ne, %and3A_360, %ne3A_362 : vector<16xi32>
        %add3A_364 = arith.constant 0 : i32
        %add3A_365 = arith.addi %while3A_350, %add3A_364 : i32
        %mul3A_366 = arith.constant 16 : i32
        %mul3A_367 = arith.muli %add3A_365, %mul3A_366 : i32
        %add3A_368 = vector.broadcast %mul3A_367 : i32 to vector<16xi32>
        %add3A_369 = arith.addi %add3A_368, %iota3A : vector<16xi32>
        %swap3A_370 = arith.index_cast %while3A_351 : i32 to index
        %swap3A_371 = tpu.vector_load %arg9[%swap3A_370] masked %ne3A_363 {strides = array<i32>} : memref<304xi32, #tpu.memory_space<vmem>>, vector<16xi32>, vector<16xi1>
        tpu.vector_store %arg9[%swap3A_370], %add3A_369 masked %ne3A_363 {strides = array<i32>} : memref<304xi32, #tpu.memory_space<vmem>>, vector<16xi32>, vector<16xi1>
        %all_reduce_population_count3A = tpu.all_reduce %ne3A_363 {dim = 0 : i64, kind = #tpu.reduction_kind<sum>} : vector<16xi1> -> vector<16xi32>
        %slice3A_372 = vector.extract_strided_slice %all_reduce_population_count3A {offsets = [0], sizes = [1], strides = [1]} : vector<16xi32> to vector<1xi32>
        %squeeze3A_373 = vector.extract %slice3A_372[0] : i32 from vector<1xi32>
        %add3A_374 = arith.addi %while3A_351, %squeeze3A_373 : i32
        %slice3A_375 = vector.extract_strided_slice %get3A_354 {offsets = [1], sizes = [1], strides = [1]} : vector<16xi32> to vector<1xi32>
        %squeeze3A_376 = vector.extract %slice3A_375[0] : i32 from vector<1xi32>
        %broadcast_in_dim3A_377 = vector.broadcast %squeeze3A_376 : i32 to vector<16xi32>
        %shift_right_logical3A_378 = arith.shrui %broadcast_in_dim3A_377, %iota3A : vector<16xi32>
        %and3A_379 = arith.constant 1 : i32
        %and3A_380 = vector.broadcast %and3A_379 : i32 to vector<16xi32>
        %and3A_381 = arith.andi %shift_right_logical3A_378, %and3A_380 : vector<16xi32>
        %ne3A_382 = arith.constant 0 : i32
        %ne3A_383 = vector.broadcast %ne3A_382 : i32 to vector<16xi32>
        %ne3A_384 = arith.cmpi ne, %and3A_381, %ne3A_383 : vector<16xi32>
        %add3A_385 = arith.constant 1 : i32
        %add3A_386 = arith.addi %while3A_350, %add3A_385 : i32
        %mul3A_387 = arith.constant 16 : i32
        %mul3A_388 = arith.muli %add3A_386, %mul3A_387 : i32
        %add3A_389 = vector.broadcast %mul3A_388 : i32 to vector<16xi32>
        %add3A_390 = arith.addi %add3A_389, %iota3A : vector<16xi32>
        %swap3A_391 = arith.index_cast %add3A_374 : i32 to index
        %swap3A_392 = tpu.vector_load %arg9[%swap3A_391] masked %ne3A_384 {strides = array<i32>} : memref<304xi32, #tpu.memory_space<vmem>>, vector<16xi32>, vector<16xi1>
        tpu.vector_store %arg9[%swap3A_391], %add3A_390 masked %ne3A_384 {strides = array<i32>} : memref<304xi32, #tpu.memory_space<vmem>>, vector<16xi32>, vector<16xi1>
        %all_reduce_population_count3A_393 = tpu.all_reduce %ne3A_384 {dim = 0 : i64, kind = #tpu.reduction_kind<sum>} : vector<16xi1> -> vector<16xi32>
        %slice3A_394 = vector.extract_strided_slice %all_reduce_population_count3A_393 {offsets = [0], sizes = [1], strides = [1]} : vector<16xi32> to vector<1xi32>
        %squeeze3A_395 = vector.extract %slice3A_394[0] : i32 from vector<1xi32>
        %add3A_396 = arith.addi %add3A_374, %squeeze3A_395 : i32
        %slice3A_397 = vector.extract_strided_slice %get3A_354 {offsets = [2], sizes = [1], strides = [1]} : vector<16xi32> to vector<1xi32>
        %squeeze3A_398 = vector.extract %slice3A_397[0] : i32 from vector<1xi32>
        %broadcast_in_dim3A_399 = vector.broadcast %squeeze3A_398 : i32 to vector<16xi32>
        %shift_right_logical3A_400 = arith.shrui %broadcast_in_dim3A_399, %iota3A : vector<16xi32>
        %and3A_401 = arith.constant 1 : i32
        %and3A_402 = vector.broadcast %and3A_401 : i32 to vector<16xi32>
        %and3A_403 = arith.andi %shift_right_logical3A_400, %and3A_402 : vector<16xi32>
        %ne3A_404 = arith.constant 0 : i32
        %ne3A_405 = vector.broadcast %ne3A_404 : i32 to vector<16xi32>
        %ne3A_406 = arith.cmpi ne, %and3A_403, %ne3A_405 : vector<16xi32>
        %add3A_407 = arith.constant 2 : i32
        %add3A_408 = arith.addi %while3A_350, %add3A_407 : i32
        %mul3A_409 = arith.constant 16 : i32
        %mul3A_410 = arith.muli %add3A_408, %mul3A_409 : i32
        %add3A_411 = vector.broadcast %mul3A_410 : i32 to vector<16xi32>
        %add3A_412 = arith.addi %add3A_411, %iota3A : vector<16xi32>
        %swap3A_413 = arith.index_cast %add3A_396 : i32 to index
        %swap3A_414 = tpu.vector_load %arg9[%swap3A_413] masked %ne3A_406 {strides = array<i32>} : memref<304xi32, #tpu.memory_space<vmem>>, vector<16xi32>, vector<16xi1>
        tpu.vector_store %arg9[%swap3A_413], %add3A_412 masked %ne3A_406 {strides = array<i32>} : memref<304xi32, #tpu.memory_space<vmem>>, vector<16xi32>, vector<16xi1>
        %all_reduce_population_count3A_415 = tpu.all_reduce %ne3A_406 {dim = 0 : i64, kind = #tpu.reduction_kind<sum>} : vector<16xi1> -> vector<16xi32>
        %slice3A_416 = vector.extract_strided_slice %all_reduce_population_count3A_415 {offsets = [0], sizes = [1], strides = [1]} : vector<16xi32> to vector<1xi32>
        %squeeze3A_417 = vector.extract %slice3A_416[0] : i32 from vector<1xi32>
        %add3A_418 = arith.addi %add3A_396, %squeeze3A_417 : i32
        %slice3A_419 = vector.extract_strided_slice %get3A_354 {offsets = [3], sizes = [1], strides = [1]} : vector<16xi32> to vector<1xi32>
        %squeeze3A_420 = vector.extract %slice3A_419[0] : i32 from vector<1xi32>
        %broadcast_in_dim3A_421 = vector.broadcast %squeeze3A_420 : i32 to vector<16xi32>
        %shift_right_logical3A_422 = arith.shrui %broadcast_in_dim3A_421, %iota3A : vector<16xi32>
        %and3A_423 = arith.constant 1 : i32
        %and3A_424 = vector.broadcast %and3A_423 : i32 to vector<16xi32>
        %and3A_425 = arith.andi %shift_right_logical3A_422, %and3A_424 : vector<16xi32>
        %ne3A_426 = arith.constant 0 : i32
        %ne3A_427 = vector.broadcast %ne3A_426 : i32 to vector<16xi32>
        %ne3A_428 = arith.cmpi ne, %and3A_425, %ne3A_427 : vector<16xi32>
        %add3A_429 = arith.constant 3 : i32
        %add3A_430 = arith.addi %while3A_350, %add3A_429 : i32
        %mul3A_431 = arith.constant 16 : i32
        %mul3A_432 = arith.muli %add3A_430, %mul3A_431 : i32
        %add3A_433 = vector.broadcast %mul3A_432 : i32 to vector<16xi32>
        %add3A_434 = arith.addi %add3A_433, %iota3A : vector<16xi32>
        %swap3A_435 = arith.index_cast %add3A_418 : i32 to index
        %swap3A_436 = tpu.vector_load %arg9[%swap3A_435] masked %ne3A_428 {strides = array<i32>} : memref<304xi32, #tpu.memory_space<vmem>>, vector<16xi32>, vector<16xi1>
        tpu.vector_store %arg9[%swap3A_435], %add3A_434 masked %ne3A_428 {strides = array<i32>} : memref<304xi32, #tpu.memory_space<vmem>>, vector<16xi32>, vector<16xi1>
        %all_reduce_population_count3A_437 = tpu.all_reduce %ne3A_428 {dim = 0 : i64, kind = #tpu.reduction_kind<sum>} : vector<16xi1> -> vector<16xi32>
        %slice3A_438 = vector.extract_strided_slice %all_reduce_population_count3A_437 {offsets = [0], sizes = [1], strides = [1]} : vector<16xi32> to vector<1xi32>
        %squeeze3A_439 = vector.extract %slice3A_438[0] : i32 from vector<1xi32>
        %add3A_440 = arith.addi %add3A_418, %squeeze3A_439 : i32
        %slice3A_441 = vector.extract_strided_slice %get3A_354 {offsets = [4], sizes = [1], strides = [1]} : vector<16xi32> to vector<1xi32>
        %squeeze3A_442 = vector.extract %slice3A_441[0] : i32 from vector<1xi32>
        %broadcast_in_dim3A_443 = vector.broadcast %squeeze3A_442 : i32 to vector<16xi32>
        %shift_right_logical3A_444 = arith.shrui %broadcast_in_dim3A_443, %iota3A : vector<16xi32>
        %and3A_445 = arith.constant 1 : i32
        %and3A_446 = vector.broadcast %and3A_445 : i32 to vector<16xi32>
        %and3A_447 = arith.andi %shift_right_logical3A_444, %and3A_446 : vector<16xi32>
        %ne3A_448 = arith.constant 0 : i32
        %ne3A_449 = vector.broadcast %ne3A_448 : i32 to vector<16xi32>
        %ne3A_450 = arith.cmpi ne, %and3A_447, %ne3A_449 : vector<16xi32>
        %add3A_451 = arith.constant 4 : i32
        %add3A_452 = arith.addi %while3A_350, %add3A_451 : i32
        %mul3A_453 = arith.constant 16 : i32
        %mul3A_454 = arith.muli %add3A_452, %mul3A_453 : i32
        %add3A_455 = vector.broadcast %mul3A_454 : i32 to vector<16xi32>
        %add3A_456 = arith.addi %add3A_455, %iota3A : vector<16xi32>
        %swap3A_457 = arith.index_cast %add3A_440 : i32 to index
        %swap3A_458 = tpu.vector_load %arg9[%swap3A_457] masked %ne3A_450 {strides = array<i32>} : memref<304xi32, #tpu.memory_space<vmem>>, vector<16xi32>, vector<16xi1>
        tpu.vector_store %arg9[%swap3A_457], %add3A_456 masked %ne3A_450 {strides = array<i32>} : memref<304xi32, #tpu.memory_space<vmem>>, vector<16xi32>, vector<16xi1>
        %all_reduce_population_count3A_459 = tpu.all_reduce %ne3A_450 {dim = 0 : i64, kind = #tpu.reduction_kind<sum>} : vector<16xi1> -> vector<16xi32>
        %slice3A_460 = vector.extract_strided_slice %all_reduce_population_count3A_459 {offsets = [0], sizes = [1], strides = [1]} : vector<16xi32> to vector<1xi32>
        %squeeze3A_461 = vector.extract %slice3A_460[0] : i32 from vector<1xi32>
        %add3A_462 = arith.addi %add3A_440, %squeeze3A_461 : i32
        %slice3A_463 = vector.extract_strided_slice %get3A_354 {offsets = [5], sizes = [1], strides = [1]} : vector<16xi32> to vector<1xi32>
        %squeeze3A_464 = vector.extract %slice3A_463[0] : i32 from vector<1xi32>
        %broadcast_in_dim3A_465 = vector.broadcast %squeeze3A_464 : i32 to vector<16xi32>
        %shift_right_logical3A_466 = arith.shrui %broadcast_in_dim3A_465, %iota3A : vector<16xi32>
        %and3A_467 = arith.constant 1 : i32
        %and3A_468 = vector.broadcast %and3A_467 : i32 to vector<16xi32>
        %and3A_469 = arith.andi %shift_right_logical3A_466, %and3A_468 : vector<16xi32>
        %ne3A_470 = arith.constant 0 : i32
        %ne3A_471 = vector.broadcast %ne3A_470 : i32 to vector<16xi32>
        %ne3A_472 = arith.cmpi ne, %and3A_469, %ne3A_471 : vector<16xi32>
        %add3A_473 = arith.constant 5 : i32
        %add3A_474 = arith.addi %while3A_350, %add3A_473 : i32
        %mul3A_475 = arith.constant 16 : i32
        %mul3A_476 = arith.muli %add3A_474, %mul3A_475 : i32
        %add3A_477 = vector.broadcast %mul3A_476 : i32 to vector<16xi32>
        %add3A_478 = arith.addi %add3A_477, %iota3A : vector<16xi32>
        %swap3A_479 = arith.index_cast %add3A_462 : i32 to index
        %swap3A_480 = tpu.vector_load %arg9[%swap3A_479] masked %ne3A_472 {strides = array<i32>} : memref<304xi32, #tpu.memory_space<vmem>>, vector<16xi32>, vector<16xi1>
        tpu.vector_store %arg9[%swap3A_479], %add3A_478 masked %ne3A_472 {strides = array<i32>} : memref<304xi32, #tpu.memory_space<vmem>>, vector<16xi32>, vector<16xi1>
        %all_reduce_population_count3A_481 = tpu.all_reduce %ne3A_472 {dim = 0 : i64, kind = #tpu.reduction_kind<sum>} : vector<16xi1> -> vector<16xi32>
        %slice3A_482 = vector.extract_strided_slice %all_reduce_population_count3A_481 {offsets = [0], sizes = [1], strides = [1]} : vector<16xi32> to vector<1xi32>
        %squeeze3A_483 = vector.extract %slice3A_482[0] : i32 from vector<1xi32>
        %add3A_484 = arith.addi %add3A_462, %squeeze3A_483 : i32
        %slice3A_485 = vector.extract_strided_slice %get3A_354 {offsets = [6], sizes = [1], strides = [1]} : vector<16xi32> to vector<1xi32>
        %squeeze3A_486 = vector.extract %slice3A_485[0] : i32 from vector<1xi32>
        %broadcast_in_dim3A_487 = vector.broadcast %squeeze3A_486 : i32 to vector<16xi32>
        %shift_right_logical3A_488 = arith.shrui %broadcast_in_dim3A_487, %iota3A : vector<16xi32>
        %and3A_489 = arith.constant 1 : i32
        %and3A_490 = vector.broadcast %and3A_489 : i32 to vector<16xi32>
        %and3A_491 = arith.andi %shift_right_logical3A_488, %and3A_490 : vector<16xi32>
        %ne3A_492 = arith.constant 0 : i32
        %ne3A_493 = vector.broadcast %ne3A_492 : i32 to vector<16xi32>
        %ne3A_494 = arith.cmpi ne, %and3A_491, %ne3A_493 : vector<16xi32>
        %add3A_495 = arith.constant 6 : i32
        %add3A_496 = arith.addi %while3A_350, %add3A_495 : i32
        %mul3A_497 = arith.constant 16 : i32
        %mul3A_498 = arith.muli %add3A_496, %mul3A_497 : i32
        %add3A_499 = vector.broadcast %mul3A_498 : i32 to vector<16xi32>
        %add3A_500 = arith.addi %add3A_499, %iota3A : vector<16xi32>
        %swap3A_501 = arith.index_cast %add3A_484 : i32 to index
        %swap3A_502 = tpu.vector_load %arg9[%swap3A_501] masked %ne3A_494 {strides = array<i32>} : memref<304xi32, #tpu.memory_space<vmem>>, vector<16xi32>, vector<16xi1>
        tpu.vector_store %arg9[%swap3A_501], %add3A_500 masked %ne3A_494 {strides = array<i32>} : memref<304xi32, #tpu.memory_space<vmem>>, vector<16xi32>, vector<16xi1>
        %all_reduce_population_count3A_503 = tpu.all_reduce %ne3A_494 {dim = 0 : i64, kind = #tpu.reduction_kind<sum>} : vector<16xi1> -> vector<16xi32>
        %slice3A_504 = vector.extract_strided_slice %all_reduce_population_count3A_503 {offsets = [0], sizes = [1], strides = [1]} : vector<16xi32> to vector<1xi32>
        %squeeze3A_505 = vector.extract %slice3A_504[0] : i32 from vector<1xi32>
        %add3A_506 = arith.addi %add3A_484, %squeeze3A_505 : i32
        %slice3A_507 = vector.extract_strided_slice %get3A_354 {offsets = [7], sizes = [1], strides = [1]} : vector<16xi32> to vector<1xi32>
        %squeeze3A_508 = vector.extract %slice3A_507[0] : i32 from vector<1xi32>
        %broadcast_in_dim3A_509 = vector.broadcast %squeeze3A_508 : i32 to vector<16xi32>
        %shift_right_logical3A_510 = arith.shrui %broadcast_in_dim3A_509, %iota3A : vector<16xi32>
        %and3A_511 = arith.constant 1 : i32
        %and3A_512 = vector.broadcast %and3A_511 : i32 to vector<16xi32>
        %and3A_513 = arith.andi %shift_right_logical3A_510, %and3A_512 : vector<16xi32>
        %ne3A_514 = arith.constant 0 : i32
        %ne3A_515 = vector.broadcast %ne3A_514 : i32 to vector<16xi32>
        %ne3A_516 = arith.cmpi ne, %and3A_513, %ne3A_515 : vector<16xi32>
        %add3A_517 = arith.constant 7 : i32
        %add3A_518 = arith.addi %while3A_350, %add3A_517 : i32
        %mul3A_519 = arith.constant 16 : i32
        %mul3A_520 = arith.muli %add3A_518, %mul3A_519 : i32
        %add3A_521 = vector.broadcast %mul3A_520 : i32 to vector<16xi32>
        %add3A_522 = arith.addi %add3A_521, %iota3A : vector<16xi32>
        %swap3A_523 = arith.index_cast %add3A_506 : i32 to index
        %swap3A_524 = tpu.vector_load %arg9[%swap3A_523] masked %ne3A_516 {strides = array<i32>} : memref<304xi32, #tpu.memory_space<vmem>>, vector<16xi32>, vector<16xi1>
        tpu.vector_store %arg9[%swap3A_523], %add3A_522 masked %ne3A_516 {strides = array<i32>} : memref<304xi32, #tpu.memory_space<vmem>>, vector<16xi32>, vector<16xi1>
        %all_reduce_population_count3A_525 = tpu.all_reduce %ne3A_516 {dim = 0 : i64, kind = #tpu.reduction_kind<sum>} : vector<16xi1> -> vector<16xi32>
        %slice3A_526 = vector.extract_strided_slice %all_reduce_population_count3A_525 {offsets = [0], sizes = [1], strides = [1]} : vector<16xi32> to vector<1xi32>
        %squeeze3A_527 = vector.extract %slice3A_526[0] : i32 from vector<1xi32>
        %add3A_528 = arith.addi %add3A_506, %squeeze3A_527 : i32
        %slice3A_529 = vector.extract_strided_slice %get3A_354 {offsets = [8], sizes = [1], strides = [1]} : vector<16xi32> to vector<1xi32>
        %squeeze3A_530 = vector.extract %slice3A_529[0] : i32 from vector<1xi32>
        %broadcast_in_dim3A_531 = vector.broadcast %squeeze3A_530 : i32 to vector<16xi32>
        %shift_right_logical3A_532 = arith.shrui %broadcast_in_dim3A_531, %iota3A : vector<16xi32>
        %and3A_533 = arith.constant 1 : i32
        %and3A_534 = vector.broadcast %and3A_533 : i32 to vector<16xi32>
        %and3A_535 = arith.andi %shift_right_logical3A_532, %and3A_534 : vector<16xi32>
        %ne3A_536 = arith.constant 0 : i32
        %ne3A_537 = vector.broadcast %ne3A_536 : i32 to vector<16xi32>
        %ne3A_538 = arith.cmpi ne, %and3A_535, %ne3A_537 : vector<16xi32>
        %add3A_539 = arith.constant 8 : i32
        %add3A_540 = arith.addi %while3A_350, %add3A_539 : i32
        %mul3A_541 = arith.constant 16 : i32
        %mul3A_542 = arith.muli %add3A_540, %mul3A_541 : i32
        %add3A_543 = vector.broadcast %mul3A_542 : i32 to vector<16xi32>
        %add3A_544 = arith.addi %add3A_543, %iota3A : vector<16xi32>
        %swap3A_545 = arith.index_cast %add3A_528 : i32 to index
        %swap3A_546 = tpu.vector_load %arg9[%swap3A_545] masked %ne3A_538 {strides = array<i32>} : memref<304xi32, #tpu.memory_space<vmem>>, vector<16xi32>, vector<16xi1>
        tpu.vector_store %arg9[%swap3A_545], %add3A_544 masked %ne3A_538 {strides = array<i32>} : memref<304xi32, #tpu.memory_space<vmem>>, vector<16xi32>, vector<16xi1>
        %all_reduce_population_count3A_547 = tpu.all_reduce %ne3A_538 {dim = 0 : i64, kind = #tpu.reduction_kind<sum>} : vector<16xi1> -> vector<16xi32>
        %slice3A_548 = vector.extract_strided_slice %all_reduce_population_count3A_547 {offsets = [0], sizes = [1], strides = [1]} : vector<16xi32> to vector<1xi32>
        %squeeze3A_549 = vector.extract %slice3A_548[0] : i32 from vector<1xi32>
        %add3A_550 = arith.addi %add3A_528, %squeeze3A_549 : i32
        %slice3A_551 = vector.extract_strided_slice %get3A_354 {offsets = [9], sizes = [1], strides = [1]} : vector<16xi32> to vector<1xi32>
        %squeeze3A_552 = vector.extract %slice3A_551[0] : i32 from vector<1xi32>
        %broadcast_in_dim3A_553 = vector.broadcast %squeeze3A_552 : i32 to vector<16xi32>
        %shift_right_logical3A_554 = arith.shrui %broadcast_in_dim3A_553, %iota3A : vector<16xi32>
        %and3A_555 = arith.constant 1 : i32
        %and3A_556 = vector.broadcast %and3A_555 : i32 to vector<16xi32>
        %and3A_557 = arith.andi %shift_right_logical3A_554, %and3A_556 : vector<16xi32>
        %ne3A_558 = arith.constant 0 : i32
        %ne3A_559 = vector.broadcast %ne3A_558 : i32 to vector<16xi32>
        %ne3A_560 = arith.cmpi ne, %and3A_557, %ne3A_559 : vector<16xi32>
        %add3A_561 = arith.constant 9 : i32
        %add3A_562 = arith.addi %while3A_350, %add3A_561 : i32
        %mul3A_563 = arith.constant 16 : i32
        %mul3A_564 = arith.muli %add3A_562, %mul3A_563 : i32
        %add3A_565 = vector.broadcast %mul3A_564 : i32 to vector<16xi32>
        %add3A_566 = arith.addi %add3A_565, %iota3A : vector<16xi32>
        %swap3A_567 = arith.index_cast %add3A_550 : i32 to index
        %swap3A_568 = tpu.vector_load %arg9[%swap3A_567] masked %ne3A_560 {strides = array<i32>} : memref<304xi32, #tpu.memory_space<vmem>>, vector<16xi32>, vector<16xi1>
        tpu.vector_store %arg9[%swap3A_567], %add3A_566 masked %ne3A_560 {strides = array<i32>} : memref<304xi32, #tpu.memory_space<vmem>>, vector<16xi32>, vector<16xi1>
        %all_reduce_population_count3A_569 = tpu.all_reduce %ne3A_560 {dim = 0 : i64, kind = #tpu.reduction_kind<sum>} : vector<16xi1> -> vector<16xi32>
        %slice3A_570 = vector.extract_strided_slice %all_reduce_population_count3A_569 {offsets = [0], sizes = [1], strides = [1]} : vector<16xi32> to vector<1xi32>
        %squeeze3A_571 = vector.extract %slice3A_570[0] : i32 from vector<1xi32>
        %add3A_572 = arith.addi %add3A_550, %squeeze3A_571 : i32
        %slice3A_573 = vector.extract_strided_slice %get3A_354 {offsets = [10], sizes = [1], strides = [1]} : vector<16xi32> to vector<1xi32>
        %squeeze3A_574 = vector.extract %slice3A_573[0] : i32 from vector<1xi32>
        %broadcast_in_dim3A_575 = vector.broadcast %squeeze3A_574 : i32 to vector<16xi32>
        %shift_right_logical3A_576 = arith.shrui %broadcast_in_dim3A_575, %iota3A : vector<16xi32>
        %and3A_577 = arith.constant 1 : i32
        %and3A_578 = vector.broadcast %and3A_577 : i32 to vector<16xi32>
        %and3A_579 = arith.andi %shift_right_logical3A_576, %and3A_578 : vector<16xi32>
        %ne3A_580 = arith.constant 0 : i32
        %ne3A_581 = vector.broadcast %ne3A_580 : i32 to vector<16xi32>
        %ne3A_582 = arith.cmpi ne, %and3A_579, %ne3A_581 : vector<16xi32>
        %add3A_583 = arith.constant 10 : i32
        %add3A_584 = arith.addi %while3A_350, %add3A_583 : i32
        %mul3A_585 = arith.constant 16 : i32
        %mul3A_586 = arith.muli %add3A_584, %mul3A_585 : i32
        %add3A_587 = vector.broadcast %mul3A_586 : i32 to vector<16xi32>
        %add3A_588 = arith.addi %add3A_587, %iota3A : vector<16xi32>
        %swap3A_589 = arith.index_cast %add3A_572 : i32 to index
        %swap3A_590 = tpu.vector_load %arg9[%swap3A_589] masked %ne3A_582 {strides = array<i32>} : memref<304xi32, #tpu.memory_space<vmem>>, vector<16xi32>, vector<16xi1>
        tpu.vector_store %arg9[%swap3A_589], %add3A_588 masked %ne3A_582 {strides = array<i32>} : memref<304xi32, #tpu.memory_space<vmem>>, vector<16xi32>, vector<16xi1>
        %all_reduce_population_count3A_591 = tpu.all_reduce %ne3A_582 {dim = 0 : i64, kind = #tpu.reduction_kind<sum>} : vector<16xi1> -> vector<16xi32>
        %slice3A_592 = vector.extract_strided_slice %all_reduce_population_count3A_591 {offsets = [0], sizes = [1], strides = [1]} : vector<16xi32> to vector<1xi32>
        %squeeze3A_593 = vector.extract %slice3A_592[0] : i32 from vector<1xi32>
        %add3A_594 = arith.addi %add3A_572, %squeeze3A_593 : i32
        %slice3A_595 = vector.extract_strided_slice %get3A_354 {offsets = [11], sizes = [1], strides = [1]} : vector<16xi32> to vector<1xi32>
        %squeeze3A_596 = vector.extract %slice3A_595[0] : i32 from vector<1xi32>
        %broadcast_in_dim3A_597 = vector.broadcast %squeeze3A_596 : i32 to vector<16xi32>
        %shift_right_logical3A_598 = arith.shrui %broadcast_in_dim3A_597, %iota3A : vector<16xi32>
        %and3A_599 = arith.constant 1 : i32
        %and3A_600 = vector.broadcast %and3A_599 : i32 to vector<16xi32>
        %and3A_601 = arith.andi %shift_right_logical3A_598, %and3A_600 : vector<16xi32>
        %ne3A_602 = arith.constant 0 : i32
        %ne3A_603 = vector.broadcast %ne3A_602 : i32 to vector<16xi32>
        %ne3A_604 = arith.cmpi ne, %and3A_601, %ne3A_603 : vector<16xi32>
        %add3A_605 = arith.constant 11 : i32
        %add3A_606 = arith.addi %while3A_350, %add3A_605 : i32
        %mul3A_607 = arith.constant 16 : i32
        %mul3A_608 = arith.muli %add3A_606, %mul3A_607 : i32
        %add3A_609 = vector.broadcast %mul3A_608 : i32 to vector<16xi32>
        %add3A_610 = arith.addi %add3A_609, %iota3A : vector<16xi32>
        %swap3A_611 = arith.index_cast %add3A_594 : i32 to index
        %swap3A_612 = tpu.vector_load %arg9[%swap3A_611] masked %ne3A_604 {strides = array<i32>} : memref<304xi32, #tpu.memory_space<vmem>>, vector<16xi32>, vector<16xi1>
        tpu.vector_store %arg9[%swap3A_611], %add3A_610 masked %ne3A_604 {strides = array<i32>} : memref<304xi32, #tpu.memory_space<vmem>>, vector<16xi32>, vector<16xi1>
        %all_reduce_population_count3A_613 = tpu.all_reduce %ne3A_604 {dim = 0 : i64, kind = #tpu.reduction_kind<sum>} : vector<16xi1> -> vector<16xi32>
        %slice3A_614 = vector.extract_strided_slice %all_reduce_population_count3A_613 {offsets = [0], sizes = [1], strides = [1]} : vector<16xi32> to vector<1xi32>
        %squeeze3A_615 = vector.extract %slice3A_614[0] : i32 from vector<1xi32>
        %add3A_616 = arith.addi %add3A_594, %squeeze3A_615 : i32
        %slice3A_617 = vector.extract_strided_slice %get3A_354 {offsets = [12], sizes = [1], strides = [1]} : vector<16xi32> to vector<1xi32>
        %squeeze3A_618 = vector.extract %slice3A_617[0] : i32 from vector<1xi32>
        %broadcast_in_dim3A_619 = vector.broadcast %squeeze3A_618 : i32 to vector<16xi32>
        %shift_right_logical3A_620 = arith.shrui %broadcast_in_dim3A_619, %iota3A : vector<16xi32>
        %and3A_621 = arith.constant 1 : i32
        %and3A_622 = vector.broadcast %and3A_621 : i32 to vector<16xi32>
        %and3A_623 = arith.andi %shift_right_logical3A_620, %and3A_622 : vector<16xi32>
        %ne3A_624 = arith.constant 0 : i32
        %ne3A_625 = vector.broadcast %ne3A_624 : i32 to vector<16xi32>
        %ne3A_626 = arith.cmpi ne, %and3A_623, %ne3A_625 : vector<16xi32>
        %add3A_627 = arith.constant 12 : i32
        %add3A_628 = arith.addi %while3A_350, %add3A_627 : i32
        %mul3A_629 = arith.constant 16 : i32
        %mul3A_630 = arith.muli %add3A_628, %mul3A_629 : i32
        %add3A_631 = vector.broadcast %mul3A_630 : i32 to vector<16xi32>
        %add3A_632 = arith.addi %add3A_631, %iota3A : vector<16xi32>
        %swap3A_633 = arith.index_cast %add3A_616 : i32 to index
        %swap3A_634 = tpu.vector_load %arg9[%swap3A_633] masked %ne3A_626 {strides = array<i32>} : memref<304xi32, #tpu.memory_space<vmem>>, vector<16xi32>, vector<16xi1>
        tpu.vector_store %arg9[%swap3A_633], %add3A_632 masked %ne3A_626 {strides = array<i32>} : memref<304xi32, #tpu.memory_space<vmem>>, vector<16xi32>, vector<16xi1>
        %all_reduce_population_count3A_635 = tpu.all_reduce %ne3A_626 {dim = 0 : i64, kind = #tpu.reduction_kind<sum>} : vector<16xi1> -> vector<16xi32>
        %slice3A_636 = vector.extract_strided_slice %all_reduce_population_count3A_635 {offsets = [0], sizes = [1], strides = [1]} : vector<16xi32> to vector<1xi32>
        %squeeze3A_637 = vector.extract %slice3A_636[0] : i32 from vector<1xi32>
        %add3A_638 = arith.addi %add3A_616, %squeeze3A_637 : i32
        %slice3A_639 = vector.extract_strided_slice %get3A_354 {offsets = [13], sizes = [1], strides = [1]} : vector<16xi32> to vector<1xi32>
        %squeeze3A_640 = vector.extract %slice3A_639[0] : i32 from vector<1xi32>
        %broadcast_in_dim3A_641 = vector.broadcast %squeeze3A_640 : i32 to vector<16xi32>
        %shift_right_logical3A_642 = arith.shrui %broadcast_in_dim3A_641, %iota3A : vector<16xi32>
        %and3A_643 = arith.constant 1 : i32
        %and3A_644 = vector.broadcast %and3A_643 : i32 to vector<16xi32>
        %and3A_645 = arith.andi %shift_right_logical3A_642, %and3A_644 : vector<16xi32>
        %ne3A_646 = arith.constant 0 : i32
        %ne3A_647 = vector.broadcast %ne3A_646 : i32 to vector<16xi32>
        %ne3A_648 = arith.cmpi ne, %and3A_645, %ne3A_647 : vector<16xi32>
        %add3A_649 = arith.constant 13 : i32
        %add3A_650 = arith.addi %while3A_350, %add3A_649 : i32
        %mul3A_651 = arith.constant 16 : i32
        %mul3A_652 = arith.muli %add3A_650, %mul3A_651 : i32
        %add3A_653 = vector.broadcast %mul3A_652 : i32 to vector<16xi32>
        %add3A_654 = arith.addi %add3A_653, %iota3A : vector<16xi32>
        %swap3A_655 = arith.index_cast %add3A_638 : i32 to index
        %swap3A_656 = tpu.vector_load %arg9[%swap3A_655] masked %ne3A_648 {strides = array<i32>} : memref<304xi32, #tpu.memory_space<vmem>>, vector<16xi32>, vector<16xi1>
        tpu.vector_store %arg9[%swap3A_655], %add3A_654 masked %ne3A_648 {strides = array<i32>} : memref<304xi32, #tpu.memory_space<vmem>>, vector<16xi32>, vector<16xi1>
        %all_reduce_population_count3A_657 = tpu.all_reduce %ne3A_648 {dim = 0 : i64, kind = #tpu.reduction_kind<sum>} : vector<16xi1> -> vector<16xi32>
        %slice3A_658 = vector.extract_strided_slice %all_reduce_population_count3A_657 {offsets = [0], sizes = [1], strides = [1]} : vector<16xi32> to vector<1xi32>
        %squeeze3A_659 = vector.extract %slice3A_658[0] : i32 from vector<1xi32>
        %add3A_660 = arith.addi %add3A_638, %squeeze3A_659 : i32
        %slice3A_661 = vector.extract_strided_slice %get3A_354 {offsets = [14], sizes = [1], strides = [1]} : vector<16xi32> to vector<1xi32>
        %squeeze3A_662 = vector.extract %slice3A_661[0] : i32 from vector<1xi32>
        %broadcast_in_dim3A_663 = vector.broadcast %squeeze3A_662 : i32 to vector<16xi32>
        %shift_right_logical3A_664 = arith.shrui %broadcast_in_dim3A_663, %iota3A : vector<16xi32>
        %and3A_665 = arith.constant 1 : i32
        %and3A_666 = vector.broadcast %and3A_665 : i32 to vector<16xi32>
        %and3A_667 = arith.andi %shift_right_logical3A_664, %and3A_666 : vector<16xi32>
        %ne3A_668 = arith.constant 0 : i32
        %ne3A_669 = vector.broadcast %ne3A_668 : i32 to vector<16xi32>
        %ne3A_670 = arith.cmpi ne, %and3A_667, %ne3A_669 : vector<16xi32>
        %add3A_671 = arith.constant 14 : i32
        %add3A_672 = arith.addi %while3A_350, %add3A_671 : i32
        %mul3A_673 = arith.constant 16 : i32
        %mul3A_674 = arith.muli %add3A_672, %mul3A_673 : i32
        %add3A_675 = vector.broadcast %mul3A_674 : i32 to vector<16xi32>
        %add3A_676 = arith.addi %add3A_675, %iota3A : vector<16xi32>
        %swap3A_677 = arith.index_cast %add3A_660 : i32 to index
        %swap3A_678 = tpu.vector_load %arg9[%swap3A_677] masked %ne3A_670 {strides = array<i32>} : memref<304xi32, #tpu.memory_space<vmem>>, vector<16xi32>, vector<16xi1>
        tpu.vector_store %arg9[%swap3A_677], %add3A_676 masked %ne3A_670 {strides = array<i32>} : memref<304xi32, #tpu.memory_space<vmem>>, vector<16xi32>, vector<16xi1>
        %all_reduce_population_count3A_679 = tpu.all_reduce %ne3A_670 {dim = 0 : i64, kind = #tpu.reduction_kind<sum>} : vector<16xi1> -> vector<16xi32>
        %slice3A_680 = vector.extract_strided_slice %all_reduce_population_count3A_679 {offsets = [0], sizes = [1], strides = [1]} : vector<16xi32> to vector<1xi32>
        %squeeze3A_681 = vector.extract %slice3A_680[0] : i32 from vector<1xi32>
        %add3A_682 = arith.addi %add3A_660, %squeeze3A_681 : i32
        %slice3A_683 = vector.extract_strided_slice %get3A_354 {offsets = [15], sizes = [1], strides = [1]} : vector<16xi32> to vector<1xi32>
        %squeeze3A_684 = vector.extract %slice3A_683[0] : i32 from vector<1xi32>
        %broadcast_in_dim3A_685 = vector.broadcast %squeeze3A_684 : i32 to vector<16xi32>
        %shift_right_logical3A_686 = arith.shrui %broadcast_in_dim3A_685, %iota3A : vector<16xi32>
        %and3A_687 = arith.constant 1 : i32
        %and3A_688 = vector.broadcast %and3A_687 : i32 to vector<16xi32>
        %and3A_689 = arith.andi %shift_right_logical3A_686, %and3A_688 : vector<16xi32>
        %ne3A_690 = arith.constant 0 : i32
        %ne3A_691 = vector.broadcast %ne3A_690 : i32 to vector<16xi32>
        %ne3A_692 = arith.cmpi ne, %and3A_689, %ne3A_691 : vector<16xi32>
        %add3A_693 = arith.constant 15 : i32
        %add3A_694 = arith.addi %while3A_350, %add3A_693 : i32
        %mul3A_695 = arith.constant 16 : i32
        %mul3A_696 = arith.muli %add3A_694, %mul3A_695 : i32
        %add3A_697 = vector.broadcast %mul3A_696 : i32 to vector<16xi32>
        %add3A_698 = arith.addi %add3A_697, %iota3A : vector<16xi32>
        %swap3A_699 = arith.index_cast %add3A_682 : i32 to index
        %swap3A_700 = tpu.vector_load %arg9[%swap3A_699] masked %ne3A_692 {strides = array<i32>} : memref<304xi32, #tpu.memory_space<vmem>>, vector<16xi32>, vector<16xi1>
        tpu.vector_store %arg9[%swap3A_699], %add3A_698 masked %ne3A_692 {strides = array<i32>} : memref<304xi32, #tpu.memory_space<vmem>>, vector<16xi32>, vector<16xi1>
        %all_reduce_population_count3A_701 = tpu.all_reduce %ne3A_692 {dim = 0 : i64, kind = #tpu.reduction_kind<sum>} : vector<16xi1> -> vector<16xi32>
        %slice3A_702 = vector.extract_strided_slice %all_reduce_population_count3A_701 {offsets = [0], sizes = [1], strides = [1]} : vector<16xi32> to vector<1xi32>
        %squeeze3A_703 = vector.extract %slice3A_702[0] : i32 from vector<1xi32>
        %add3A_704 = arith.addi %add3A_682, %squeeze3A_703 : i32
        %add3A_705 = arith.constant 16 : i32
        %add3A_706 = arith.addi %while3A_350, %add3A_705 : i32
        scf.yield %add3A_706, %add3A_704 : i32, i32
      }
      %get3A = arith.constant 0 : index
      %get3A_152 = tpu.vector_load %arg9[%get3A] {strides = array<i32>} : memref<304xi32, #tpu.memory_space<vmem>>, vector<16xi32>,
      %get3A_153 = arith.constant 16 : index
      %get3A_154 = tpu.vector_load %arg9[%get3A_153] {strides = array<i32>} : memref<304xi32, #tpu.memory_space<vmem>>, vector<16xi32>,
      %broadcast_in_dim3A_155 = vector.broadcast %while3A_151#1 : i32 to vector<16xi32>
      %slice3A = vector.extract_strided_slice %get3A_152 {offsets = [0], sizes = [1], strides = [1]} : vector<16xi32> to vector<1xi32>
      %squeeze3A = vector.extract %slice3A[0] : i32 from vector<1xi32>
      %broadcast_in_dim3A_156 = vector.broadcast %squeeze3A : i32 to vector<16xi32>
      %lt3A_157 = arith.cmpi slt, %iota3A, %broadcast_in_dim3A_155 : vector<16xi32>
      %select_n3A_158 = arith.select %lt3A_157, %get3A_152, %broadcast_in_dim3A_156 : vector<16xi1>, vector<16xi32>
      %add3A_159 = arith.constant 16 : i32
      %add3A_160 = vector.broadcast %add3A_159 : i32 to vector<16xi32>
      %add3A_161 = arith.addi %iota3A, %add3A_160 : vector<16xi32>
      %lt3A_162 = arith.cmpi slt, %add3A_161, %broadcast_in_dim3A_155 : vector<16xi32>
      %select_n3A_163 = arith.select %lt3A_162, %get3A_154, %broadcast_in_dim3A_156 : vector<16xi1>, vector<16xi32>
      %add3A_164 = vector.broadcast %mul3A_20 : i32 to vector<16xi32>
      %add3A_165 = arith.addi %select_n3A_158, %add3A_164 : vector<16xi32>
      %dma_start3A_166 = arith.constant 0 : i32
      %dma_start3A_167 = arith.constant 0 : i32
      %dma_start3A_168 = tpu.memref_slice %arg10[%dma_start3A_166, %dma_start3A_167] : memref<64x128xf32, #tpu.memory_space<vmem>> -> memref<16x128xf32, #tpu.memory_space<vmem>>
      %dma_start3A_169 = arith.constant 0 : i32
      %dma_start3A_170 = arith.constant 0 : i32
      %dma_start3A_171 = tpu.memref_slice %arg3[%dma_start3A_169, %dma_start3A_170] : memref<16384x128xf32, #tpu.memory_space<hbm>> -> memref<16384x128xf32, #tpu.memory_space<hbm>>
      tpu.enqueue_indirect_dma source(%dma_start3A_171 : memref<16384x128xf32, #tpu.memory_space<hbm>>) target(%dma_start3A_168 : memref<16x128xf32, #tpu.memory_space<vmem>>) offsets(%add3A_165 : vector<16xi32>) semaphore(%arg16 : memref<!tpu.dma_semaphore, #tpu.memory_space<semaphore_mem>>)
      %add3A_172 = vector.broadcast %mul3A_20 : i32 to vector<16xi32>
      %add3A_173 = arith.addi %select_n3A_163, %add3A_172 : vector<16xi32>
      %dma_start3A_174 = arith.constant 16 : i32
      %dma_start3A_175 = arith.constant 0 : i32
      %dma_start3A_176 = tpu.memref_slice %arg10[%dma_start3A_174, %dma_start3A_175] : memref<64x128xf32, #tpu.memory_space<vmem>> -> memref<16x128xf32, #tpu.memory_space<vmem>>
      %dma_start3A_177 = arith.constant 0 : i32
      %dma_start3A_178 = arith.constant 0 : i32
      %dma_start3A_179 = tpu.memref_slice %arg3[%dma_start3A_177, %dma_start3A_178] : memref<16384x128xf32, #tpu.memory_space<hbm>> -> memref<16384x128xf32, #tpu.memory_space<hbm>>
      tpu.enqueue_indirect_dma source(%dma_start3A_179 : memref<16384x128xf32, #tpu.memory_space<hbm>>) target(%dma_start3A_176 : memref<16x128xf32, #tpu.memory_space<vmem>>) offsets(%add3A_173 : vector<16xi32>) semaphore(%arg16 : memref<!tpu.dma_semaphore, #tpu.memory_space<semaphore_mem>>)
      %add3A_180 = arith.constant 1 : i32
      %add3A_181 = arith.addi %mul3A_145, %add3A_180 : i32
      %broadcast_in_dim3A_182 = arith.constant 0 : i32
      %broadcast_in_dim3A_183 = vector.broadcast %broadcast_in_dim3A_182 : i32 to vector<16xi32>
      %swap3A_184 = arith.constant 0 : index
      %swap3A_185 = tpu.vector_load %arg9[%swap3A_184] {strides = array<i32>} : memref<304xi32, #tpu.memory_space<vmem>>, vector<16xi32>,
      tpu.vector_store %arg9[%swap3A_184], %broadcast_in_dim3A_183 {strides = array<i32>} : memref<304xi32, #tpu.memory_space<vmem>>, vector<16xi32>,
      %swap3A_186 = arith.constant 16 : index
      %swap3A_187 = tpu.vector_load %arg9[%swap3A_186] {strides = array<i32>} : memref<304xi32, #tpu.memory_space<vmem>>, vector<16xi32>,
      tpu.vector_store %arg9[%swap3A_186], %broadcast_in_dim3A_183 {strides = array<i32>} : memref<304xi32, #tpu.memory_space<vmem>>, vector<16xi32>,
      %while3A_188 = arith.constant 0 : i32
      %while3A_189 = arith.constant 0 : i32
      %while3A_190:2 = scf.while (%while3A_350 = %while3A_188, %while3A_351 = %while3A_189) : (i32, i32) -> (i32, i32) {
        %lt3A_352 = arith.constant 32 : i32
        %lt3A_353 = arith.cmpi slt, %while3A_351, %lt3A_352 : i32
        %lt3A_354 = arith.constant 512 : i32
        %lt3A_355 = arith.cmpi slt, %while3A_350, %lt3A_354 : i32
        %and3A_356 = arith.andi %lt3A_353, %lt3A_355 : i1
        scf.condition(%and3A_356) %while3A_350, %while3A_351 : i32, i32
      } do {
      ^bb0(%while3A_350: i32, %while3A_351: i32):
        %get3A_352 = arith.index_cast %add3A_181 : i32 to index
        %get3A_353 = arith.index_cast %while3A_350 : i32 to index
        %get3A_354 = tpu.vector_load %arg7[%get3A_352, %get3A_353] {strides = array<i32>} : memref<4x512xi32, #tpu.memory_space<vmem>>, vector<16xi32>,
        %slice3A_355 = vector.extract_strided_slice %get3A_354 {offsets = [0], sizes = [1], strides = [1]} : vector<16xi32> to vector<1xi32>
        %squeeze3A_356 = vector.extract %slice3A_355[0] : i32 from vector<1xi32>
        %broadcast_in_dim3A_357 = vector.broadcast %squeeze3A_356 : i32 to vector<16xi32>
        %shift_right_logical3A = arith.shrui %broadcast_in_dim3A_357, %iota3A : vector<16xi32>
        %and3A_358 = arith.constant 1 : i32
        %and3A_359 = vector.broadcast %and3A_358 : i32 to vector<16xi32>
        %and3A_360 = arith.andi %shift_right_logical3A, %and3A_359 : vector<16xi32>
        %ne3A_361 = arith.constant 0 : i32
        %ne3A_362 = vector.broadcast %ne3A_361 : i32 to vector<16xi32>
        %ne3A_363 = arith.cmpi ne, %and3A_360, %ne3A_362 : vector<16xi32>
        %add3A_364 = arith.constant 0 : i32
        %add3A_365 = arith.addi %while3A_350, %add3A_364 : i32
        %mul3A_366 = arith.constant 16 : i32
        %mul3A_367 = arith.muli %add3A_365, %mul3A_366 : i32
        %add3A_368 = vector.broadcast %mul3A_367 : i32 to vector<16xi32>
        %add3A_369 = arith.addi %add3A_368, %iota3A : vector<16xi32>
        %swap3A_370 = arith.index_cast %while3A_351 : i32 to index
        %swap3A_371 = tpu.vector_load %arg9[%swap3A_370] masked %ne3A_363 {strides = array<i32>} : memref<304xi32, #tpu.memory_space<vmem>>, vector<16xi32>, vector<16xi1>
        tpu.vector_store %arg9[%swap3A_370], %add3A_369 masked %ne3A_363 {strides = array<i32>} : memref<304xi32, #tpu.memory_space<vmem>>, vector<16xi32>, vector<16xi1>
        %all_reduce_population_count3A = tpu.all_reduce %ne3A_363 {dim = 0 : i64, kind = #tpu.reduction_kind<sum>} : vector<16xi1> -> vector<16xi32>
        %slice3A_372 = vector.extract_strided_slice %all_reduce_population_count3A {offsets = [0], sizes = [1], strides = [1]} : vector<16xi32> to vector<1xi32>
        %squeeze3A_373 = vector.extract %slice3A_372[0] : i32 from vector<1xi32>
        %add3A_374 = arith.addi %while3A_351, %squeeze3A_373 : i32
        %slice3A_375 = vector.extract_strided_slice %get3A_354 {offsets = [1], sizes = [1], strides = [1]} : vector<16xi32> to vector<1xi32>
        %squeeze3A_376 = vector.extract %slice3A_375[0] : i32 from vector<1xi32>
        %broadcast_in_dim3A_377 = vector.broadcast %squeeze3A_376 : i32 to vector<16xi32>
        %shift_right_logical3A_378 = arith.shrui %broadcast_in_dim3A_377, %iota3A : vector<16xi32>
        %and3A_379 = arith.constant 1 : i32
        %and3A_380 = vector.broadcast %and3A_379 : i32 to vector<16xi32>
        %and3A_381 = arith.andi %shift_right_logical3A_378, %and3A_380 : vector<16xi32>
        %ne3A_382 = arith.constant 0 : i32
        %ne3A_383 = vector.broadcast %ne3A_382 : i32 to vector<16xi32>
        %ne3A_384 = arith.cmpi ne, %and3A_381, %ne3A_383 : vector<16xi32>
        %add3A_385 = arith.constant 1 : i32
        %add3A_386 = arith.addi %while3A_350, %add3A_385 : i32
        %mul3A_387 = arith.constant 16 : i32
        %mul3A_388 = arith.muli %add3A_386, %mul3A_387 : i32
        %add3A_389 = vector.broadcast %mul3A_388 : i32 to vector<16xi32>
        %add3A_390 = arith.addi %add3A_389, %iota3A : vector<16xi32>
        %swap3A_391 = arith.index_cast %add3A_374 : i32 to index
        %swap3A_392 = tpu.vector_load %arg9[%swap3A_391] masked %ne3A_384 {strides = array<i32>} : memref<304xi32, #tpu.memory_space<vmem>>, vector<16xi32>, vector<16xi1>
        tpu.vector_store %arg9[%swap3A_391], %add3A_390 masked %ne3A_384 {strides = array<i32>} : memref<304xi32, #tpu.memory_space<vmem>>, vector<16xi32>, vector<16xi1>
        %all_reduce_population_count3A_393 = tpu.all_reduce %ne3A_384 {dim = 0 : i64, kind = #tpu.reduction_kind<sum>} : vector<16xi1> -> vector<16xi32>
        %slice3A_394 = vector.extract_strided_slice %all_reduce_population_count3A_393 {offsets = [0], sizes = [1], strides = [1]} : vector<16xi32> to vector<1xi32>
        %squeeze3A_395 = vector.extract %slice3A_394[0] : i32 from vector<1xi32>
        %add3A_396 = arith.addi %add3A_374, %squeeze3A_395 : i32
        %slice3A_397 = vector.extract_strided_slice %get3A_354 {offsets = [2], sizes = [1], strides = [1]} : vector<16xi32> to vector<1xi32>
        %squeeze3A_398 = vector.extract %slice3A_397[0] : i32 from vector<1xi32>
        %broadcast_in_dim3A_399 = vector.broadcast %squeeze3A_398 : i32 to vector<16xi32>
        %shift_right_logical3A_400 = arith.shrui %broadcast_in_dim3A_399, %iota3A : vector<16xi32>
        %and3A_401 = arith.constant 1 : i32
        %and3A_402 = vector.broadcast %and3A_401 : i32 to vector<16xi32>
        %and3A_403 = arith.andi %shift_right_logical3A_400, %and3A_402 : vector<16xi32>
        %ne3A_404 = arith.constant 0 : i32
        %ne3A_405 = vector.broadcast %ne3A_404 : i32 to vector<16xi32>
        %ne3A_406 = arith.cmpi ne, %and3A_403, %ne3A_405 : vector<16xi32>
        %add3A_407 = arith.constant 2 : i32
        %add3A_408 = arith.addi %while3A_350, %add3A_407 : i32
        %mul3A_409 = arith.constant 16 : i32
        %mul3A_410 = arith.muli %add3A_408, %mul3A_409 : i32
        %add3A_411 = vector.broadcast %mul3A_410 : i32 to vector<16xi32>
        %add3A_412 = arith.addi %add3A_411, %iota3A : vector<16xi32>
        %swap3A_413 = arith.index_cast %add3A_396 : i32 to index
        %swap3A_414 = tpu.vector_load %arg9[%swap3A_413] masked %ne3A_406 {strides = array<i32>} : memref<304xi32, #tpu.memory_space<vmem>>, vector<16xi32>, vector<16xi1>
        tpu.vector_store %arg9[%swap3A_413], %add3A_412 masked %ne3A_406 {strides = array<i32>} : memref<304xi32, #tpu.memory_space<vmem>>, vector<16xi32>, vector<16xi1>
        %all_reduce_population_count3A_415 = tpu.all_reduce %ne3A_406 {dim = 0 : i64, kind = #tpu.reduction_kind<sum>} : vector<16xi1> -> vector<16xi32>
        %slice3A_416 = vector.extract_strided_slice %all_reduce_population_count3A_415 {offsets = [0], sizes = [1], strides = [1]} : vector<16xi32> to vector<1xi32>
        %squeeze3A_417 = vector.extract %slice3A_416[0] : i32 from vector<1xi32>
        %add3A_418 = arith.addi %add3A_396, %squeeze3A_417 : i32
        %slice3A_419 = vector.extract_strided_slice %get3A_354 {offsets = [3], sizes = [1], strides = [1]} : vector<16xi32> to vector<1xi32>
        %squeeze3A_420 = vector.extract %slice3A_419[0] : i32 from vector<1xi32>
        %broadcast_in_dim3A_421 = vector.broadcast %squeeze3A_420 : i32 to vector<16xi32>
        %shift_right_logical3A_422 = arith.shrui %broadcast_in_dim3A_421, %iota3A : vector<16xi32>
        %and3A_423 = arith.constant 1 : i32
        %and3A_424 = vector.broadcast %and3A_423 : i32 to vector<16xi32>
        %and3A_425 = arith.andi %shift_right_logical3A_422, %and3A_424 : vector<16xi32>
        %ne3A_426 = arith.constant 0 : i32
        %ne3A_427 = vector.broadcast %ne3A_426 : i32 to vector<16xi32>
        %ne3A_428 = arith.cmpi ne, %and3A_425, %ne3A_427 : vector<16xi32>
        %add3A_429 = arith.constant 3 : i32
        %add3A_430 = arith.addi %while3A_350, %add3A_429 : i32
        %mul3A_431 = arith.constant 16 : i32
        %mul3A_432 = arith.muli %add3A_430, %mul3A_431 : i32
        %add3A_433 = vector.broadcast %mul3A_432 : i32 to vector<16xi32>
        %add3A_434 = arith.addi %add3A_433, %iota3A : vector<16xi32>
        %swap3A_435 = arith.index_cast %add3A_418 : i32 to index
        %swap3A_436 = tpu.vector_load %arg9[%swap3A_435] masked %ne3A_428 {strides = array<i32>} : memref<304xi32, #tpu.memory_space<vmem>>, vector<16xi32>, vector<16xi1>
        tpu.vector_store %arg9[%swap3A_435], %add3A_434 masked %ne3A_428 {strides = array<i32>} : memref<304xi32, #tpu.memory_space<vmem>>, vector<16xi32>, vector<16xi1>
        %all_reduce_population_count3A_437 = tpu.all_reduce %ne3A_428 {dim = 0 : i64, kind = #tpu.reduction_kind<sum>} : vector<16xi1> -> vector<16xi32>
        %slice3A_438 = vector.extract_strided_slice %all_reduce_population_count3A_437 {offsets = [0], sizes = [1], strides = [1]} : vector<16xi32> to vector<1xi32>
        %squeeze3A_439 = vector.extract %slice3A_438[0] : i32 from vector<1xi32>
        %add3A_440 = arith.addi %add3A_418, %squeeze3A_439 : i32
        %slice3A_441 = vector.extract_strided_slice %get3A_354 {offsets = [4], sizes = [1], strides = [1]} : vector<16xi32> to vector<1xi32>
        %squeeze3A_442 = vector.extract %slice3A_441[0] : i32 from vector<1xi32>
        %broadcast_in_dim3A_443 = vector.broadcast %squeeze3A_442 : i32 to vector<16xi32>
        %shift_right_logical3A_444 = arith.shrui %broadcast_in_dim3A_443, %iota3A : vector<16xi32>
        %and3A_445 = arith.constant 1 : i32
        %and3A_446 = vector.broadcast %and3A_445 : i32 to vector<16xi32>
        %and3A_447 = arith.andi %shift_right_logical3A_444, %and3A_446 : vector<16xi32>
        %ne3A_448 = arith.constant 0 : i32
        %ne3A_449 = vector.broadcast %ne3A_448 : i32 to vector<16xi32>
        %ne3A_450 = arith.cmpi ne, %and3A_447, %ne3A_449 : vector<16xi32>
        %add3A_451 = arith.constant 4 : i32
        %add3A_452 = arith.addi %while3A_350, %add3A_451 : i32
        %mul3A_453 = arith.constant 16 : i32
        %mul3A_454 = arith.muli %add3A_452, %mul3A_453 : i32
        %add3A_455 = vector.broadcast %mul3A_454 : i32 to vector<16xi32>
        %add3A_456 = arith.addi %add3A_455, %iota3A : vector<16xi32>
        %swap3A_457 = arith.index_cast %add3A_440 : i32 to index
        %swap3A_458 = tpu.vector_load %arg9[%swap3A_457] masked %ne3A_450 {strides = array<i32>} : memref<304xi32, #tpu.memory_space<vmem>>, vector<16xi32>, vector<16xi1>
        tpu.vector_store %arg9[%swap3A_457], %add3A_456 masked %ne3A_450 {strides = array<i32>} : memref<304xi32, #tpu.memory_space<vmem>>, vector<16xi32>, vector<16xi1>
        %all_reduce_population_count3A_459 = tpu.all_reduce %ne3A_450 {dim = 0 : i64, kind = #tpu.reduction_kind<sum>} : vector<16xi1> -> vector<16xi32>
        %slice3A_460 = vector.extract_strided_slice %all_reduce_population_count3A_459 {offsets = [0], sizes = [1], strides = [1]} : vector<16xi32> to vector<1xi32>
        %squeeze3A_461 = vector.extract %slice3A_460[0] : i32 from vector<1xi32>
        %add3A_462 = arith.addi %add3A_440, %squeeze3A_461 : i32
        %slice3A_463 = vector.extract_strided_slice %get3A_354 {offsets = [5], sizes = [1], strides = [1]} : vector<16xi32> to vector<1xi32>
        %squeeze3A_464 = vector.extract %slice3A_463[0] : i32 from vector<1xi32>
        %broadcast_in_dim3A_465 = vector.broadcast %squeeze3A_464 : i32 to vector<16xi32>
        %shift_right_logical3A_466 = arith.shrui %broadcast_in_dim3A_465, %iota3A : vector<16xi32>
        %and3A_467 = arith.constant 1 : i32
        %and3A_468 = vector.broadcast %and3A_467 : i32 to vector<16xi32>
        %and3A_469 = arith.andi %shift_right_logical3A_466, %and3A_468 : vector<16xi32>
        %ne3A_470 = arith.constant 0 : i32
        %ne3A_471 = vector.broadcast %ne3A_470 : i32 to vector<16xi32>
        %ne3A_472 = arith.cmpi ne, %and3A_469, %ne3A_471 : vector<16xi32>
        %add3A_473 = arith.constant 5 : i32
        %add3A_474 = arith.addi %while3A_350, %add3A_473 : i32
        %mul3A_475 = arith.constant 16 : i32
        %mul3A_476 = arith.muli %add3A_474, %mul3A_475 : i32
        %add3A_477 = vector.broadcast %mul3A_476 : i32 to vector<16xi32>
        %add3A_478 = arith.addi %add3A_477, %iota3A : vector<16xi32>
        %swap3A_479 = arith.index_cast %add3A_462 : i32 to index
        %swap3A_480 = tpu.vector_load %arg9[%swap3A_479] masked %ne3A_472 {strides = array<i32>} : memref<304xi32, #tpu.memory_space<vmem>>, vector<16xi32>, vector<16xi1>
        tpu.vector_store %arg9[%swap3A_479], %add3A_478 masked %ne3A_472 {strides = array<i32>} : memref<304xi32, #tpu.memory_space<vmem>>, vector<16xi32>, vector<16xi1>
        %all_reduce_population_count3A_481 = tpu.all_reduce %ne3A_472 {dim = 0 : i64, kind = #tpu.reduction_kind<sum>} : vector<16xi1> -> vector<16xi32>
        %slice3A_482 = vector.extract_strided_slice %all_reduce_population_count3A_481 {offsets = [0], sizes = [1], strides = [1]} : vector<16xi32> to vector<1xi32>
        %squeeze3A_483 = vector.extract %slice3A_482[0] : i32 from vector<1xi32>
        %add3A_484 = arith.addi %add3A_462, %squeeze3A_483 : i32
        %slice3A_485 = vector.extract_strided_slice %get3A_354 {offsets = [6], sizes = [1], strides = [1]} : vector<16xi32> to vector<1xi32>
        %squeeze3A_486 = vector.extract %slice3A_485[0] : i32 from vector<1xi32>
        %broadcast_in_dim3A_487 = vector.broadcast %squeeze3A_486 : i32 to vector<16xi32>
        %shift_right_logical3A_488 = arith.shrui %broadcast_in_dim3A_487, %iota3A : vector<16xi32>
        %and3A_489 = arith.constant 1 : i32
        %and3A_490 = vector.broadcast %and3A_489 : i32 to vector<16xi32>
        %and3A_491 = arith.andi %shift_right_logical3A_488, %and3A_490 : vector<16xi32>
        %ne3A_492 = arith.constant 0 : i32
        %ne3A_493 = vector.broadcast %ne3A_492 : i32 to vector<16xi32>
        %ne3A_494 = arith.cmpi ne, %and3A_491, %ne3A_493 : vector<16xi32>
        %add3A_495 = arith.constant 6 : i32
        %add3A_496 = arith.addi %while3A_350, %add3A_495 : i32
        %mul3A_497 = arith.constant 16 : i32
        %mul3A_498 = arith.muli %add3A_496, %mul3A_497 : i32
        %add3A_499 = vector.broadcast %mul3A_498 : i32 to vector<16xi32>
        %add3A_500 = arith.addi %add3A_499, %iota3A : vector<16xi32>
        %swap3A_501 = arith.index_cast %add3A_484 : i32 to index
        %swap3A_502 = tpu.vector_load %arg9[%swap3A_501] masked %ne3A_494 {strides = array<i32>} : memref<304xi32, #tpu.memory_space<vmem>>, vector<16xi32>, vector<16xi1>
        tpu.vector_store %arg9[%swap3A_501], %add3A_500 masked %ne3A_494 {strides = array<i32>} : memref<304xi32, #tpu.memory_space<vmem>>, vector<16xi32>, vector<16xi1>
        %all_reduce_population_count3A_503 = tpu.all_reduce %ne3A_494 {dim = 0 : i64, kind = #tpu.reduction_kind<sum>} : vector<16xi1> -> vector<16xi32>
        %slice3A_504 = vector.extract_strided_slice %all_reduce_population_count3A_503 {offsets = [0], sizes = [1], strides = [1]} : vector<16xi32> to vector<1xi32>
        %squeeze3A_505 = vector.extract %slice3A_504[0] : i32 from vector<1xi32>
        %add3A_506 = arith.addi %add3A_484, %squeeze3A_505 : i32
        %slice3A_507 = vector.extract_strided_slice %get3A_354 {offsets = [7], sizes = [1], strides = [1]} : vector<16xi32> to vector<1xi32>
        %squeeze3A_508 = vector.extract %slice3A_507[0] : i32 from vector<1xi32>
        %broadcast_in_dim3A_509 = vector.broadcast %squeeze3A_508 : i32 to vector<16xi32>
        %shift_right_logical3A_510 = arith.shrui %broadcast_in_dim3A_509, %iota3A : vector<16xi32>
        %and3A_511 = arith.constant 1 : i32
        %and3A_512 = vector.broadcast %and3A_511 : i32 to vector<16xi32>
        %and3A_513 = arith.andi %shift_right_logical3A_510, %and3A_512 : vector<16xi32>
        %ne3A_514 = arith.constant 0 : i32
        %ne3A_515 = vector.broadcast %ne3A_514 : i32 to vector<16xi32>
        %ne3A_516 = arith.cmpi ne, %and3A_513, %ne3A_515 : vector<16xi32>
        %add3A_517 = arith.constant 7 : i32
        %add3A_518 = arith.addi %while3A_350, %add3A_517 : i32
        %mul3A_519 = arith.constant 16 : i32
        %mul3A_520 = arith.muli %add3A_518, %mul3A_519 : i32
        %add3A_521 = vector.broadcast %mul3A_520 : i32 to vector<16xi32>
        %add3A_522 = arith.addi %add3A_521, %iota3A : vector<16xi32>
        %swap3A_523 = arith.index_cast %add3A_506 : i32 to index
        %swap3A_524 = tpu.vector_load %arg9[%swap3A_523] masked %ne3A_516 {strides = array<i32>} : memref<304xi32, #tpu.memory_space<vmem>>, vector<16xi32>, vector<16xi1>
        tpu.vector_store %arg9[%swap3A_523], %add3A_522 masked %ne3A_516 {strides = array<i32>} : memref<304xi32, #tpu.memory_space<vmem>>, vector<16xi32>, vector<16xi1>
        %all_reduce_population_count3A_525 = tpu.all_reduce %ne3A_516 {dim = 0 : i64, kind = #tpu.reduction_kind<sum>} : vector<16xi1> -> vector<16xi32>
        %slice3A_526 = vector.extract_strided_slice %all_reduce_population_count3A_525 {offsets = [0], sizes = [1], strides = [1]} : vector<16xi32> to vector<1xi32>
        %squeeze3A_527 = vector.extract %slice3A_526[0] : i32 from vector<1xi32>
        %add3A_528 = arith.addi %add3A_506, %squeeze3A_527 : i32
        %slice3A_529 = vector.extract_strided_slice %get3A_354 {offsets = [8], sizes = [1], strides = [1]} : vector<16xi32> to vector<1xi32>
        %squeeze3A_530 = vector.extract %slice3A_529[0] : i32 from vector<1xi32>
        %broadcast_in_dim3A_531 = vector.broadcast %squeeze3A_530 : i32 to vector<16xi32>
        %shift_right_logical3A_532 = arith.shrui %broadcast_in_dim3A_531, %iota3A : vector<16xi32>
        %and3A_533 = arith.constant 1 : i32
        %and3A_534 = vector.broadcast %and3A_533 : i32 to vector<16xi32>
        %and3A_535 = arith.andi %shift_right_logical3A_532, %and3A_534 : vector<16xi32>
        %ne3A_536 = arith.constant 0 : i32
        %ne3A_537 = vector.broadcast %ne3A_536 : i32 to vector<16xi32>
        %ne3A_538 = arith.cmpi ne, %and3A_535, %ne3A_537 : vector<16xi32>
        %add3A_539 = arith.constant 8 : i32
        %add3A_540 = arith.addi %while3A_350, %add3A_539 : i32
        %mul3A_541 = arith.constant 16 : i32
        %mul3A_542 = arith.muli %add3A_540, %mul3A_541 : i32
        %add3A_543 = vector.broadcast %mul3A_542 : i32 to vector<16xi32>
        %add3A_544 = arith.addi %add3A_543, %iota3A : vector<16xi32>
        %swap3A_545 = arith.index_cast %add3A_528 : i32 to index
        %swap3A_546 = tpu.vector_load %arg9[%swap3A_545] masked %ne3A_538 {strides = array<i32>} : memref<304xi32, #tpu.memory_space<vmem>>, vector<16xi32>, vector<16xi1>
        tpu.vector_store %arg9[%swap3A_545], %add3A_544 masked %ne3A_538 {strides = array<i32>} : memref<304xi32, #tpu.memory_space<vmem>>, vector<16xi32>, vector<16xi1>
        %all_reduce_population_count3A_547 = tpu.all_reduce %ne3A_538 {dim = 0 : i64, kind = #tpu.reduction_kind<sum>} : vector<16xi1> -> vector<16xi32>
        %slice3A_548 = vector.extract_strided_slice %all_reduce_population_count3A_547 {offsets = [0], sizes = [1], strides = [1]} : vector<16xi32> to vector<1xi32>
        %squeeze3A_549 = vector.extract %slice3A_548[0] : i32 from vector<1xi32>
        %add3A_550 = arith.addi %add3A_528, %squeeze3A_549 : i32
        %slice3A_551 = vector.extract_strided_slice %get3A_354 {offsets = [9], sizes = [1], strides = [1]} : vector<16xi32> to vector<1xi32>
        %squeeze3A_552 = vector.extract %slice3A_551[0] : i32 from vector<1xi32>
        %broadcast_in_dim3A_553 = vector.broadcast %squeeze3A_552 : i32 to vector<16xi32>
        %shift_right_logical3A_554 = arith.shrui %broadcast_in_dim3A_553, %iota3A : vector<16xi32>
        %and3A_555 = arith.constant 1 : i32
        %and3A_556 = vector.broadcast %and3A_555 : i32 to vector<16xi32>
        %and3A_557 = arith.andi %shift_right_logical3A_554, %and3A_556 : vector<16xi32>
        %ne3A_558 = arith.constant 0 : i32
        %ne3A_559 = vector.broadcast %ne3A_558 : i32 to vector<16xi32>
        %ne3A_560 = arith.cmpi ne, %and3A_557, %ne3A_559 : vector<16xi32>
        %add3A_561 = arith.constant 9 : i32
        %add3A_562 = arith.addi %while3A_350, %add3A_561 : i32
        %mul3A_563 = arith.constant 16 : i32
        %mul3A_564 = arith.muli %add3A_562, %mul3A_563 : i32
        %add3A_565 = vector.broadcast %mul3A_564 : i32 to vector<16xi32>
        %add3A_566 = arith.addi %add3A_565, %iota3A : vector<16xi32>
        %swap3A_567 = arith.index_cast %add3A_550 : i32 to index
        %swap3A_568 = tpu.vector_load %arg9[%swap3A_567] masked %ne3A_560 {strides = array<i32>} : memref<304xi32, #tpu.memory_space<vmem>>, vector<16xi32>, vector<16xi1>
        tpu.vector_store %arg9[%swap3A_567], %add3A_566 masked %ne3A_560 {strides = array<i32>} : memref<304xi32, #tpu.memory_space<vmem>>, vector<16xi32>, vector<16xi1>
        %all_reduce_population_count3A_569 = tpu.all_reduce %ne3A_560 {dim = 0 : i64, kind = #tpu.reduction_kind<sum>} : vector<16xi1> -> vector<16xi32>
        %slice3A_570 = vector.extract_strided_slice %all_reduce_population_count3A_569 {offsets = [0], sizes = [1], strides = [1]} : vector<16xi32> to vector<1xi32>
        %squeeze3A_571 = vector.extract %slice3A_570[0] : i32 from vector<1xi32>
        %add3A_572 = arith.addi %add3A_550, %squeeze3A_571 : i32
        %slice3A_573 = vector.extract_strided_slice %get3A_354 {offsets = [10], sizes = [1], strides = [1]} : vector<16xi32> to vector<1xi32>
        %squeeze3A_574 = vector.extract %slice3A_573[0] : i32 from vector<1xi32>
        %broadcast_in_dim3A_575 = vector.broadcast %squeeze3A_574 : i32 to vector<16xi32>
        %shift_right_logical3A_576 = arith.shrui %broadcast_in_dim3A_575, %iota3A : vector<16xi32>
        %and3A_577 = arith.constant 1 : i32
        %and3A_578 = vector.broadcast %and3A_577 : i32 to vector<16xi32>
        %and3A_579 = arith.andi %shift_right_logical3A_576, %and3A_578 : vector<16xi32>
        %ne3A_580 = arith.constant 0 : i32
        %ne3A_581 = vector.broadcast %ne3A_580 : i32 to vector<16xi32>
        %ne3A_582 = arith.cmpi ne, %and3A_579, %ne3A_581 : vector<16xi32>
        %add3A_583 = arith.constant 10 : i32
        %add3A_584 = arith.addi %while3A_350, %add3A_583 : i32
        %mul3A_585 = arith.constant 16 : i32
        %mul3A_586 = arith.muli %add3A_584, %mul3A_585 : i32
        %add3A_587 = vector.broadcast %mul3A_586 : i32 to vector<16xi32>
        %add3A_588 = arith.addi %add3A_587, %iota3A : vector<16xi32>
        %swap3A_589 = arith.index_cast %add3A_572 : i32 to index
        %swap3A_590 = tpu.vector_load %arg9[%swap3A_589] masked %ne3A_582 {strides = array<i32>} : memref<304xi32, #tpu.memory_space<vmem>>, vector<16xi32>, vector<16xi1>
        tpu.vector_store %arg9[%swap3A_589], %add3A_588 masked %ne3A_582 {strides = array<i32>} : memref<304xi32, #tpu.memory_space<vmem>>, vector<16xi32>, vector<16xi1>
        %all_reduce_population_count3A_591 = tpu.all_reduce %ne3A_582 {dim = 0 : i64, kind = #tpu.reduction_kind<sum>} : vector<16xi1> -> vector<16xi32>
        %slice3A_592 = vector.extract_strided_slice %all_reduce_population_count3A_591 {offsets = [0], sizes = [1], strides = [1]} : vector<16xi32> to vector<1xi32>
        %squeeze3A_593 = vector.extract %slice3A_592[0] : i32 from vector<1xi32>
        %add3A_594 = arith.addi %add3A_572, %squeeze3A_593 : i32
        %slice3A_595 = vector.extract_strided_slice %get3A_354 {offsets = [11], sizes = [1], strides = [1]} : vector<16xi32> to vector<1xi32>
        %squeeze3A_596 = vector.extract %slice3A_595[0] : i32 from vector<1xi32>
        %broadcast_in_dim3A_597 = vector.broadcast %squeeze3A_596 : i32 to vector<16xi32>
        %shift_right_logical3A_598 = arith.shrui %broadcast_in_dim3A_597, %iota3A : vector<16xi32>
        %and3A_599 = arith.constant 1 : i32
        %and3A_600 = vector.broadcast %and3A_599 : i32 to vector<16xi32>
        %and3A_601 = arith.andi %shift_right_logical3A_598, %and3A_600 : vector<16xi32>
        %ne3A_602 = arith.constant 0 : i32
        %ne3A_603 = vector.broadcast %ne3A_602 : i32 to vector<16xi32>
        %ne3A_604 = arith.cmpi ne, %and3A_601, %ne3A_603 : vector<16xi32>
        %add3A_605 = arith.constant 11 : i32
        %add3A_606 = arith.addi %while3A_350, %add3A_605 : i32
        %mul3A_607 = arith.constant 16 : i32
        %mul3A_608 = arith.muli %add3A_606, %mul3A_607 : i32
        %add3A_609 = vector.broadcast %mul3A_608 : i32 to vector<16xi32>
        %add3A_610 = arith.addi %add3A_609, %iota3A : vector<16xi32>
        %swap3A_611 = arith.index_cast %add3A_594 : i32 to index
        %swap3A_612 = tpu.vector_load %arg9[%swap3A_611] masked %ne3A_604 {strides = array<i32>} : memref<304xi32, #tpu.memory_space<vmem>>, vector<16xi32>, vector<16xi1>
        tpu.vector_store %arg9[%swap3A_611], %add3A_610 masked %ne3A_604 {strides = array<i32>} : memref<304xi32, #tpu.memory_space<vmem>>, vector<16xi32>, vector<16xi1>
        %all_reduce_population_count3A_613 = tpu.all_reduce %ne3A_604 {dim = 0 : i64, kind = #tpu.reduction_kind<sum>} : vector<16xi1> -> vector<16xi32>
        %slice3A_614 = vector.extract_strided_slice %all_reduce_population_count3A_613 {offsets = [0], sizes = [1], strides = [1]} : vector<16xi32> to vector<1xi32>
        %squeeze3A_615 = vector.extract %slice3A_614[0] : i32 from vector<1xi32>
        %add3A_616 = arith.addi %add3A_594, %squeeze3A_615 : i32
        %slice3A_617 = vector.extract_strided_slice %get3A_354 {offsets = [12], sizes = [1], strides = [1]} : vector<16xi32> to vector<1xi32>
        %squeeze3A_618 = vector.extract %slice3A_617[0] : i32 from vector<1xi32>
        %broadcast_in_dim3A_619 = vector.broadcast %squeeze3A_618 : i32 to vector<16xi32>
        %shift_right_logical3A_620 = arith.shrui %broadcast_in_dim3A_619, %iota3A : vector<16xi32>
        %and3A_621 = arith.constant 1 : i32
        %and3A_622 = vector.broadcast %and3A_621 : i32 to vector<16xi32>
        %and3A_623 = arith.andi %shift_right_logical3A_620, %and3A_622 : vector<16xi32>
        %ne3A_624 = arith.constant 0 : i32
        %ne3A_625 = vector.broadcast %ne3A_624 : i32 to vector<16xi32>
        %ne3A_626 = arith.cmpi ne, %and3A_623, %ne3A_625 : vector<16xi32>
        %add3A_627 = arith.constant 12 : i32
        %add3A_628 = arith.addi %while3A_350, %add3A_627 : i32
        %mul3A_629 = arith.constant 16 : i32
        %mul3A_630 = arith.muli %add3A_628, %mul3A_629 : i32
        %add3A_631 = vector.broadcast %mul3A_630 : i32 to vector<16xi32>
        %add3A_632 = arith.addi %add3A_631, %iota3A : vector<16xi32>
        %swap3A_633 = arith.index_cast %add3A_616 : i32 to index
        %swap3A_634 = tpu.vector_load %arg9[%swap3A_633] masked %ne3A_626 {strides = array<i32>} : memref<304xi32, #tpu.memory_space<vmem>>, vector<16xi32>, vector<16xi1>
        tpu.vector_store %arg9[%swap3A_633], %add3A_632 masked %ne3A_626 {strides = array<i32>} : memref<304xi32, #tpu.memory_space<vmem>>, vector<16xi32>, vector<16xi1>
        %all_reduce_population_count3A_635 = tpu.all_reduce %ne3A_626 {dim = 0 : i64, kind = #tpu.reduction_kind<sum>} : vector<16xi1> -> vector<16xi32>
        %slice3A_636 = vector.extract_strided_slice %all_reduce_population_count3A_635 {offsets = [0], sizes = [1], strides = [1]} : vector<16xi32> to vector<1xi32>
        %squeeze3A_637 = vector.extract %slice3A_636[0] : i32 from vector<1xi32>
        %add3A_638 = arith.addi %add3A_616, %squeeze3A_637 : i32
        %slice3A_639 = vector.extract_strided_slice %get3A_354 {offsets = [13], sizes = [1], strides = [1]} : vector<16xi32> to vector<1xi32>
        %squeeze3A_640 = vector.extract %slice3A_639[0] : i32 from vector<1xi32>
        %broadcast_in_dim3A_641 = vector.broadcast %squeeze3A_640 : i32 to vector<16xi32>
        %shift_right_logical3A_642 = arith.shrui %broadcast_in_dim3A_641, %iota3A : vector<16xi32>
        %and3A_643 = arith.constant 1 : i32
        %and3A_644 = vector.broadcast %and3A_643 : i32 to vector<16xi32>
        %and3A_645 = arith.andi %shift_right_logical3A_642, %and3A_644 : vector<16xi32>
        %ne3A_646 = arith.constant 0 : i32
        %ne3A_647 = vector.broadcast %ne3A_646 : i32 to vector<16xi32>
        %ne3A_648 = arith.cmpi ne, %and3A_645, %ne3A_647 : vector<16xi32>
        %add3A_649 = arith.constant 13 : i32
        %add3A_650 = arith.addi %while3A_350, %add3A_649 : i32
        %mul3A_651 = arith.constant 16 : i32
        %mul3A_652 = arith.muli %add3A_650, %mul3A_651 : i32
        %add3A_653 = vector.broadcast %mul3A_652 : i32 to vector<16xi32>
        %add3A_654 = arith.addi %add3A_653, %iota3A : vector<16xi32>
        %swap3A_655 = arith.index_cast %add3A_638 : i32 to index
        %swap3A_656 = tpu.vector_load %arg9[%swap3A_655] masked %ne3A_648 {strides = array<i32>} : memref<304xi32, #tpu.memory_space<vmem>>, vector<16xi32>, vector<16xi1>
        tpu.vector_store %arg9[%swap3A_655], %add3A_654 masked %ne3A_648 {strides = array<i32>} : memref<304xi32, #tpu.memory_space<vmem>>, vector<16xi32>, vector<16xi1>
        %all_reduce_population_count3A_657 = tpu.all_reduce %ne3A_648 {dim = 0 : i64, kind = #tpu.reduction_kind<sum>} : vector<16xi1> -> vector<16xi32>
        %slice3A_658 = vector.extract_strided_slice %all_reduce_population_count3A_657 {offsets = [0], sizes = [1], strides = [1]} : vector<16xi32> to vector<1xi32>
        %squeeze3A_659 = vector.extract %slice3A_658[0] : i32 from vector<1xi32>
        %add3A_660 = arith.addi %add3A_638, %squeeze3A_659 : i32
        %slice3A_661 = vector.extract_strided_slice %get3A_354 {offsets = [14], sizes = [1], strides = [1]} : vector<16xi32> to vector<1xi32>
        %squeeze3A_662 = vector.extract %slice3A_661[0] : i32 from vector<1xi32>
        %broadcast_in_dim3A_663 = vector.broadcast %squeeze3A_662 : i32 to vector<16xi32>
        %shift_right_logical3A_664 = arith.shrui %broadcast_in_dim3A_663, %iota3A : vector<16xi32>
        %and3A_665 = arith.constant 1 : i32
        %and3A_666 = vector.broadcast %and3A_665 : i32 to vector<16xi32>
        %and3A_667 = arith.andi %shift_right_logical3A_664, %and3A_666 : vector<16xi32>
        %ne3A_668 = arith.constant 0 : i32
        %ne3A_669 = vector.broadcast %ne3A_668 : i32 to vector<16xi32>
        %ne3A_670 = arith.cmpi ne, %and3A_667, %ne3A_669 : vector<16xi32>
        %add3A_671 = arith.constant 14 : i32
        %add3A_672 = arith.addi %while3A_350, %add3A_671 : i32
        %mul3A_673 = arith.constant 16 : i32
        %mul3A_674 = arith.muli %add3A_672, %mul3A_673 : i32
        %add3A_675 = vector.broadcast %mul3A_674 : i32 to vector<16xi32>
        %add3A_676 = arith.addi %add3A_675, %iota3A : vector<16xi32>
        %swap3A_677 = arith.index_cast %add3A_660 : i32 to index
        %swap3A_678 = tpu.vector_load %arg9[%swap3A_677] masked %ne3A_670 {strides = array<i32>} : memref<304xi32, #tpu.memory_space<vmem>>, vector<16xi32>, vector<16xi1>
        tpu.vector_store %arg9[%swap3A_677], %add3A_676 masked %ne3A_670 {strides = array<i32>} : memref<304xi32, #tpu.memory_space<vmem>>, vector<16xi32>, vector<16xi1>
        %all_reduce_population_count3A_679 = tpu.all_reduce %ne3A_670 {dim = 0 : i64, kind = #tpu.reduction_kind<sum>} : vector<16xi1> -> vector<16xi32>
        %slice3A_680 = vector.extract_strided_slice %all_reduce_population_count3A_679 {offsets = [0], sizes = [1], strides = [1]} : vector<16xi32> to vector<1xi32>
        %squeeze3A_681 = vector.extract %slice3A_680[0] : i32 from vector<1xi32>
        %add3A_682 = arith.addi %add3A_660, %squeeze3A_681 : i32
        %slice3A_683 = vector.extract_strided_slice %get3A_354 {offsets = [15], sizes = [1], strides = [1]} : vector<16xi32> to vector<1xi32>
        %squeeze3A_684 = vector.extract %slice3A_683[0] : i32 from vector<1xi32>
        %broadcast_in_dim3A_685 = vector.broadcast %squeeze3A_684 : i32 to vector<16xi32>
        %shift_right_logical3A_686 = arith.shrui %broadcast_in_dim3A_685, %iota3A : vector<16xi32>
        %and3A_687 = arith.constant 1 : i32
        %and3A_688 = vector.broadcast %and3A_687 : i32 to vector<16xi32>
        %and3A_689 = arith.andi %shift_right_logical3A_686, %and3A_688 : vector<16xi32>
        %ne3A_690 = arith.constant 0 : i32
        %ne3A_691 = vector.broadcast %ne3A_690 : i32 to vector<16xi32>
        %ne3A_692 = arith.cmpi ne, %and3A_689, %ne3A_691 : vector<16xi32>
        %add3A_693 = arith.constant 15 : i32
        %add3A_694 = arith.addi %while3A_350, %add3A_693 : i32
        %mul3A_695 = arith.constant 16 : i32
        %mul3A_696 = arith.muli %add3A_694, %mul3A_695 : i32
        %add3A_697 = vector.broadcast %mul3A_696 : i32 to vector<16xi32>
        %add3A_698 = arith.addi %add3A_697, %iota3A : vector<16xi32>
        %swap3A_699 = arith.index_cast %add3A_682 : i32 to index
        %swap3A_700 = tpu.vector_load %arg9[%swap3A_699] masked %ne3A_692 {strides = array<i32>} : memref<304xi32, #tpu.memory_space<vmem>>, vector<16xi32>, vector<16xi1>
        tpu.vector_store %arg9[%swap3A_699], %add3A_698 masked %ne3A_692 {strides = array<i32>} : memref<304xi32, #tpu.memory_space<vmem>>, vector<16xi32>, vector<16xi1>
        %all_reduce_population_count3A_701 = tpu.all_reduce %ne3A_692 {dim = 0 : i64, kind = #tpu.reduction_kind<sum>} : vector<16xi1> -> vector<16xi32>
        %slice3A_702 = vector.extract_strided_slice %all_reduce_population_count3A_701 {offsets = [0], sizes = [1], strides = [1]} : vector<16xi32> to vector<1xi32>
        %squeeze3A_703 = vector.extract %slice3A_702[0] : i32 from vector<1xi32>
        %add3A_704 = arith.addi %add3A_682, %squeeze3A_703 : i32
        %add3A_705 = arith.constant 16 : i32
        %add3A_706 = arith.addi %while3A_350, %add3A_705 : i32
        scf.yield %add3A_706, %add3A_704 : i32, i32
      }
      %get3A_191 = arith.constant 0 : index
      %get3A_192 = tpu.vector_load %arg9[%get3A_191] {strides = array<i32>} : memref<304xi32, #tpu.memory_space<vmem>>, vector<16xi32>,
      %get3A_193 = arith.constant 16 : index
      %get3A_194 = tpu.vector_load %arg9[%get3A_193] {strides = array<i32>} : memref<304xi32, #tpu.memory_space<vmem>>, vector<16xi32>,
      %broadcast_in_dim3A_195 = vector.broadcast %while3A_190#1 : i32 to vector<16xi32>
      %slice3A_196 = vector.extract_strided_slice %get3A_192 {offsets = [0], sizes = [1], strides = [1]} : vector<16xi32> to vector<1xi32>
      %squeeze3A_197 = vector.extract %slice3A_196[0] : i32 from vector<1xi32>
      %broadcast_in_dim3A_198 = vector.broadcast %squeeze3A_197 : i32 to vector<16xi32>
      %lt3A_199 = arith.cmpi slt, %iota3A, %broadcast_in_dim3A_195 : vector<16xi32>
      %select_n3A_200 = arith.select %lt3A_199, %get3A_192, %broadcast_in_dim3A_198 : vector<16xi1>, vector<16xi32>
      %add3A_201 = arith.constant 16 : i32
      %add3A_202 = vector.broadcast %add3A_201 : i32 to vector<16xi32>
      %add3A_203 = arith.addi %iota3A, %add3A_202 : vector<16xi32>
      %lt3A_204 = arith.cmpi slt, %add3A_203, %broadcast_in_dim3A_195 : vector<16xi32>
      %select_n3A_205 = arith.select %lt3A_204, %get3A_194, %broadcast_in_dim3A_198 : vector<16xi1>, vector<16xi32>
      %add3A_206 = vector.broadcast %mul3A_20 : i32 to vector<16xi32>
      %add3A_207 = arith.addi %select_n3A_200, %add3A_206 : vector<16xi32>
      %dma_start3A_208 = arith.constant 32 : i32
      %dma_start3A_209 = arith.constant 0 : i32
      %dma_start3A_210 = tpu.memref_slice %arg10[%dma_start3A_208, %dma_start3A_209] : memref<64x128xf32, #tpu.memory_space<vmem>> -> memref<16x128xf32, #tpu.memory_space<vmem>>
      %dma_start3A_211 = arith.constant 0 : i32
      %dma_start3A_212 = arith.constant 0 : i32
      %dma_start3A_213 = tpu.memref_slice %arg3[%dma_start3A_211, %dma_start3A_212] : memref<16384x128xf32, #tpu.memory_space<hbm>> -> memref<16384x128xf32, #tpu.memory_space<hbm>>
      tpu.enqueue_indirect_dma source(%dma_start3A_213 : memref<16384x128xf32, #tpu.memory_space<hbm>>) target(%dma_start3A_210 : memref<16x128xf32, #tpu.memory_space<vmem>>) offsets(%add3A_207 : vector<16xi32>) semaphore(%arg16 : memref<!tpu.dma_semaphore, #tpu.memory_space<semaphore_mem>>)
      %add3A_214 = vector.broadcast %mul3A_20 : i32 to vector<16xi32>
      %add3A_215 = arith.addi %select_n3A_205, %add3A_214 : vector<16xi32>
      %dma_start3A_216 = arith.constant 48 : i32
      %dma_start3A_217 = arith.constant 0 : i32
      %dma_start3A_218 = tpu.memref_slice %arg10[%dma_start3A_216, %dma_start3A_217] : memref<64x128xf32, #tpu.memory_space<vmem>> -> memref<16x128xf32, #tpu.memory_space<vmem>>
      %dma_start3A_219 = arith.constant 0 : i32
      %dma_start3A_220 = arith.constant 0 : i32
      %dma_start3A_221 = tpu.memref_slice %arg3[%dma_start3A_219, %dma_start3A_220] : memref<16384x128xf32, #tpu.memory_space<hbm>> -> memref<16384x128xf32, #tpu.memory_space<hbm>>
      tpu.enqueue_indirect_dma source(%dma_start3A_221 : memref<16384x128xf32, #tpu.memory_space<hbm>>) target(%dma_start3A_218 : memref<16x128xf32, #tpu.memory_space<vmem>>) offsets(%add3A_215 : vector<16xi32>) semaphore(%arg16 : memref<!tpu.dma_semaphore, #tpu.memory_space<semaphore_mem>>)
      %ge3A = arith.constant 2 : i32
      %ge3A_222 = arith.cmpi sge, %scan3A_70, %ge3A : i32
      %convert_element_type3A_223 = arith.extui %ge3A_222 : i1 to i32
      %cond3A_224 = arith.constant 0 : i32
      %cond3A_225 = arith.cmpi ne, %convert_element_type3A_223, %cond3A_224 : i32
      scf.if %cond3A_225 {
        %add3A_350 = arith.addi %mul3A_2, %mul3A_91 : i32
        %sub3A_351 = arith.constant 4 : i32
        %sub3A_352 = arith.subi %add3A_350, %sub3A_351 : i32
        %mul3A_353 = arith.constant 4192 : i32
        %mul3A_354 = arith.muli %sub3A_352, %mul3A_353 : i32
        %dma_wait3A_355 = tpu.memref_slice %arg12[%mul3A_89] : memref<16768xf32, #tpu.memory_space<vmem>> -> memref<8384xf32, #tpu.memory_space<vmem>>
        %dma_wait3A_356 = tpu.memref_slice %arg6[%mul3A_354] : memref<17170432xf32, #tpu.memory_space<hbm>> -> memref<8384xf32, #tpu.memory_space<hbm>>
        %dma_wait3A_357 = tpu.memref_slice %arg6[%mul3A_354] : memref<17170432xf32, #tpu.memory_space<hbm>> -> memref<8384xf32, #tpu.memory_space<hbm>>
        %dma_wait3A_358 = tpu.memref_slice %arg12[%mul3A_89] : memref<16768xf32, #tpu.memory_space<vmem>> -> memref<8384xf32, #tpu.memory_space<vmem>>
        tpu.wait_dma2 semaphore(%arg17 : memref<!tpu.dma_semaphore, #tpu.memory_space<semaphore_mem>>) src(%dma_wait3A_358 : memref<8384xf32, #tpu.memory_space<vmem>>) dst(%dma_wait3A_357 : memref<8384xf32, #tpu.memory_space<hbm>>)
      } else {
      }
      %dma_wait3A_226 = arith.constant 0 : i32
      %dma_wait3A_227 = arith.constant 0 : i32
      %dma_wait3A_228 = tpu.memref_slice %arg10[%dma_wait3A_226, %dma_wait3A_227] : memref<64x128xf32, #tpu.memory_space<vmem>> -> memref<16x128xf32, #tpu.memory_space<vmem>>
      %dma_wait3A_229 = arith.constant 0 : i32
      %dma_wait3A_230 = arith.constant 0 : i32
      %dma_wait3A_231 = tpu.memref_slice %arg3[%dma_wait3A_229, %dma_wait3A_230] : memref<16384x128xf32, #tpu.memory_space<hbm>> -> memref<16384x128xf32, #tpu.memory_space<hbm>>
      tpu.wait_indirect_dma semaphore(%arg16 : memref<!tpu.dma_semaphore, #tpu.memory_space<semaphore_mem>>) src(%dma_wait3A_231 : memref<16384x128xf32, #tpu.memory_space<hbm>>) dst(%dma_wait3A_228 : memref<16x128xf32, #tpu.memory_space<vmem>>)
      %dma_wait3A_232 = arith.constant 16 : i32
      %dma_wait3A_233 = arith.constant 0 : i32
      %dma_wait3A_234 = tpu.memref_slice %arg10[%dma_wait3A_232, %dma_wait3A_233] : memref<64x128xf32, #tpu.memory_space<vmem>> -> memref<16x128xf32, #tpu.memory_space<vmem>>
      %dma_wait3A_235 = arith.constant 0 : i32
      %dma_wait3A_236 = arith.constant 0 : i32
      %dma_wait3A_237 = tpu.memref_slice %arg3[%dma_wait3A_235, %dma_wait3A_236] : memref<16384x128xf32, #tpu.memory_space<hbm>> -> memref<16384x128xf32, #tpu.memory_space<hbm>>
      tpu.wait_indirect_dma semaphore(%arg16 : memref<!tpu.dma_semaphore, #tpu.memory_space<semaphore_mem>>) src(%dma_wait3A_237 : memref<16384x128xf32, #tpu.memory_space<hbm>>) dst(%dma_wait3A_234 : memref<16x128xf32, #tpu.memory_space<vmem>>)
      %get3A_238 = arith.index_cast %mul3A_91 : i32 to index
      %get3A_239 = arith.constant 0 : index
      %get3A_240 = tpu.vector_load %arg8[%get3A_238, %get3A_239] {strides = array<i32>} : memref<128x16xf32, #tpu.memory_space<vmem>>, vector<16xf32>,
      %slice3A_241 = vector.extract_strided_slice %get3A_240 {offsets = [0], sizes = [1], strides = [1]} : vector<16xf32> to vector<1xf32>
      %squeeze3A_242 = vector.extract %slice3A_241[0] : f32 from vector<1xf32>
      %broadcast_in_dim3A_243 = vector.broadcast %squeeze3A_242 : f32 to vector<16xf32>
      %gather3A = tpu.vector_load_idx %arg13[%select_n3A_158] : memref<8192xf32, #tpu.memory_space<vmem>>[vector<16xi32>], vector<16xf32>,
      %sub3A_244 = arith.subf %gather3A, %broadcast_in_dim3A_243 : vector<16xf32>
      %swap3A_245 = arith.constant 0 : index
      %swap3A_246 = tpu.vector_load %arg11[%swap3A_245] {strides = array<i32>} : memref<10480xf32, #tpu.memory_space<vmem>>, vector<16xf32>,
      tpu.vector_store %arg11[%swap3A_245], %sub3A_244 {strides = array<i32>} : memref<10480xf32, #tpu.memory_space<vmem>>, vector<16xf32>,
      %gather3A_247 = tpu.vector_load_idx %arg13[%select_n3A_163] : memref<8192xf32, #tpu.memory_space<vmem>>[vector<16xi32>], vector<16xf32>,
      %sub3A_248 = arith.subf %gather3A_247, %broadcast_in_dim3A_243 : vector<16xf32>
      %swap3A_249 = arith.constant 16 : index
      %swap3A_250 = tpu.vector_load %arg11[%swap3A_249] {strides = array<i32>} : memref<10480xf32, #tpu.memory_space<vmem>>, vector<16xf32>,
      tpu.vector_store %arg11[%swap3A_249], %sub3A_248 {strides = array<i32>} : memref<10480xf32, #tpu.memory_space<vmem>>, vector<16xf32>,
      %slice3A_251 = vector.extract_strided_slice %get3A_240 {offsets = [1], sizes = [1], strides = [1]} : vector<16xf32> to vector<1xf32>
      %squeeze3A_252 = vector.extract %slice3A_251[0] : f32 from vector<1xf32>
      %broadcast_in_dim3A_253 = vector.broadcast %squeeze3A_252 : f32 to vector<16xf32>
      %gather3A_254 = tpu.vector_load_idx %arg14[%select_n3A_158] : memref<8192xf32, #tpu.memory_space<vmem>>[vector<16xi32>], vector<16xf32>,
      %sub3A_255 = arith.subf %gather3A_254, %broadcast_in_dim3A_253 : vector<16xf32>
      %swap3A_256 = arith.constant 40 : index
      %swap3A_257 = tpu.vector_load %arg11[%swap3A_256] {strides = array<i32>} : memref<10480xf32, #tpu.memory_space<vmem>>, vector<16xf32>,
      tpu.vector_store %arg11[%swap3A_256], %sub3A_255 {strides = array<i32>} : memref<10480xf32, #tpu.memory_space<vmem>>, vector<16xf32>,
      %gather3A_258 = tpu.vector_load_idx %arg14[%select_n3A_163] : memref<8192xf32, #tpu.memory_space<vmem>>[vector<16xi32>], vector<16xf32>,
      %sub3A_259 = arith.subf %gather3A_258, %broadcast_in_dim3A_253 : vector<16xf32>
      %swap3A_260 = arith.constant 56 : index
      %swap3A_261 = tpu.vector_load %arg11[%swap3A_260] {strides = array<i32>} : memref<10480xf32, #tpu.memory_space<vmem>>, vector<16xf32>,
      tpu.vector_store %arg11[%swap3A_260], %sub3A_259 {strides = array<i32>} : memref<10480xf32, #tpu.memory_space<vmem>>, vector<16xf32>,
      %slice3A_262 = vector.extract_strided_slice %get3A_240 {offsets = [2], sizes = [1], strides = [1]} : vector<16xf32> to vector<1xf32>
      %squeeze3A_263 = vector.extract %slice3A_262[0] : f32 from vector<1xf32>
      %broadcast_in_dim3A_264 = vector.broadcast %squeeze3A_263 : f32 to vector<16xf32>
      %gather3A_265 = tpu.vector_load_idx %arg15[%select_n3A_158] : memref<8192xf32, #tpu.memory_space<vmem>>[vector<16xi32>], vector<16xf32>,
      %sub3A_266 = arith.subf %gather3A_265, %broadcast_in_dim3A_264 : vector<16xf32>
      %swap3A_267 = arith.constant 80 : index
      %swap3A_268 = tpu.vector_load %arg11[%swap3A_267] {strides = array<i32>} : memref<10480xf32, #tpu.memory_space<vmem>>, vector<16xf32>,
      tpu.vector_store %arg11[%swap3A_267], %sub3A_266 {strides = array<i32>} : memref<10480xf32, #tpu.memory_space<vmem>>, vector<16xf32>,
      %gather3A_269 = tpu.vector_load_idx %arg15[%select_n3A_163] : memref<8192xf32, #tpu.memory_space<vmem>>[vector<16xi32>], vector<16xf32>,
      %sub3A_270 = arith.subf %gather3A_269, %broadcast_in_dim3A_264 : vector<16xf32>
      %swap3A_271 = arith.constant 96 : index
      %swap3A_272 = tpu.vector_load %arg11[%swap3A_271] {strides = array<i32>} : memref<10480xf32, #tpu.memory_space<vmem>>, vector<16xf32>,
      tpu.vector_store %arg11[%swap3A_271], %sub3A_270 {strides = array<i32>} : memref<10480xf32, #tpu.memory_space<vmem>>, vector<16xf32>,
      %scan3A_273 = arith.constant 0 : i32
      %scan3A_274 = arith.constant 0 : i32
      %scan3A_275 = arith.constant 8 : i32
      %scan3A_276 = arith.addi %scan3A_274, %scan3A_275 : i32
      %scan3A_277 = arith.constant 1 : i32
      %scan3A_278 = scf.for %scan3A_350 = %scan3A_274 to %scan3A_276 step %scan3A_277 iter_args(%scan3A_351 = %scan3A_273) -> (i32)  : i32 {
        %mul3A_352 = arith.constant 4 : i32
        %mul3A_353 = arith.muli %scan3A_350, %mul3A_352 : i32
        %add3A_354 = arith.constant 0 : i32
        %add3A_355 = arith.addi %mul3A_353, %add3A_354 : i32
        %add3A_356 = arith.constant 0 : i32
        %add3A_357 = arith.addi %add3A_356, %add3A_355 : i32
        %get3A_358 = arith.index_cast %add3A_357 : i32 to index
        %get3A_359 = arith.constant 0 : index
        %get3A_360 = tpu.vector_load %arg10[%get3A_358, %get3A_359] {strides = array<i32>} : memref<64x128xf32, #tpu.memory_space<vmem>>, vector<16xf32>,
        %add3A_361 = arith.constant 120 : i32
        %add3A_362 = arith.addi %add3A_361, %add3A_355 : i32
        %add3A_363 = vector.broadcast %add3A_362 : i32 to vector<16xi32>
        %add3A_364 = arith.addi %mul3A_33, %add3A_363 : vector<16xi32>
        tpu.vector_store_idx %arg11[%add3A_364], %get3A_360 : memref<10480xf32, #tpu.memory_space<vmem>>[vector<16xi32>], vector<16xf32>,
        %get3A_365 = arith.index_cast %add3A_357 : i32 to index
        %get3A_366 = arith.constant 16 : index
        %get3A_367 = tpu.vector_load %arg10[%get3A_365, %get3A_366] {strides = array<i32>} : memref<64x128xf32, #tpu.memory_space<vmem>>, vector<16xf32>,
        %add3A_368 = arith.constant 760 : i32
        %add3A_369 = arith.addi %add3A_368, %add3A_355 : i32
        %add3A_370 = vector.broadcast %add3A_369 : i32 to vector<16xi32>
        %add3A_371 = arith.addi %mul3A_33, %add3A_370 : vector<16xi32>
        tpu.vector_store_idx %arg11[%add3A_371], %get3A_367 : memref<10480xf32, #tpu.memory_space<vmem>>[vector<16xi32>], vector<16xf32>,
        %get3A_372 = arith.index_cast %add3A_357 : i32 to index
        %get3A_373 = arith.constant 32 : index
        %get3A_374 = tpu.vector_load %arg10[%get3A_372, %get3A_373] {strides = array<i32>} : memref<64x128xf32, #tpu.memory_space<vmem>>, vector<16xf32>,
        %add3A_375 = arith.constant 1400 : i32
        %add3A_376 = arith.addi %add3A_375, %add3A_355 : i32
        %add3A_377 = vector.broadcast %add3A_376 : i32 to vector<16xi32>
        %add3A_378 = arith.addi %mul3A_33, %add3A_377 : vector<16xi32>
        tpu.vector_store_idx %arg11[%add3A_378], %get3A_374 : memref<10480xf32, #tpu.memory_space<vmem>>[vector<16xi32>], vector<16xf32>,
        %get3A_379 = arith.index_cast %add3A_357 : i32 to index
        %get3A_380 = arith.constant 48 : index
        %get3A_381 = tpu.vector_load %arg10[%get3A_379, %get3A_380] {strides = array<i32>} : memref<64x128xf32, #tpu.memory_space<vmem>>, vector<16xf32>,
        %add3A_382 = arith.constant 2040 : i32
        %add3A_383 = arith.addi %add3A_382, %add3A_355 : i32
        %add3A_384 = vector.broadcast %add3A_383 : i32 to vector<16xi32>
        %add3A_385 = arith.addi %mul3A_33, %add3A_384 : vector<16xi32>
        tpu.vector_store_idx %arg11[%add3A_385], %get3A_381 : memref<10480xf32, #tpu.memory_space<vmem>>[vector<16xi32>], vector<16xf32>,
        %get3A_386 = arith.index_cast %add3A_357 : i32 to index
        %get3A_387 = arith.constant 64 : index
        %get3A_388 = tpu.vector_load %arg10[%get3A_386, %get3A_387] {strides = array<i32>} : memref<64x128xf32, #tpu.memory_space<vmem>>, vector<16xf32>,
        %add3A_389 = arith.constant 2680 : i32
        %add3A_390 = arith.addi %add3A_389, %add3A_355 : i32
        %add3A_391 = vector.broadcast %add3A_390 : i32 to vector<16xi32>
        %add3A_392 = arith.addi %mul3A_33, %add3A_391 : vector<16xi32>
        tpu.vector_store_idx %arg11[%add3A_392], %get3A_388 : memref<10480xf32, #tpu.memory_space<vmem>>[vector<16xi32>], vector<16xf32>,
        %get3A_393 = arith.index_cast %add3A_357 : i32 to index
        %get3A_394 = arith.constant 80 : index
        %get3A_395 = tpu.vector_load %arg10[%get3A_393, %get3A_394] {strides = array<i32>} : memref<64x128xf32, #tpu.memory_space<vmem>>, vector<16xf32>,
        %add3A_396 = arith.constant 3320 : i32
        %add3A_397 = arith.addi %add3A_396, %add3A_355 : i32
        %add3A_398 = vector.broadcast %add3A_397 : i32 to vector<16xi32>
        %add3A_399 = arith.addi %mul3A_33, %add3A_398 : vector<16xi32>
        tpu.vector_store_idx %arg11[%add3A_399], %get3A_395 : memref<10480xf32, #tpu.memory_space<vmem>>[vector<16xi32>], vector<16xf32>,
        %get3A_400 = arith.index_cast %add3A_357 : i32 to index
        %get3A_401 = arith.constant 96 : index
        %get3A_402 = tpu.vector_load %arg10[%get3A_400, %get3A_401] {strides = array<i32>} : memref<64x128xf32, #tpu.memory_space<vmem>>, vector<16xf32>,
        %add3A_403 = arith.constant 3960 : i32
        %add3A_404 = arith.addi %add3A_403, %add3A_355 : i32
        %add3A_405 = vector.broadcast %add3A_404 : i32 to vector<16xi32>
        %add3A_406 = arith.addi %mul3A_33, %add3A_405 : vector<16xi32>
        tpu.vector_store_idx %arg11[%add3A_406], %get3A_402 : memref<10480xf32, #tpu.memory_space<vmem>>[vector<16xi32>], vector<16xf32>,
        %get3A_407 = arith.index_cast %add3A_357 : i32 to index
        %get3A_408 = arith.constant 112 : index
        %get3A_409 = tpu.vector_load %arg10[%get3A_407, %get3A_408] {strides = array<i32>} : memref<64x128xf32, #tpu.memory_space<vmem>>, vector<16xf32>,
        %add3A_410 = arith.constant 4600 : i32
        %add3A_411 = arith.addi %add3A_410, %add3A_355 : i32
        %add3A_412 = vector.broadcast %add3A_411 : i32 to vector<16xi32>
        %add3A_413 = arith.addi %mul3A_33, %add3A_412 : vector<16xi32>
        tpu.vector_store_idx %arg11[%add3A_413], %get3A_409 : memref<10480xf32, #tpu.memory_space<vmem>>[vector<16xi32>], vector<16xf32>,
        %add3A_414 = arith.constant 1 : i32
        %add3A_415 = arith.addi %mul3A_353, %add3A_414 : i32
        %add3A_416 = arith.constant 0 : i32
        %add3A_417 = arith.addi %add3A_416, %add3A_415 : i32
        %get3A_418 = arith.index_cast %add3A_417 : i32 to index
        %get3A_419 = arith.constant 0 : index
        %get3A_420 = tpu.vector_load %arg10[%get3A_418, %get3A_419] {strides = array<i32>} : memref<64x128xf32, #tpu.memory_space<vmem>>, vector<16xf32>,
        %add3A_421 = arith.constant 120 : i32
        %add3A_422 = arith.addi %add3A_421, %add3A_415 : i32
        %add3A_423 = vector.broadcast %add3A_422 : i32 to vector<16xi32>
        %add3A_424 = arith.addi %mul3A_33, %add3A_423 : vector<16xi32>
        tpu.vector_store_idx %arg11[%add3A_424], %get3A_420 : memref<10480xf32, #tpu.memory_space<vmem>>[vector<16xi32>], vector<16xf32>,
        %get3A_425 = arith.index_cast %add3A_417 : i32 to index
        %get3A_426 = arith.constant 16 : index
        %get3A_427 = tpu.vector_load %arg10[%get3A_425, %get3A_426] {strides = array<i32>} : memref<64x128xf32, #tpu.memory_space<vmem>>, vector<16xf32>,
        %add3A_428 = arith.constant 760 : i32
        %add3A_429 = arith.addi %add3A_428, %add3A_415 : i32
        %add3A_430 = vector.broadcast %add3A_429 : i32 to vector<16xi32>
        %add3A_431 = arith.addi %mul3A_33, %add3A_430 : vector<16xi32>
        tpu.vector_store_idx %arg11[%add3A_431], %get3A_427 : memref<10480xf32, #tpu.memory_space<vmem>>[vector<16xi32>], vector<16xf32>,
        %get3A_432 = arith.index_cast %add3A_417 : i32 to index
        %get3A_433 = arith.constant 32 : index
        %get3A_434 = tpu.vector_load %arg10[%get3A_432, %get3A_433] {strides = array<i32>} : memref<64x128xf32, #tpu.memory_space<vmem>>, vector<16xf32>,
        %add3A_435 = arith.constant 1400 : i32
        %add3A_436 = arith.addi %add3A_435, %add3A_415 : i32
        %add3A_437 = vector.broadcast %add3A_436 : i32 to vector<16xi32>
        %add3A_438 = arith.addi %mul3A_33, %add3A_437 : vector<16xi32>
        tpu.vector_store_idx %arg11[%add3A_438], %get3A_434 : memref<10480xf32, #tpu.memory_space<vmem>>[vector<16xi32>], vector<16xf32>,
        %get3A_439 = arith.index_cast %add3A_417 : i32 to index
        %get3A_440 = arith.constant 48 : index
        %get3A_441 = tpu.vector_load %arg10[%get3A_439, %get3A_440] {strides = array<i32>} : memref<64x128xf32, #tpu.memory_space<vmem>>, vector<16xf32>,
        %add3A_442 = arith.constant 2040 : i32
        %add3A_443 = arith.addi %add3A_442, %add3A_415 : i32
        %add3A_444 = vector.broadcast %add3A_443 : i32 to vector<16xi32>
        %add3A_445 = arith.addi %mul3A_33, %add3A_444 : vector<16xi32>
        tpu.vector_store_idx %arg11[%add3A_445], %get3A_441 : memref<10480xf32, #tpu.memory_space<vmem>>[vector<16xi32>], vector<16xf32>,
        %get3A_446 = arith.index_cast %add3A_417 : i32 to index
        %get3A_447 = arith.constant 64 : index
        %get3A_448 = tpu.vector_load %arg10[%get3A_446, %get3A_447] {strides = array<i32>} : memref<64x128xf32, #tpu.memory_space<vmem>>, vector<16xf32>,
        %add3A_449 = arith.constant 2680 : i32
        %add3A_450 = arith.addi %add3A_449, %add3A_415 : i32
        %add3A_451 = vector.broadcast %add3A_450 : i32 to vector<16xi32>
        %add3A_452 = arith.addi %mul3A_33, %add3A_451 : vector<16xi32>
        tpu.vector_store_idx %arg11[%add3A_452], %get3A_448 : memref<10480xf32, #tpu.memory_space<vmem>>[vector<16xi32>], vector<16xf32>,
        %get3A_453 = arith.index_cast %add3A_417 : i32 to index
        %get3A_454 = arith.constant 80 : index
        %get3A_455 = tpu.vector_load %arg10[%get3A_453, %get3A_454] {strides = array<i32>} : memref<64x128xf32, #tpu.memory_space<vmem>>, vector<16xf32>,
        %add3A_456 = arith.constant 3320 : i32
        %add3A_457 = arith.addi %add3A_456, %add3A_415 : i32
        %add3A_458 = vector.broadcast %add3A_457 : i32 to vector<16xi32>
        %add3A_459 = arith.addi %mul3A_33, %add3A_458 : vector<16xi32>
        tpu.vector_store_idx %arg11[%add3A_459], %get3A_455 : memref<10480xf32, #tpu.memory_space<vmem>>[vector<16xi32>], vector<16xf32>,
        %get3A_460 = arith.index_cast %add3A_417 : i32 to index
        %get3A_461 = arith.constant 96 : index
        %get3A_462 = tpu.vector_load %arg10[%get3A_460, %get3A_461] {strides = array<i32>} : memref<64x128xf32, #tpu.memory_space<vmem>>, vector<16xf32>,
        %add3A_463 = arith.constant 3960 : i32
        %add3A_464 = arith.addi %add3A_463, %add3A_415 : i32
        %add3A_465 = vector.broadcast %add3A_464 : i32 to vector<16xi32>
        %add3A_466 = arith.addi %mul3A_33, %add3A_465 : vector<16xi32>
        tpu.vector_store_idx %arg11[%add3A_466], %get3A_462 : memref<10480xf32, #tpu.memory_space<vmem>>[vector<16xi32>], vector<16xf32>,
        %get3A_467 = arith.index_cast %add3A_417 : i32 to index
        %get3A_468 = arith.constant 112 : index
        %get3A_469 = tpu.vector_load %arg10[%get3A_467, %get3A_468] {strides = array<i32>} : memref<64x128xf32, #tpu.memory_space<vmem>>, vector<16xf32>,
        %add3A_470 = arith.constant 4600 : i32
        %add3A_471 = arith.addi %add3A_470, %add3A_415 : i32
        %add3A_472 = vector.broadcast %add3A_471 : i32 to vector<16xi32>
        %add3A_473 = arith.addi %mul3A_33, %add3A_472 : vector<16xi32>
        tpu.vector_store_idx %arg11[%add3A_473], %get3A_469 : memref<10480xf32, #tpu.memory_space<vmem>>[vector<16xi32>], vector<16xf32>,
        %add3A_474 = arith.constant 2 : i32
        %add3A_475 = arith.addi %mul3A_353, %add3A_474 : i32
        %add3A_476 = arith.constant 0 : i32
        %add3A_477 = arith.addi %add3A_476, %add3A_475 : i32
        %get3A_478 = arith.index_cast %add3A_477 : i32 to index
        %get3A_479 = arith.constant 0 : index
        %get3A_480 = tpu.vector_load %arg10[%get3A_478, %get3A_479] {strides = array<i32>} : memref<64x128xf32, #tpu.memory_space<vmem>>, vector<16xf32>,
        %add3A_481 = arith.constant 120 : i32
        %add3A_482 = arith.addi %add3A_481, %add3A_475 : i32
        %add3A_483 = vector.broadcast %add3A_482 : i32 to vector<16xi32>
        %add3A_484 = arith.addi %mul3A_33, %add3A_483 : vector<16xi32>
        tpu.vector_store_idx %arg11[%add3A_484], %get3A_480 : memref<10480xf32, #tpu.memory_space<vmem>>[vector<16xi32>], vector<16xf32>,
        %get3A_485 = arith.index_cast %add3A_477 : i32 to index
        %get3A_486 = arith.constant 16 : index
        %get3A_487 = tpu.vector_load %arg10[%get3A_485, %get3A_486] {strides = array<i32>} : memref<64x128xf32, #tpu.memory_space<vmem>>, vector<16xf32>,
        %add3A_488 = arith.constant 760 : i32
        %add3A_489 = arith.addi %add3A_488, %add3A_475 : i32
        %add3A_490 = vector.broadcast %add3A_489 : i32 to vector<16xi32>
        %add3A_491 = arith.addi %mul3A_33, %add3A_490 : vector<16xi32>
        tpu.vector_store_idx %arg11[%add3A_491], %get3A_487 : memref<10480xf32, #tpu.memory_space<vmem>>[vector<16xi32>], vector<16xf32>,
        %get3A_492 = arith.index_cast %add3A_477 : i32 to index
        %get3A_493 = arith.constant 32 : index
        %get3A_494 = tpu.vector_load %arg10[%get3A_492, %get3A_493] {strides = array<i32>} : memref<64x128xf32, #tpu.memory_space<vmem>>, vector<16xf32>,
        %add3A_495 = arith.constant 1400 : i32
        %add3A_496 = arith.addi %add3A_495, %add3A_475 : i32
        %add3A_497 = vector.broadcast %add3A_496 : i32 to vector<16xi32>
        %add3A_498 = arith.addi %mul3A_33, %add3A_497 : vector<16xi32>
        tpu.vector_store_idx %arg11[%add3A_498], %get3A_494 : memref<10480xf32, #tpu.memory_space<vmem>>[vector<16xi32>], vector<16xf32>,
        %get3A_499 = arith.index_cast %add3A_477 : i32 to index
        %get3A_500 = arith.constant 48 : index
        %get3A_501 = tpu.vector_load %arg10[%get3A_499, %get3A_500] {strides = array<i32>} : memref<64x128xf32, #tpu.memory_space<vmem>>, vector<16xf32>,
        %add3A_502 = arith.constant 2040 : i32
        %add3A_503 = arith.addi %add3A_502, %add3A_475 : i32
        %add3A_504 = vector.broadcast %add3A_503 : i32 to vector<16xi32>
        %add3A_505 = arith.addi %mul3A_33, %add3A_504 : vector<16xi32>
        tpu.vector_store_idx %arg11[%add3A_505], %get3A_501 : memref<10480xf32, #tpu.memory_space<vmem>>[vector<16xi32>], vector<16xf32>,
        %get3A_506 = arith.index_cast %add3A_477 : i32 to index
        %get3A_507 = arith.constant 64 : index
        %get3A_508 = tpu.vector_load %arg10[%get3A_506, %get3A_507] {strides = array<i32>} : memref<64x128xf32, #tpu.memory_space<vmem>>, vector<16xf32>,
        %add3A_509 = arith.constant 2680 : i32
        %add3A_510 = arith.addi %add3A_509, %add3A_475 : i32
        %add3A_511 = vector.broadcast %add3A_510 : i32 to vector<16xi32>
        %add3A_512 = arith.addi %mul3A_33, %add3A_511 : vector<16xi32>
        tpu.vector_store_idx %arg11[%add3A_512], %get3A_508 : memref<10480xf32, #tpu.memory_space<vmem>>[vector<16xi32>], vector<16xf32>,
        %get3A_513 = arith.index_cast %add3A_477 : i32 to index
        %get3A_514 = arith.constant 80 : index
        %get3A_515 = tpu.vector_load %arg10[%get3A_513, %get3A_514] {strides = array<i32>} : memref<64x128xf32, #tpu.memory_space<vmem>>, vector<16xf32>,
        %add3A_516 = arith.constant 3320 : i32
        %add3A_517 = arith.addi %add3A_516, %add3A_475 : i32
        %add3A_518 = vector.broadcast %add3A_517 : i32 to vector<16xi32>
        %add3A_519 = arith.addi %mul3A_33, %add3A_518 : vector<16xi32>
        tpu.vector_store_idx %arg11[%add3A_519], %get3A_515 : memref<10480xf32, #tpu.memory_space<vmem>>[vector<16xi32>], vector<16xf32>,
        %get3A_520 = arith.index_cast %add3A_477 : i32 to index
        %get3A_521 = arith.constant 96 : index
        %get3A_522 = tpu.vector_load %arg10[%get3A_520, %get3A_521] {strides = array<i32>} : memref<64x128xf32, #tpu.memory_space<vmem>>, vector<16xf32>,
        %add3A_523 = arith.constant 3960 : i32
        %add3A_524 = arith.addi %add3A_523, %add3A_475 : i32
        %add3A_525 = vector.broadcast %add3A_524 : i32 to vector<16xi32>
        %add3A_526 = arith.addi %mul3A_33, %add3A_525 : vector<16xi32>
        tpu.vector_store_idx %arg11[%add3A_526], %get3A_522 : memref<10480xf32, #tpu.memory_space<vmem>>[vector<16xi32>], vector<16xf32>,
        %get3A_527 = arith.index_cast %add3A_477 : i32 to index
        %get3A_528 = arith.constant 112 : index
        %get3A_529 = tpu.vector_load %arg10[%get3A_527, %get3A_528] {strides = array<i32>} : memref<64x128xf32, #tpu.memory_space<vmem>>, vector<16xf32>,
        %add3A_530 = arith.constant 4600 : i32
        %add3A_531 = arith.addi %add3A_530, %add3A_475 : i32
        %add3A_532 = vector.broadcast %add3A_531 : i32 to vector<16xi32>
        %add3A_533 = arith.addi %mul3A_33, %add3A_532 : vector<16xi32>
        tpu.vector_store_idx %arg11[%add3A_533], %get3A_529 : memref<10480xf32, #tpu.memory_space<vmem>>[vector<16xi32>], vector<16xf32>,
        %add3A_534 = arith.constant 3 : i32
        %add3A_535 = arith.addi %mul3A_353, %add3A_534 : i32
        %add3A_536 = arith.constant 0 : i32
        %add3A_537 = arith.addi %add3A_536, %add3A_535 : i32
        %get3A_538 = arith.index_cast %add3A_537 : i32 to index
        %get3A_539 = arith.constant 0 : index
        %get3A_540 = tpu.vector_load %arg10[%get3A_538, %get3A_539] {strides = array<i32>} : memref<64x128xf32, #tpu.memory_space<vmem>>, vector<16xf32>,
        %add3A_541 = arith.constant 120 : i32
        %add3A_542 = arith.addi %add3A_541, %add3A_535 : i32
        %add3A_543 = vector.broadcast %add3A_542 : i32 to vector<16xi32>
        %add3A_544 = arith.addi %mul3A_33, %add3A_543 : vector<16xi32>
        tpu.vector_store_idx %arg11[%add3A_544], %get3A_540 : memref<10480xf32, #tpu.memory_space<vmem>>[vector<16xi32>], vector<16xf32>,
        %get3A_545 = arith.index_cast %add3A_537 : i32 to index
        %get3A_546 = arith.constant 16 : index
        %get3A_547 = tpu.vector_load %arg10[%get3A_545, %get3A_546] {strides = array<i32>} : memref<64x128xf32, #tpu.memory_space<vmem>>, vector<16xf32>,
        %add3A_548 = arith.constant 760 : i32
        %add3A_549 = arith.addi %add3A_548, %add3A_535 : i32
        %add3A_550 = vector.broadcast %add3A_549 : i32 to vector<16xi32>
        %add3A_551 = arith.addi %mul3A_33, %add3A_550 : vector<16xi32>
        tpu.vector_store_idx %arg11[%add3A_551], %get3A_547 : memref<10480xf32, #tpu.memory_space<vmem>>[vector<16xi32>], vector<16xf32>,
        %get3A_552 = arith.index_cast %add3A_537 : i32 to index
        %get3A_553 = arith.constant 32 : index
        %get3A_554 = tpu.vector_load %arg10[%get3A_552, %get3A_553] {strides = array<i32>} : memref<64x128xf32, #tpu.memory_space<vmem>>, vector<16xf32>,
        %add3A_555 = arith.constant 1400 : i32
        %add3A_556 = arith.addi %add3A_555, %add3A_535 : i32
        %add3A_557 = vector.broadcast %add3A_556 : i32 to vector<16xi32>
        %add3A_558 = arith.addi %mul3A_33, %add3A_557 : vector<16xi32>
        tpu.vector_store_idx %arg11[%add3A_558], %get3A_554 : memref<10480xf32, #tpu.memory_space<vmem>>[vector<16xi32>], vector<16xf32>,
        %get3A_559 = arith.index_cast %add3A_537 : i32 to index
        %get3A_560 = arith.constant 48 : index
        %get3A_561 = tpu.vector_load %arg10[%get3A_559, %get3A_560] {strides = array<i32>} : memref<64x128xf32, #tpu.memory_space<vmem>>, vector<16xf32>,
        %add3A_562 = arith.constant 2040 : i32
        %add3A_563 = arith.addi %add3A_562, %add3A_535 : i32
        %add3A_564 = vector.broadcast %add3A_563 : i32 to vector<16xi32>
        %add3A_565 = arith.addi %mul3A_33, %add3A_564 : vector<16xi32>
        tpu.vector_store_idx %arg11[%add3A_565], %get3A_561 : memref<10480xf32, #tpu.memory_space<vmem>>[vector<16xi32>], vector<16xf32>,
        %get3A_566 = arith.index_cast %add3A_537 : i32 to index
        %get3A_567 = arith.constant 64 : index
        %get3A_568 = tpu.vector_load %arg10[%get3A_566, %get3A_567] {strides = array<i32>} : memref<64x128xf32, #tpu.memory_space<vmem>>, vector<16xf32>,
        %add3A_569 = arith.constant 2680 : i32
        %add3A_570 = arith.addi %add3A_569, %add3A_535 : i32
        %add3A_571 = vector.broadcast %add3A_570 : i32 to vector<16xi32>
        %add3A_572 = arith.addi %mul3A_33, %add3A_571 : vector<16xi32>
        tpu.vector_store_idx %arg11[%add3A_572], %get3A_568 : memref<10480xf32, #tpu.memory_space<vmem>>[vector<16xi32>], vector<16xf32>,
        %get3A_573 = arith.index_cast %add3A_537 : i32 to index
        %get3A_574 = arith.constant 80 : index
        %get3A_575 = tpu.vector_load %arg10[%get3A_573, %get3A_574] {strides = array<i32>} : memref<64x128xf32, #tpu.memory_space<vmem>>, vector<16xf32>,
        %add3A_576 = arith.constant 3320 : i32
        %add3A_577 = arith.addi %add3A_576, %add3A_535 : i32
        %add3A_578 = vector.broadcast %add3A_577 : i32 to vector<16xi32>
        %add3A_579 = arith.addi %mul3A_33, %add3A_578 : vector<16xi32>
        tpu.vector_store_idx %arg11[%add3A_579], %get3A_575 : memref<10480xf32, #tpu.memory_space<vmem>>[vector<16xi32>], vector<16xf32>,
        %get3A_580 = arith.index_cast %add3A_537 : i32 to index
        %get3A_581 = arith.constant 96 : index
        %get3A_582 = tpu.vector_load %arg10[%get3A_580, %get3A_581] {strides = array<i32>} : memref<64x128xf32, #tpu.memory_space<vmem>>, vector<16xf32>,
        %add3A_583 = arith.constant 3960 : i32
        %add3A_584 = arith.addi %add3A_583, %add3A_535 : i32
        %add3A_585 = vector.broadcast %add3A_584 : i32 to vector<16xi32>
        %add3A_586 = arith.addi %mul3A_33, %add3A_585 : vector<16xi32>
        tpu.vector_store_idx %arg11[%add3A_586], %get3A_582 : memref<10480xf32, #tpu.memory_space<vmem>>[vector<16xi32>], vector<16xf32>,
        %get3A_587 = arith.index_cast %add3A_537 : i32 to index
        %get3A_588 = arith.constant 112 : index
        %get3A_589 = tpu.vector_load %arg10[%get3A_587, %get3A_588] {strides = array<i32>} : memref<64x128xf32, #tpu.memory_space<vmem>>, vector<16xf32>,
        %add3A_590 = arith.constant 4600 : i32
        %add3A_591 = arith.addi %add3A_590, %add3A_535 : i32
        %add3A_592 = vector.broadcast %add3A_591 : i32 to vector<16xi32>
        %add3A_593 = arith.addi %mul3A_33, %add3A_592 : vector<16xi32>
        tpu.vector_store_idx %arg11[%add3A_593], %get3A_589 : memref<10480xf32, #tpu.memory_space<vmem>>[vector<16xi32>], vector<16xf32>,
        %scan3A_594 = arith.constant 0 : i32
        scf.yield %scan3A_594 : i32
      }
      %scan3A_279 = arith.constant 8 : i32
      %dma_wait3A_280 = arith.constant 32 : i32
      %dma_wait3A_281 = arith.constant 0 : i32
      %dma_wait3A_282 = tpu.memref_slice %arg10[%dma_wait3A_280, %dma_wait3A_281] : memref<64x128xf32, #tpu.memory_space<vmem>> -> memref<16x128xf32, #tpu.memory_space<vmem>>
      %dma_wait3A_283 = arith.constant 0 : i32
      %dma_wait3A_284 = arith.constant 0 : i32
      %dma_wait3A_285 = tpu.memref_slice %arg3[%dma_wait3A_283, %dma_wait3A_284] : memref<16384x128xf32, #tpu.memory_space<hbm>> -> memref<16384x128xf32, #tpu.memory_space<hbm>>
      tpu.wait_indirect_dma semaphore(%arg16 : memref<!tpu.dma_semaphore, #tpu.memory_space<semaphore_mem>>) src(%dma_wait3A_285 : memref<16384x128xf32, #tpu.memory_space<hbm>>) dst(%dma_wait3A_282 : memref<16x128xf32, #tpu.memory_space<vmem>>)
      %dma_wait3A_286 = arith.constant 48 : i32
      %dma_wait3A_287 = arith.constant 0 : i32
      %dma_wait3A_288 = tpu.memref_slice %arg10[%dma_wait3A_286, %dma_wait3A_287] : memref<64x128xf32, #tpu.memory_space<vmem>> -> memref<16x128xf32, #tpu.memory_space<vmem>>
      %dma_wait3A_289 = arith.constant 0 : i32
      %dma_wait3A_290 = arith.constant 0 : i32
      %dma_wait3A_291 = tpu.memref_slice %arg3[%dma_wait3A_289, %dma_wait3A_290] : memref<16384x128xf32, #tpu.memory_space<hbm>> -> memref<16384x128xf32, #tpu.memory_space<hbm>>
      tpu.wait_indirect_dma semaphore(%arg16 : memref<!tpu.dma_semaphore, #tpu.memory_space<semaphore_mem>>) src(%dma_wait3A_291 : memref<16384x128xf32, #tpu.memory_space<hbm>>) dst(%dma_wait3A_288 : memref<16x128xf32, #tpu.memory_space<vmem>>)
      %get3A_292 = arith.index_cast %add3A_93 : i32 to index
      %get3A_293 = arith.constant 0 : index
      %get3A_294 = tpu.vector_load %arg8[%get3A_292, %get3A_293] {strides = array<i32>} : memref<128x16xf32, #tpu.memory_space<vmem>>, vector<16xf32>,
      %slice3A_295 = vector.extract_strided_slice %get3A_294 {offsets = [0], sizes = [1], strides = [1]} : vector<16xf32> to vector<1xf32>
      %squeeze3A_296 = vector.extract %slice3A_295[0] : f32 from vector<1xf32>
      %broadcast_in_dim3A_297 = vector.broadcast %squeeze3A_296 : f32 to vector<16xf32>
      %gather3A_298 = tpu.vector_load_idx %arg13[%select_n3A_200] : memref<8192xf32, #tpu.memory_space<vmem>>[vector<16xi32>], vector<16xf32>,
      %sub3A_299 = arith.subf %gather3A_298, %broadcast_in_dim3A_297 : vector<16xf32>
      %swap3A_300 = arith.constant 5240 : index
      %swap3A_301 = tpu.vector_load %arg11[%swap3A_300] {strides = array<i32>} : memref<10480xf32, #tpu.memory_space<vmem>>, vector<16xf32>,
      tpu.vector_store %arg11[%swap3A_300], %sub3A_299 {strides = array<i32>} : memref<10480xf32, #tpu.memory_space<vmem>>, vector<16xf32>,
      %gather3A_302 = tpu.vector_load_idx %arg13[%select_n3A_205] : memref<8192xf32, #tpu.memory_space<vmem>>[vector<16xi32>], vector<16xf32>,
      %sub3A_303 = arith.subf %gather3A_302, %broadcast_in_dim3A_297 : vector<16xf32>
      %swap3A_304 = arith.constant 5256 : index
      %swap3A_305 = tpu.vector_load %arg11[%swap3A_304] {strides = array<i32>} : memref<10480xf32, #tpu.memory_space<vmem>>, vector<16xf32>,
      tpu.vector_store %arg11[%swap3A_304], %sub3A_303 {strides = array<i32>} : memref<10480xf32, #tpu.memory_space<vmem>>, vector<16xf32>,
      %slice3A_306 = vector.extract_strided_slice %get3A_294 {offsets = [1], sizes = [1], strides = [1]} : vector<16xf32> to vector<1xf32>
      %squeeze3A_307 = vector.extract %slice3A_306[0] : f32 from vector<1xf32>
      %broadcast_in_dim3A_308 = vector.broadcast %squeeze3A_307 : f32 to vector<16xf32>
      %gather3A_309 = tpu.vector_load_idx %arg14[%select_n3A_200] : memref<8192xf32, #tpu.memory_space<vmem>>[vector<16xi32>], vector<16xf32>,
      %sub3A_310 = arith.subf %gather3A_309, %broadcast_in_dim3A_308 : vector<16xf32>
      %swap3A_311 = arith.constant 5280 : index
      %swap3A_312 = tpu.vector_load %arg11[%swap3A_311] {strides = array<i32>} : memref<10480xf32, #tpu.memory_space<vmem>>, vector<16xf32>,
      tpu.vector_store %arg11[%swap3A_311], %sub3A_310 {strides = array<i32>} : memref<10480xf32, #tpu.memory_space<vmem>>, vector<16xf32>,
      %gather3A_313 = tpu.vector_load_idx %arg14[%select_n3A_205] : memref<8192xf32, #tpu.memory_space<vmem>>[vector<16xi32>], vector<16xf32>,
      %sub3A_314 = arith.subf %gather3A_313, %broadcast_in_dim3A_308 : vector<16xf32>
      %swap3A_315 = arith.constant 5296 : index
      %swap3A_316 = tpu.vector_load %arg11[%swap3A_315] {strides = array<i32>} : memref<10480xf32, #tpu.memory_space<vmem>>, vector<16xf32>,
      tpu.vector_store %arg11[%swap3A_315], %sub3A_314 {strides = array<i32>} : memref<10480xf32, #tpu.memory_space<vmem>>, vector<16xf32>,
      %slice3A_317 = vector.extract_strided_slice %get3A_294 {offsets = [2], sizes = [1], strides = [1]} : vector<16xf32> to vector<1xf32>
      %squeeze3A_318 = vector.extract %slice3A_317[0] : f32 from vector<1xf32>
      %broadcast_in_dim3A_319 = vector.broadcast %squeeze3A_318 : f32 to vector<16xf32>
      %gather3A_320 = tpu.vector_load_idx %arg15[%select_n3A_200] : memref<8192xf32, #tpu.memory_space<vmem>>[vector<16xi32>], vector<16xf32>,
      %sub3A_321 = arith.subf %gather3A_320, %broadcast_in_dim3A_319 : vector<16xf32>
      %swap3A_322 = arith.constant 5320 : index
      %swap3A_323 = tpu.vector_load %arg11[%swap3A_322] {strides = array<i32>} : memref<10480xf32, #tpu.memory_space<vmem>>, vector<16xf32>,
      tpu.vector_store %arg11[%swap3A_322], %sub3A_321 {strides = array<i32>} : memref<10480xf32, #tpu.memory_space<vmem>>, vector<16xf32>,
      %gather3A_324 = tpu.vector_load_idx %arg15[%select_n3A_205] : memref<8192xf32, #tpu.memory_space<vmem>>[vector<16xi32>], vector<16xf32>,
      %sub3A_325 = arith.subf %gather3A_324, %broadcast_in_dim3A_319 : vector<16xf32>
      %swap3A_326 = arith.constant 5336 : index
      %swap3A_327 = tpu.vector_load %arg11[%swap3A_326] {strides = array<i32>} : memref<10480xf32, #tpu.memory_space<vmem>>, vector<16xf32>,
      tpu.vector_store %arg11[%swap3A_326], %sub3A_325 {strides = array<i32>} : memref<10480xf32, #tpu.memory_space<vmem>>, vector<16xf32>,
      %scan3A_328 = arith.constant 0 : i32
      %scan3A_329 = arith.constant 0 : i32
      %scan3A_330 = arith.constant 8 : i32
      %scan3A_331 = arith.addi %scan3A_329, %scan3A_330 : i32
      %scan3A_332 = arith.constant 1 : i32
      %scan3A_333 = scf.for %scan3A_350 = %scan3A_329 to %scan3A_331 step %scan3A_332 iter_args(%scan3A_351 = %scan3A_328) -> (i32)  : i32 {
        %mul3A_352 = arith.constant 4 : i32
        %mul3A_353 = arith.muli %scan3A_350, %mul3A_352 : i32
        %add3A_354 = arith.constant 0 : i32
        %add3A_355 = arith.addi %mul3A_353, %add3A_354 : i32
        %add3A_356 = arith.constant 32 : i32
        %add3A_357 = arith.addi %add3A_356, %add3A_355 : i32
        %get3A_358 = arith.index_cast %add3A_357 : i32 to index
        %get3A_359 = arith.constant 0 : index
        %get3A_360 = tpu.vector_load %arg10[%get3A_358, %get3A_359] {strides = array<i32>} : memref<64x128xf32, #tpu.memory_space<vmem>>, vector<16xf32>,
        %add3A_361 = arith.constant 5360 : i32
        %add3A_362 = arith.addi %add3A_361, %add3A_355 : i32
        %add3A_363 = vector.broadcast %add3A_362 : i32 to vector<16xi32>
        %add3A_364 = arith.addi %mul3A_33, %add3A_363 : vector<16xi32>
        tpu.vector_store_idx %arg11[%add3A_364], %get3A_360 : memref<10480xf32, #tpu.memory_space<vmem>>[vector<16xi32>], vector<16xf32>,
        %get3A_365 = arith.index_cast %add3A_357 : i32 to index
        %get3A_366 = arith.constant 16 : index
        %get3A_367 = tpu.vector_load %arg10[%get3A_365, %get3A_366] {strides = array<i32>} : memref<64x128xf32, #tpu.memory_space<vmem>>, vector<16xf32>,
        %add3A_368 = arith.constant 6000 : i32
        %add3A_369 = arith.addi %add3A_368, %add3A_355 : i32
        %add3A_370 = vector.broadcast %add3A_369 : i32 to vector<16xi32>
        %add3A_371 = arith.addi %mul3A_33, %add3A_370 : vector<16xi32>
        tpu.vector_store_idx %arg11[%add3A_371], %get3A_367 : memref<10480xf32, #tpu.memory_space<vmem>>[vector<16xi32>], vector<16xf32>,
        %get3A_372 = arith.index_cast %add3A_357 : i32 to index
        %get3A_373 = arith.constant 32 : index
        %get3A_374 = tpu.vector_load %arg10[%get3A_372, %get3A_373] {strides = array<i32>} : memref<64x128xf32, #tpu.memory_space<vmem>>, vector<16xf32>,
        %add3A_375 = arith.constant 6640 : i32
        %add3A_376 = arith.addi %add3A_375, %add3A_355 : i32
        %add3A_377 = vector.broadcast %add3A_376 : i32 to vector<16xi32>
        %add3A_378 = arith.addi %mul3A_33, %add3A_377 : vector<16xi32>
        tpu.vector_store_idx %arg11[%add3A_378], %get3A_374 : memref<10480xf32, #tpu.memory_space<vmem>>[vector<16xi32>], vector<16xf32>,
        %get3A_379 = arith.index_cast %add3A_357 : i32 to index
        %get3A_380 = arith.constant 48 : index
        %get3A_381 = tpu.vector_load %arg10[%get3A_379, %get3A_380] {strides = array<i32>} : memref<64x128xf32, #tpu.memory_space<vmem>>, vector<16xf32>,
        %add3A_382 = arith.constant 7280 : i32
        %add3A_383 = arith.addi %add3A_382, %add3A_355 : i32
        %add3A_384 = vector.broadcast %add3A_383 : i32 to vector<16xi32>
        %add3A_385 = arith.addi %mul3A_33, %add3A_384 : vector<16xi32>
        tpu.vector_store_idx %arg11[%add3A_385], %get3A_381 : memref<10480xf32, #tpu.memory_space<vmem>>[vector<16xi32>], vector<16xf32>,
        %get3A_386 = arith.index_cast %add3A_357 : i32 to index
        %get3A_387 = arith.constant 64 : index
        %get3A_388 = tpu.vector_load %arg10[%get3A_386, %get3A_387] {strides = array<i32>} : memref<64x128xf32, #tpu.memory_space<vmem>>, vector<16xf32>,
        %add3A_389 = arith.constant 7920 : i32
        %add3A_390 = arith.addi %add3A_389, %add3A_355 : i32
        %add3A_391 = vector.broadcast %add3A_390 : i32 to vector<16xi32>
        %add3A_392 = arith.addi %mul3A_33, %add3A_391 : vector<16xi32>
        tpu.vector_store_idx %arg11[%add3A_392], %get3A_388 : memref<10480xf32, #tpu.memory_space<vmem>>[vector<16xi32>], vector<16xf32>,
        %get3A_393 = arith.index_cast %add3A_357 : i32 to index
        %get3A_394 = arith.constant 80 : index
        %get3A_395 = tpu.vector_load %arg10[%get3A_393, %get3A_394] {strides = array<i32>} : memref<64x128xf32, #tpu.memory_space<vmem>>, vector<16xf32>,
        %add3A_396 = arith.constant 8560 : i32
        %add3A_397 = arith.addi %add3A_396, %add3A_355 : i32
        %add3A_398 = vector.broadcast %add3A_397 : i32 to vector<16xi32>
        %add3A_399 = arith.addi %mul3A_33, %add3A_398 : vector<16xi32>
        tpu.vector_store_idx %arg11[%add3A_399], %get3A_395 : memref<10480xf32, #tpu.memory_space<vmem>>[vector<16xi32>], vector<16xf32>,
        %get3A_400 = arith.index_cast %add3A_357 : i32 to index
        %get3A_401 = arith.constant 96 : index
        %get3A_402 = tpu.vector_load %arg10[%get3A_400, %get3A_401] {strides = array<i32>} : memref<64x128xf32, #tpu.memory_space<vmem>>, vector<16xf32>,
        %add3A_403 = arith.constant 9200 : i32
        %add3A_404 = arith.addi %add3A_403, %add3A_355 : i32
        %add3A_405 = vector.broadcast %add3A_404 : i32 to vector<16xi32>
        %add3A_406 = arith.addi %mul3A_33, %add3A_405 : vector<16xi32>
        tpu.vector_store_idx %arg11[%add3A_406], %get3A_402 : memref<10480xf32, #tpu.memory_space<vmem>>[vector<16xi32>], vector<16xf32>,
        %get3A_407 = arith.index_cast %add3A_357 : i32 to index
        %get3A_408 = arith.constant 112 : index
        %get3A_409 = tpu.vector_load %arg10[%get3A_407, %get3A_408] {strides = array<i32>} : memref<64x128xf32, #tpu.memory_space<vmem>>, vector<16xf32>,
        %add3A_410 = arith.constant 9840 : i32
        %add3A_411 = arith.addi %add3A_410, %add3A_355 : i32
        %add3A_412 = vector.broadcast %add3A_411 : i32 to vector<16xi32>
        %add3A_413 = arith.addi %mul3A_33, %add3A_412 : vector<16xi32>
        tpu.vector_store_idx %arg11[%add3A_413], %get3A_409 : memref<10480xf32, #tpu.memory_space<vmem>>[vector<16xi32>], vector<16xf32>,
        %add3A_414 = arith.constant 1 : i32
        %add3A_415 = arith.addi %mul3A_353, %add3A_414 : i32
        %add3A_416 = arith.constant 32 : i32
        %add3A_417 = arith.addi %add3A_416, %add3A_415 : i32
        %get3A_418 = arith.index_cast %add3A_417 : i32 to index
        %get3A_419 = arith.constant 0 : index
        %get3A_420 = tpu.vector_load %arg10[%get3A_418, %get3A_419] {strides = array<i32>} : memref<64x128xf32, #tpu.memory_space<vmem>>, vector<16xf32>,
        %add3A_421 = arith.constant 5360 : i32
        %add3A_422 = arith.addi %add3A_421, %add3A_415 : i32
        %add3A_423 = vector.broadcast %add3A_422 : i32 to vector<16xi32>
        %add3A_424 = arith.addi %mul3A_33, %add3A_423 : vector<16xi32>
        tpu.vector_store_idx %arg11[%add3A_424], %get3A_420 : memref<10480xf32, #tpu.memory_space<vmem>>[vector<16xi32>], vector<16xf32>,
        %get3A_425 = arith.index_cast %add3A_417 : i32 to index
        %get3A_426 = arith.constant 16 : index
        %get3A_427 = tpu.vector_load %arg10[%get3A_425, %get3A_426] {strides = array<i32>} : memref<64x128xf32, #tpu.memory_space<vmem>>, vector<16xf32>,
        %add3A_428 = arith.constant 6000 : i32
        %add3A_429 = arith.addi %add3A_428, %add3A_415 : i32
        %add3A_430 = vector.broadcast %add3A_429 : i32 to vector<16xi32>
        %add3A_431 = arith.addi %mul3A_33, %add3A_430 : vector<16xi32>
        tpu.vector_store_idx %arg11[%add3A_431], %get3A_427 : memref<10480xf32, #tpu.memory_space<vmem>>[vector<16xi32>], vector<16xf32>,
        %get3A_432 = arith.index_cast %add3A_417 : i32 to index
        %get3A_433 = arith.constant 32 : index
        %get3A_434 = tpu.vector_load %arg10[%get3A_432, %get3A_433] {strides = array<i32>} : memref<64x128xf32, #tpu.memory_space<vmem>>, vector<16xf32>,
        %add3A_435 = arith.constant 6640 : i32
        %add3A_436 = arith.addi %add3A_435, %add3A_415 : i32
        %add3A_437 = vector.broadcast %add3A_436 : i32 to vector<16xi32>
        %add3A_438 = arith.addi %mul3A_33, %add3A_437 : vector<16xi32>
        tpu.vector_store_idx %arg11[%add3A_438], %get3A_434 : memref<10480xf32, #tpu.memory_space<vmem>>[vector<16xi32>], vector<16xf32>,
        %get3A_439 = arith.index_cast %add3A_417 : i32 to index
        %get3A_440 = arith.constant 48 : index
        %get3A_441 = tpu.vector_load %arg10[%get3A_439, %get3A_440] {strides = array<i32>} : memref<64x128xf32, #tpu.memory_space<vmem>>, vector<16xf32>,
        %add3A_442 = arith.constant 7280 : i32
        %add3A_443 = arith.addi %add3A_442, %add3A_415 : i32
        %add3A_444 = vector.broadcast %add3A_443 : i32 to vector<16xi32>
        %add3A_445 = arith.addi %mul3A_33, %add3A_444 : vector<16xi32>
        tpu.vector_store_idx %arg11[%add3A_445], %get3A_441 : memref<10480xf32, #tpu.memory_space<vmem>>[vector<16xi32>], vector<16xf32>,
        %get3A_446 = arith.index_cast %add3A_417 : i32 to index
        %get3A_447 = arith.constant 64 : index
        %get3A_448 = tpu.vector_load %arg10[%get3A_446, %get3A_447] {strides = array<i32>} : memref<64x128xf32, #tpu.memory_space<vmem>>, vector<16xf32>,
        %add3A_449 = arith.constant 7920 : i32
        %add3A_450 = arith.addi %add3A_449, %add3A_415 : i32
        %add3A_451 = vector.broadcast %add3A_450 : i32 to vector<16xi32>
        %add3A_452 = arith.addi %mul3A_33, %add3A_451 : vector<16xi32>
        tpu.vector_store_idx %arg11[%add3A_452], %get3A_448 : memref<10480xf32, #tpu.memory_space<vmem>>[vector<16xi32>], vector<16xf32>,
        %get3A_453 = arith.index_cast %add3A_417 : i32 to index
        %get3A_454 = arith.constant 80 : index
        %get3A_455 = tpu.vector_load %arg10[%get3A_453, %get3A_454] {strides = array<i32>} : memref<64x128xf32, #tpu.memory_space<vmem>>, vector<16xf32>,
        %add3A_456 = arith.constant 8560 : i32
        %add3A_457 = arith.addi %add3A_456, %add3A_415 : i32
        %add3A_458 = vector.broadcast %add3A_457 : i32 to vector<16xi32>
        %add3A_459 = arith.addi %mul3A_33, %add3A_458 : vector<16xi32>
        tpu.vector_store_idx %arg11[%add3A_459], %get3A_455 : memref<10480xf32, #tpu.memory_space<vmem>>[vector<16xi32>], vector<16xf32>,
        %get3A_460 = arith.index_cast %add3A_417 : i32 to index
        %get3A_461 = arith.constant 96 : index
        %get3A_462 = tpu.vector_load %arg10[%get3A_460, %get3A_461] {strides = array<i32>} : memref<64x128xf32, #tpu.memory_space<vmem>>, vector<16xf32>,
        %add3A_463 = arith.constant 9200 : i32
        %add3A_464 = arith.addi %add3A_463, %add3A_415 : i32
        %add3A_465 = vector.broadcast %add3A_464 : i32 to vector<16xi32>
        %add3A_466 = arith.addi %mul3A_33, %add3A_465 : vector<16xi32>
        tpu.vector_store_idx %arg11[%add3A_466], %get3A_462 : memref<10480xf32, #tpu.memory_space<vmem>>[vector<16xi32>], vector<16xf32>,
        %get3A_467 = arith.index_cast %add3A_417 : i32 to index
        %get3A_468 = arith.constant 112 : index
        %get3A_469 = tpu.vector_load %arg10[%get3A_467, %get3A_468] {strides = array<i32>} : memref<64x128xf32, #tpu.memory_space<vmem>>, vector<16xf32>,
        %add3A_470 = arith.constant 9840 : i32
        %add3A_471 = arith.addi %add3A_470, %add3A_415 : i32
        %add3A_472 = vector.broadcast %add3A_471 : i32 to vector<16xi32>
        %add3A_473 = arith.addi %mul3A_33, %add3A_472 : vector<16xi32>
        tpu.vector_store_idx %arg11[%add3A_473], %get3A_469 : memref<10480xf32, #tpu.memory_space<vmem>>[vector<16xi32>], vector<16xf32>,
        %add3A_474 = arith.constant 2 : i32
        %add3A_475 = arith.addi %mul3A_353, %add3A_474 : i32
        %add3A_476 = arith.constant 32 : i32
        %add3A_477 = arith.addi %add3A_476, %add3A_475 : i32
        %get3A_478 = arith.index_cast %add3A_477 : i32 to index
        %get3A_479 = arith.constant 0 : index
        %get3A_480 = tpu.vector_load %arg10[%get3A_478, %get3A_479] {strides = array<i32>} : memref<64x128xf32, #tpu.memory_space<vmem>>, vector<16xf32>,
        %add3A_481 = arith.constant 5360 : i32
        %add3A_482 = arith.addi %add3A_481, %add3A_475 : i32
        %add3A_483 = vector.broadcast %add3A_482 : i32 to vector<16xi32>
        %add3A_484 = arith.addi %mul3A_33, %add3A_483 : vector<16xi32>
        tpu.vector_store_idx %arg11[%add3A_484], %get3A_480 : memref<10480xf32, #tpu.memory_space<vmem>>[vector<16xi32>], vector<16xf32>,
        %get3A_485 = arith.index_cast %add3A_477 : i32 to index
        %get3A_486 = arith.constant 16 : index
        %get3A_487 = tpu.vector_load %arg10[%get3A_485, %get3A_486] {strides = array<i32>} : memref<64x128xf32, #tpu.memory_space<vmem>>, vector<16xf32>,
        %add3A_488 = arith.constant 6000 : i32
        %add3A_489 = arith.addi %add3A_488, %add3A_475 : i32
        %add3A_490 = vector.broadcast %add3A_489 : i32 to vector<16xi32>
        %add3A_491 = arith.addi %mul3A_33, %add3A_490 : vector<16xi32>
        tpu.vector_store_idx %arg11[%add3A_491], %get3A_487 : memref<10480xf32, #tpu.memory_space<vmem>>[vector<16xi32>], vector<16xf32>,
        %get3A_492 = arith.index_cast %add3A_477 : i32 to index
        %get3A_493 = arith.constant 32 : index
        %get3A_494 = tpu.vector_load %arg10[%get3A_492, %get3A_493] {strides = array<i32>} : memref<64x128xf32, #tpu.memory_space<vmem>>, vector<16xf32>,
        %add3A_495 = arith.constant 6640 : i32
        %add3A_496 = arith.addi %add3A_495, %add3A_475 : i32
        %add3A_497 = vector.broadcast %add3A_496 : i32 to vector<16xi32>
        %add3A_498 = arith.addi %mul3A_33, %add3A_497 : vector<16xi32>
        tpu.vector_store_idx %arg11[%add3A_498], %get3A_494 : memref<10480xf32, #tpu.memory_space<vmem>>[vector<16xi32>], vector<16xf32>,
        %get3A_499 = arith.index_cast %add3A_477 : i32 to index
        %get3A_500 = arith.constant 48 : index
        %get3A_501 = tpu.vector_load %arg10[%get3A_499, %get3A_500] {strides = array<i32>} : memref<64x128xf32, #tpu.memory_space<vmem>>, vector<16xf32>,
        %add3A_502 = arith.constant 7280 : i32
        %add3A_503 = arith.addi %add3A_502, %add3A_475 : i32
        %add3A_504 = vector.broadcast %add3A_503 : i32 to vector<16xi32>
        %add3A_505 = arith.addi %mul3A_33, %add3A_504 : vector<16xi32>
        tpu.vector_store_idx %arg11[%add3A_505], %get3A_501 : memref<10480xf32, #tpu.memory_space<vmem>>[vector<16xi32>], vector<16xf32>,
        %get3A_506 = arith.index_cast %add3A_477 : i32 to index
        %get3A_507 = arith.constant 64 : index
        %get3A_508 = tpu.vector_load %arg10[%get3A_506, %get3A_507] {strides = array<i32>} : memref<64x128xf32, #tpu.memory_space<vmem>>, vector<16xf32>,
        %add3A_509 = arith.constant 7920 : i32
        %add3A_510 = arith.addi %add3A_509, %add3A_475 : i32
        %add3A_511 = vector.broadcast %add3A_510 : i32 to vector<16xi32>
        %add3A_512 = arith.addi %mul3A_33, %add3A_511 : vector<16xi32>
        tpu.vector_store_idx %arg11[%add3A_512], %get3A_508 : memref<10480xf32, #tpu.memory_space<vmem>>[vector<16xi32>], vector<16xf32>,
        %get3A_513 = arith.index_cast %add3A_477 : i32 to index
        %get3A_514 = arith.constant 80 : index
        %get3A_515 = tpu.vector_load %arg10[%get3A_513, %get3A_514] {strides = array<i32>} : memref<64x128xf32, #tpu.memory_space<vmem>>, vector<16xf32>,
        %add3A_516 = arith.constant 8560 : i32
        %add3A_517 = arith.addi %add3A_516, %add3A_475 : i32
        %add3A_518 = vector.broadcast %add3A_517 : i32 to vector<16xi32>
        %add3A_519 = arith.addi %mul3A_33, %add3A_518 : vector<16xi32>
        tpu.vector_store_idx %arg11[%add3A_519], %get3A_515 : memref<10480xf32, #tpu.memory_space<vmem>>[vector<16xi32>], vector<16xf32>,
        %get3A_520 = arith.index_cast %add3A_477 : i32 to index
        %get3A_521 = arith.constant 96 : index
        %get3A_522 = tpu.vector_load %arg10[%get3A_520, %get3A_521] {strides = array<i32>} : memref<64x128xf32, #tpu.memory_space<vmem>>, vector<16xf32>,
        %add3A_523 = arith.constant 9200 : i32
        %add3A_524 = arith.addi %add3A_523, %add3A_475 : i32
        %add3A_525 = vector.broadcast %add3A_524 : i32 to vector<16xi32>
        %add3A_526 = arith.addi %mul3A_33, %add3A_525 : vector<16xi32>
        tpu.vector_store_idx %arg11[%add3A_526], %get3A_522 : memref<10480xf32, #tpu.memory_space<vmem>>[vector<16xi32>], vector<16xf32>,
        %get3A_527 = arith.index_cast %add3A_477 : i32 to index
        %get3A_528 = arith.constant 112 : index
        %get3A_529 = tpu.vector_load %arg10[%get3A_527, %get3A_528] {strides = array<i32>} : memref<64x128xf32, #tpu.memory_space<vmem>>, vector<16xf32>,
        %add3A_530 = arith.constant 9840 : i32
        %add3A_531 = arith.addi %add3A_530, %add3A_475 : i32
        %add3A_532 = vector.broadcast %add3A_531 : i32 to vector<16xi32>
        %add3A_533 = arith.addi %mul3A_33, %add3A_532 : vector<16xi32>
        tpu.vector_store_idx %arg11[%add3A_533], %get3A_529 : memref<10480xf32, #tpu.memory_space<vmem>>[vector<16xi32>], vector<16xf32>,
        %add3A_534 = arith.constant 3 : i32
        %add3A_535 = arith.addi %mul3A_353, %add3A_534 : i32
        %add3A_536 = arith.constant 32 : i32
        %add3A_537 = arith.addi %add3A_536, %add3A_535 : i32
        %get3A_538 = arith.index_cast %add3A_537 : i32 to index
        %get3A_539 = arith.constant 0 : index
        %get3A_540 = tpu.vector_load %arg10[%get3A_538, %get3A_539] {strides = array<i32>} : memref<64x128xf32, #tpu.memory_space<vmem>>, vector<16xf32>,
        %add3A_541 = arith.constant 5360 : i32
        %add3A_542 = arith.addi %add3A_541, %add3A_535 : i32
        %add3A_543 = vector.broadcast %add3A_542 : i32 to vector<16xi32>
        %add3A_544 = arith.addi %mul3A_33, %add3A_543 : vector<16xi32>
        tpu.vector_store_idx %arg11[%add3A_544], %get3A_540 : memref<10480xf32, #tpu.memory_space<vmem>>[vector<16xi32>], vector<16xf32>,
        %get3A_545 = arith.index_cast %add3A_537 : i32 to index
        %get3A_546 = arith.constant 16 : index
        %get3A_547 = tpu.vector_load %arg10[%get3A_545, %get3A_546] {strides = array<i32>} : memref<64x128xf32, #tpu.memory_space<vmem>>, vector<16xf32>,
        %add3A_548 = arith.constant 6000 : i32
        %add3A_549 = arith.addi %add3A_548, %add3A_535 : i32
        %add3A_550 = vector.broadcast %add3A_549 : i32 to vector<16xi32>
        %add3A_551 = arith.addi %mul3A_33, %add3A_550 : vector<16xi32>
        tpu.vector_store_idx %arg11[%add3A_551], %get3A_547 : memref<10480xf32, #tpu.memory_space<vmem>>[vector<16xi32>], vector<16xf32>,
        %get3A_552 = arith.index_cast %add3A_537 : i32 to index
        %get3A_553 = arith.constant 32 : index
        %get3A_554 = tpu.vector_load %arg10[%get3A_552, %get3A_553] {strides = array<i32>} : memref<64x128xf32, #tpu.memory_space<vmem>>, vector<16xf32>,
        %add3A_555 = arith.constant 6640 : i32
        %add3A_556 = arith.addi %add3A_555, %add3A_535 : i32
        %add3A_557 = vector.broadcast %add3A_556 : i32 to vector<16xi32>
        %add3A_558 = arith.addi %mul3A_33, %add3A_557 : vector<16xi32>
        tpu.vector_store_idx %arg11[%add3A_558], %get3A_554 : memref<10480xf32, #tpu.memory_space<vmem>>[vector<16xi32>], vector<16xf32>,
        %get3A_559 = arith.index_cast %add3A_537 : i32 to index
        %get3A_560 = arith.constant 48 : index
        %get3A_561 = tpu.vector_load %arg10[%get3A_559, %get3A_560] {strides = array<i32>} : memref<64x128xf32, #tpu.memory_space<vmem>>, vector<16xf32>,
        %add3A_562 = arith.constant 7280 : i32
        %add3A_563 = arith.addi %add3A_562, %add3A_535 : i32
        %add3A_564 = vector.broadcast %add3A_563 : i32 to vector<16xi32>
        %add3A_565 = arith.addi %mul3A_33, %add3A_564 : vector<16xi32>
        tpu.vector_store_idx %arg11[%add3A_565], %get3A_561 : memref<10480xf32, #tpu.memory_space<vmem>>[vector<16xi32>], vector<16xf32>,
        %get3A_566 = arith.index_cast %add3A_537 : i32 to index
        %get3A_567 = arith.constant 64 : index
        %get3A_568 = tpu.vector_load %arg10[%get3A_566, %get3A_567] {strides = array<i32>} : memref<64x128xf32, #tpu.memory_space<vmem>>, vector<16xf32>,
        %add3A_569 = arith.constant 7920 : i32
        %add3A_570 = arith.addi %add3A_569, %add3A_535 : i32
        %add3A_571 = vector.broadcast %add3A_570 : i32 to vector<16xi32>
        %add3A_572 = arith.addi %mul3A_33, %add3A_571 : vector<16xi32>
        tpu.vector_store_idx %arg11[%add3A_572], %get3A_568 : memref<10480xf32, #tpu.memory_space<vmem>>[vector<16xi32>], vector<16xf32>,
        %get3A_573 = arith.index_cast %add3A_537 : i32 to index
        %get3A_574 = arith.constant 80 : index
        %get3A_575 = tpu.vector_load %arg10[%get3A_573, %get3A_574] {strides = array<i32>} : memref<64x128xf32, #tpu.memory_space<vmem>>, vector<16xf32>,
        %add3A_576 = arith.constant 8560 : i32
        %add3A_577 = arith.addi %add3A_576, %add3A_535 : i32
        %add3A_578 = vector.broadcast %add3A_577 : i32 to vector<16xi32>
        %add3A_579 = arith.addi %mul3A_33, %add3A_578 : vector<16xi32>
        tpu.vector_store_idx %arg11[%add3A_579], %get3A_575 : memref<10480xf32, #tpu.memory_space<vmem>>[vector<16xi32>], vector<16xf32>,
        %get3A_580 = arith.index_cast %add3A_537 : i32 to index
        %get3A_581 = arith.constant 96 : index
        %get3A_582 = tpu.vector_load %arg10[%get3A_580, %get3A_581] {strides = array<i32>} : memref<64x128xf32, #tpu.memory_space<vmem>>, vector<16xf32>,
        %add3A_583 = arith.constant 9200 : i32
        %add3A_584 = arith.addi %add3A_583, %add3A_535 : i32
        %add3A_585 = vector.broadcast %add3A_584 : i32 to vector<16xi32>
        %add3A_586 = arith.addi %mul3A_33, %add3A_585 : vector<16xi32>
        tpu.vector_store_idx %arg11[%add3A_586], %get3A_582 : memref<10480xf32, #tpu.memory_space<vmem>>[vector<16xi32>], vector<16xf32>,
        %get3A_587 = arith.index_cast %add3A_537 : i32 to index
        %get3A_588 = arith.constant 112 : index
        %get3A_589 = tpu.vector_load %arg10[%get3A_587, %get3A_588] {strides = array<i32>} : memref<64x128xf32, #tpu.memory_space<vmem>>, vector<16xf32>,
        %add3A_590 = arith.constant 9840 : i32
        %add3A_591 = arith.addi %add3A_590, %add3A_535 : i32
        %add3A_592 = vector.broadcast %add3A_591 : i32 to vector<16xi32>
        %add3A_593 = arith.addi %mul3A_33, %add3A_592 : vector<16xi32>
        tpu.vector_store_idx %arg11[%add3A_593], %get3A_589 : memref<10480xf32, #tpu.memory_space<vmem>>[vector<16xi32>], vector<16xf32>,
        %scan3A_594 = arith.constant 0 : i32
        scf.yield %scan3A_594 : i32
      }
      %scan3A_334 = arith.constant 8 : i32
      %scan3A_335 = arith.constant 0 : i32
      %scan3A_336 = arith.constant 0 : i32
      %scan3A_337 = arith.constant 131 : i32
      %scan3A_338 = arith.addi %scan3A_336, %scan3A_337 : i32
      %scan3A_339 = arith.constant 1 : i32
      %scan3A_340 = scf.for %scan3A_350 = %scan3A_336 to %scan3A_338 step %scan3A_339 iter_args(%scan3A_351 = %scan3A_335) -> (i32)  : i32 {
        %mul3A_352 = arith.constant 2 : i32
        %mul3A_353 = arith.muli %scan3A_350, %mul3A_352 : i32
        %add3A_354 = arith.constant 0 : i32
        %add3A_355 = arith.addi %mul3A_353, %add3A_354 : i32
        %mul3A_356 = arith.constant 40 : i32
        %mul3A_357 = arith.muli %add3A_355, %mul3A_356 : i32
        %get3A_358 = arith.index_cast %mul3A_357 : i32 to index
        %get3A_359 = tpu.vector_load %arg11[%get3A_358] {strides = array<i32>} : memref<10480xf32, #tpu.memory_space<vmem>>, vector<16xf32>,
        %mul3A_360 = arith.constant 32 : i32
        %mul3A_361 = arith.muli %add3A_355, %mul3A_360 : i32
        %add3A_362 = arith.addi %mul3A_89, %mul3A_361 : i32
        %swap3A_363 = arith.index_cast %add3A_362 : i32 to index
        %swap3A_364 = tpu.vector_load %arg12[%swap3A_363] {strides = array<i32>} : memref<16768xf32, #tpu.memory_space<vmem>>, vector<16xf32>,
        tpu.vector_store %arg12[%swap3A_363], %get3A_359 {strides = array<i32>} : memref<16768xf32, #tpu.memory_space<vmem>>, vector<16xf32>,
        %mul3A_365 = arith.constant 40 : i32
        %mul3A_366 = arith.muli %add3A_355, %mul3A_365 : i32
        %add3A_367 = arith.constant 16 : i32
        %add3A_368 = arith.addi %mul3A_366, %add3A_367 : i32
        %get3A_369 = arith.index_cast %add3A_368 : i32 to index
        %get3A_370 = tpu.vector_load %arg11[%get3A_369] {strides = array<i32>} : memref<10480xf32, #tpu.memory_space<vmem>>, vector<16xf32>,
        %mul3A_371 = arith.constant 32 : i32
        %mul3A_372 = arith.muli %add3A_355, %mul3A_371 : i32
        %add3A_373 = arith.addi %mul3A_89, %mul3A_372 : i32
        %add3A_374 = arith.constant 16 : i32
        %add3A_375 = arith.addi %add3A_373, %add3A_374 : i32
        %swap3A_376 = arith.index_cast %add3A_375 : i32 to index
        %swap3A_377 = tpu.vector_load %arg12[%swap3A_376] {strides = array<i32>} : memref<16768xf32, #tpu.memory_space<vmem>>, vector<16xf32>,
        tpu.vector_store %arg12[%swap3A_376], %get3A_370 {strides = array<i32>} : memref<16768xf32, #tpu.memory_space<vmem>>, vector<16xf32>,
        %add3A_378 = arith.constant 1 : i32
        %add3A_379 = arith.addi %mul3A_353, %add3A_378 : i32
        %mul3A_380 = arith.constant 40 : i32
        %mul3A_381 = arith.muli %add3A_379, %mul3A_380 : i32
        %get3A_382 = arith.index_cast %mul3A_381 : i32 to index
        %get3A_383 = tpu.vector_load %arg11[%get3A_382] {strides = array<i32>} : memref<10480xf32, #tpu.memory_space<vmem>>, vector<16xf32>,
        %mul3A_384 = arith.constant 32 : i32
        %mul3A_385 = arith.muli %add3A_379, %mul3A_384 : i32
        %add3A_386 = arith.addi %mul3A_89, %mul3A_385 : i32
        %swap3A_387 = arith.index_cast %add3A_386 : i32 to index
        %swap3A_388 = tpu.vector_load %arg12[%swap3A_387] {strides = array<i32>} : memref<16768xf32, #tpu.memory_space<vmem>>, vector<16xf32>,
        tpu.vector_store %arg12[%swap3A_387], %get3A_383 {strides = array<i32>} : memref<16768xf32, #tpu.memory_space<vmem>>, vector<16xf32>,
        %mul3A_389 = arith.constant 40 : i32
        %mul3A_390 = arith.muli %add3A_379, %mul3A_389 : i32
        %add3A_391 = arith.constant 16 : i32
        %add3A_392 = arith.addi %mul3A_390, %add3A_391 : i32
        %get3A_393 = arith.index_cast %add3A_392 : i32 to index
        %get3A_394 = tpu.vector_load %arg11[%get3A_393] {strides = array<i32>} : memref<10480xf32, #tpu.memory_space<vmem>>, vector<16xf32>,
        %mul3A_395 = arith.constant 32 : i32
        %mul3A_396 = arith.muli %add3A_379, %mul3A_395 : i32
        %add3A_397 = arith.addi %mul3A_89, %mul3A_396 : i32
        %add3A_398 = arith.constant 16 : i32
        %add3A_399 = arith.addi %add3A_397, %add3A_398 : i32
        %swap3A_400 = arith.index_cast %add3A_399 : i32 to index
        %swap3A_401 = tpu.vector_load %arg12[%swap3A_400] {strides = array<i32>} : memref<16768xf32, #tpu.memory_space<vmem>>, vector<16xf32>,
        tpu.vector_store %arg12[%swap3A_400], %get3A_394 {strides = array<i32>} : memref<16768xf32, #tpu.memory_space<vmem>>, vector<16xf32>,
        %scan3A_402 = arith.constant 0 : i32
        scf.yield %scan3A_402 : i32
      }
      %scan3A_341 = arith.constant 131 : i32
      %add3A_342 = arith.addi %mul3A_2, %mul3A_91 : i32
      %mul3A_343 = arith.constant 4192 : i32
      %mul3A_344 = arith.muli %add3A_342, %mul3A_343 : i32
      %dma_start3A_345 = tpu.memref_slice %arg12[%mul3A_89] : memref<16768xf32, #tpu.memory_space<vmem>> -> memref<8384xf32, #tpu.memory_space<vmem>>
      %dma_start3A_346 = tpu.memref_slice %arg6[%mul3A_344] : memref<17170432xf32, #tpu.memory_space<hbm>> -> memref<8384xf32, #tpu.memory_space<hbm>>
      %dma_start3A_347 = tpu.memref_slice %arg6[%mul3A_344] : memref<17170432xf32, #tpu.memory_space<hbm>> -> memref<8384xf32, #tpu.memory_space<hbm>>
      %dma_start3A_348 = tpu.memref_slice %arg12[%mul3A_89] : memref<16768xf32, #tpu.memory_space<vmem>> -> memref<8384xf32, #tpu.memory_space<vmem>>
      tpu.enqueue_dma source(%dma_start3A_348 : memref<8384xf32, #tpu.memory_space<vmem>>) target(%dma_start3A_347 : memref<8384xf32, #tpu.memory_space<hbm>>) target_semaphore(%arg17 : memref<!tpu.dma_semaphore, #tpu.memory_space<semaphore_mem>>)
      %scan3A_349 = arith.constant 0 : i32
      scf.yield %scan3A_349 : i32
    }
    %scan3A_50 = arith.constant 64 : i32
    %add3A_51 = arith.constant 124 : i32
    %add3A_52 = arith.addi %mul3A_2, %add3A_51 : i32
    %mul3A_53 = arith.constant 4192 : i32
    %mul3A_54 = arith.muli %add3A_52, %mul3A_53 : i32
    %dma_wait3A = arith.constant 0 : i32
    %dma_wait3A_55 = tpu.memref_slice %arg12[%dma_wait3A] : memref<16768xf32, #tpu.memory_space<vmem>> -> memref<8384xf32, #tpu.memory_space<vmem>>
    %dma_wait3A_56 = tpu.memref_slice %arg6[%mul3A_54] : memref<17170432xf32, #tpu.memory_space<hbm>> -> memref<8384xf32, #tpu.memory_space<hbm>>
    %dma_wait3A_57 = tpu.memref_slice %arg6[%mul3A_54] : memref<17170432xf32, #tpu.memory_space<hbm>> -> memref<8384xf32, #tpu.memory_space<hbm>>
    %dma_wait3A_58 = arith.constant 0 : i32
    %dma_wait3A_59 = tpu.memref_slice %arg12[%dma_wait3A_58] : memref<16768xf32, #tpu.memory_space<vmem>> -> memref<8384xf32, #tpu.memory_space<vmem>>
    tpu.wait_dma2 semaphore(%arg17 : memref<!tpu.dma_semaphore, #tpu.memory_space<semaphore_mem>>) src(%dma_wait3A_59 : memref<8384xf32, #tpu.memory_space<vmem>>) dst(%dma_wait3A_57 : memref<8384xf32, #tpu.memory_space<hbm>>)
    %add3A_60 = arith.constant 126 : i32
    %add3A_61 = arith.addi %mul3A_2, %add3A_60 : i32
    %mul3A_62 = arith.constant 4192 : i32
    %mul3A_63 = arith.muli %add3A_61, %mul3A_62 : i32
    %dma_wait3A_64 = arith.constant 8384 : i32
    %dma_wait3A_65 = tpu.memref_slice %arg12[%dma_wait3A_64] : memref<16768xf32, #tpu.memory_space<vmem>> -> memref<8384xf32, #tpu.memory_space<vmem>>
    %dma_wait3A_66 = tpu.memref_slice %arg6[%mul3A_63] : memref<17170432xf32, #tpu.memory_space<hbm>> -> memref<8384xf32, #tpu.memory_space<hbm>>
    %dma_wait3A_67 = tpu.memref_slice %arg6[%mul3A_63] : memref<17170432xf32, #tpu.memory_space<hbm>> -> memref<8384xf32, #tpu.memory_space<hbm>>
    %dma_wait3A_68 = arith.constant 8384 : i32
    %dma_wait3A_69 = tpu.memref_slice %arg12[%dma_wait3A_68] : memref<16768xf32, #tpu.memory_space<vmem>> -> memref<8384xf32, #tpu.memory_space<vmem>>
    tpu.wait_dma2 semaphore(%arg17 : memref<!tpu.dma_semaphore, #tpu.memory_space<semaphore_mem>>) src(%dma_wait3A_69 : memref<8384xf32, #tpu.memory_space<vmem>>) dst(%dma_wait3A_67 : memref<8384xf32, #tpu.memory_space<hbm>>)
    return
  }
}

module attributes {stable_mosaic.version = 14 : i64} {
  func.func @_table_kernel(%arg0: i32, %arg1: i32, %arg2: memref<1x128x512xf32, #tpu.memory_space<vmem>>, %arg3: memref<1x512x128xf32, #tpu.memory_space<vmem>>) attributes {dimension_semantics = [#tpu.dimension_semantics<arbitrary>, #tpu.dimension_semantics<arbitrary>], iteration_bounds = array<i64: 2, 16>, scalar_prefetch = 0 : i64, scratch_operands = 0 : i64, tpu.core_type = #tpu.core_type<tc>, window_params = [{transform_indices = @transform_0, window_bounds = array<i64: 1, 128, 512>}, {transform_indices = @transform_1, window_bounds = array<i64: 1, 512, 128>}]} {
    %get3A = arith.constant 0 : index
    %get3A_0 = arith.constant 0 : index
    %get3A_1 = arith.constant 0 : index
    %get3A_2 = vector.load %arg2[%get3A, %get3A_0, %get3A_1] : memref<1x128x512xf32, #tpu.memory_space<vmem>>, vector<1x128x512xf32>
    %get3A_3 = vector.shape_cast %get3A_2 : vector<1x128x512xf32> to vector<128x512xf32>
    %transpose3A = tpu.transpose %get3A_3, [1, 0] : vector<128x512xf32> -> vector<512x128xf32>
    %swap3A = arith.constant 0 : index
    %swap3A_4 = arith.constant 0 : index
    %swap3A_5 = arith.constant 0 : index
    %swap3A_6 = vector.load %arg3[%swap3A, %swap3A_4, %swap3A_5] : memref<1x512x128xf32, #tpu.memory_space<vmem>>, vector<1x512x128xf32>
    %swap3A_7 = vector.shape_cast %swap3A_6 : vector<1x512x128xf32> to vector<512x128xf32>
    %swap3A_8 = vector.shape_cast %transpose3A : vector<512x128xf32> to vector<1x512x128xf32>
    tpu.vector_store %arg3[%swap3A, %swap3A_4, %swap3A_5], %swap3A_8 {strides = array<i32>} : memref<1x512x128xf32, #tpu.memory_space<vmem>>, vector<1x512x128xf32>,
    return
  }
  func.func @transform_0(%arg0: i32, %arg1: i32) -> (i32, i32, i32) {
    %c0_i32 = arith.constant 0 : i32
    %c0_i32_0 = arith.constant 0 : i32
    return %arg0, %c0_i32, %arg1 : i32, i32, i32
  }
  func.func @transform_1(%arg0: i32, %arg1: i32) -> (i32, i32, i32) {
    %c0_i32 = arith.constant 0 : i32
    %c0_i32_0 = arith.constant 0 : i32
    return %arg0, %arg1, %c0_i32 : i32, i32, i32
  }
}

module attributes {stable_mosaic.version = 14 : i64} {
  func.func @_mask_kernel(%arg0: i32, %arg1: i32, %arg2: memref<1x256x3xf32, #tpu.memory_space<vmem>>, %arg3: memref<1x8192x3xf32, #tpu.memory_space<vmem>>, %arg4: memref<1x256x512xi32, #tpu.memory_space<vmem>>, %arg5: memref<1x256x16xf32, #tpu.memory_space<vmem>>) attributes {dimension_semantics = [#tpu.dimension_semantics<arbitrary>, #tpu.dimension_semantics<arbitrary>], iteration_bounds = array<i64: 2, 8>, scalar_prefetch = 0 : i64, scratch_operands = 0 : i64, tpu.core_type = #tpu.core_type<tc>, window_params = [{transform_indices = @transform_0, window_bounds = array<i64: 1, 256, 3>}, {transform_indices = @transform_1, window_bounds = array<i64: 1, 8192, 3>}, {transform_indices = @transform_2, window_bounds = array<i64: 1, 256, 512>}, {transform_indices = @transform_3, window_bounds = array<i64: 1, 256, 16>}]} {
    %get3A = arith.constant 0 : index
    %get3A_0 = arith.constant 0 : index
    %get3A_1 = arith.constant 0 : index
    %get3A_2 = vector.load %arg2[%get3A, %get3A_0, %get3A_1] : memref<1x256x3xf32, #tpu.memory_space<vmem>>, vector<1x256x3xf32>
    %get3A_3 = vector.shape_cast %get3A_2 : vector<1x256x3xf32> to vector<256x3xf32>
    %broadcast_in_dim3A = arith.constant 0.000000e+00 : f32
    %broadcast_in_dim3A_4 = vector.broadcast %broadcast_in_dim3A : f32 to vector<256x13xf32>
    %concatenate3A = tpu.concatenate %get3A_3, %broadcast_in_dim3A_4 in 1 : vector<256x3xf32>, vector<256x13xf32> -> vector<256x16xf32>
    %swap3A = arith.constant 0 : index
    %swap3A_5 = arith.constant 0 : index
    %swap3A_6 = arith.constant 0 : index
    %swap3A_7 = vector.load %arg5[%swap3A, %swap3A_5, %swap3A_6] : memref<1x256x16xf32, #tpu.memory_space<vmem>>, vector<1x256x16xf32>
    %swap3A_8 = vector.shape_cast %swap3A_7 : vector<1x256x16xf32> to vector<256x16xf32>
    %swap3A_9 = vector.shape_cast %concatenate3A : vector<256x16xf32> to vector<1x256x16xf32>
    tpu.vector_store %arg5[%swap3A, %swap3A_5, %swap3A_6], %swap3A_9 {strides = array<i32>} : memref<1x256x16xf32, #tpu.memory_space<vmem>>, vector<1x256x16xf32>,
    %get3A_10 = arith.constant 0 : index
    %get3A_11 = arith.constant 0 : index
    %get3A_12 = arith.constant 0 : index
    %get3A_13 = vector.load %arg3[%get3A_10, %get3A_11, %get3A_12] : memref<1x8192x3xf32, #tpu.memory_space<vmem>>, vector<1x8192x3xf32>
    %get3A_14 = vector.shape_cast %get3A_13 : vector<1x8192x3xf32> to vector<8192x3xf32>
    %mul3A = arith.mulf %get3A_3, %get3A_3 : vector<256x3xf32>
    %reduce_sum3A = arith.constant dense<0.000000e+00> : vector<256xf32>
    %reduce_sum3A_15 = vector.multi_reduction <add>, %mul3A, %reduce_sum3A [1] : vector<256x3xf32> to vector<256xf32>
    %mul3A_16 = arith.mulf %get3A_14, %get3A_14 : vector<8192x3xf32>
    %reduce_sum3A_17 = arith.constant dense<0.000000e+00> : vector<8192xf32>
    %reduce_sum3A_18 = vector.multi_reduction <add>, %mul3A_16, %reduce_sum3A_17 [1] : vector<8192x3xf32> to vector<8192xf32>
    %dot_general3A = arith.constant dense<0.000000e+00> : vector<256x8192xf32>
    %dot_general3A_19 = tpu.matmul %get3A_3, %get3A_14, %dot_general3A {dimension_numbers = #tpu.dot_dimension_numbers<[1], [1], [0], [0], [0, 0, 1, 0], [], []>, transpose_lhs_hint = false} : vector<256x3xf32>, vector<8192x3xf32>, vector<256x8192xf32> -> vector<256x8192xf32>
    %broadcast_in_dim3A_20 = vector.shape_cast %reduce_sum3A_15 : vector<256xf32> to vector<256x1xf32>
    %broadcast_in_dim3A_21 = vector.shape_cast %reduce_sum3A_18 : vector<8192xf32> to vector<1x8192xf32>
    %add3A = vector.broadcast %broadcast_in_dim3A_20 : vector<256x1xf32> to vector<256x8192xf32>
    %add3A_22 = vector.broadcast %broadcast_in_dim3A_21 : vector<1x8192xf32> to vector<256x8192xf32>
    %add3A_23 = arith.addf %add3A, %add3A_22 : vector<256x8192xf32>
    %mul3A_24 = arith.constant 2.000000e+00 : f32
    %mul3A_25 = vector.broadcast %mul3A_24 : f32 to vector<256x8192xf32>
    %mul3A_26 = arith.mulf %mul3A_25, %dot_general3A_19 : vector<256x8192xf32>
    %sub3A = arith.subf %add3A_23, %mul3A_26 : vector<256x8192xf32>
    %lt3A = arith.constant 4.000000e-02 : f32
    %lt3A_27 = vector.broadcast %lt3A : f32 to vector<256x8192xf32>
    %lt3A_28 = arith.cmpf olt, %sub3A, %lt3A_27 : vector<256x8192xf32>
    %convert_element_type3A = arith.extui %lt3A_28 : vector<256x8192xi1> to vector<256x8192xi32>
    %convert_element_type3A_29 = arith.sitofp %convert_element_type3A : vector<256x8192xi32> to vector<256x8192xf32>
    %iota3A = tpu.iota {dimensions = array<i32: 0>} : vector<512x32xi32>
    %iota3A_30 = tpu.iota {dimensions = array<i32: 1>} : vector<512x32xi32>
    %jit3A = arith.constant 16 : i32
    %div3A = vector.broadcast %jit3A : i32 to vector<512x32xi32>
    %div3A_31 = arith.divsi %iota3A, %div3A : vector<512x32xi32>
    %sign3A = arith.constant 0 : i32
    %sign3A_32 = vector.broadcast %sign3A : i32 to vector<512x32xi32>
    %sign3A_33 = arith.cmpi sgt, %iota3A, %sign3A_32 : vector<512x32xi32>
    %sign3A_34 = arith.extui %sign3A_33 : vector<512x32xi1> to vector<512x32xi32>
    %sign3A_35 = arith.constant 0 : i32
    %sign3A_36 = vector.broadcast %sign3A_35 : i32 to vector<512x32xi32>
    %sign3A_37 = arith.cmpi slt, %iota3A, %sign3A_36 : vector<512x32xi32>
    %sign3A_38 = arith.extui %sign3A_37 : vector<512x32xi1> to vector<512x32xi32>
    %sign3A_39 = arith.subi %sign3A_34, %sign3A_38 : vector<512x32xi32>
    %sign3A_40 = arith.constant 0 : i32
    %sign3A_41 = arith.cmpi sgt, %jit3A, %sign3A_40 : i32
    %sign3A_42 = arith.extui %sign3A_41 : i1 to i32
    %sign3A_43 = arith.constant 0 : i32
    %sign3A_44 = arith.cmpi slt, %jit3A, %sign3A_43 : i32
    %sign3A_45 = arith.extui %sign3A_44 : i1 to i32
    %sign3A_46 = arith.subi %sign3A_42, %sign3A_45 : i32
    %ne3A = vector.broadcast %sign3A_46 : i32 to vector<512x32xi32>
    %ne3A_47 = arith.cmpi ne, %sign3A_39, %ne3A : vector<512x32xi32>
    %rem3A = vector.broadcast %jit3A : i32 to vector<512x32xi32>
    %rem3A_48 = arith.remsi %iota3A, %rem3A : vector<512x32xi32>
    %ne3A_49 = arith.constant 0 : i32
    %ne3A_50 = vector.broadcast %ne3A_49 : i32 to vector<512x32xi32>
    %ne3A_51 = arith.cmpi ne, %rem3A_48, %ne3A_50 : vector<512x32xi32>
    %and3A = arith.andi %ne3A_47, %ne3A_51 : vector<512x32xi1>
    %sub3A_52 = arith.constant 1 : i32
    %sub3A_53 = vector.broadcast %sub3A_52 : i32 to vector<512x32xi32>
    %sub3A_54 = arith.subi %div3A_31, %sub3A_53 : vector<512x32xi32>
    %select_n3A = arith.select %and3A, %sub3A_54, %div3A_31 : vector<512x32xi1>, vector<512x32xi32>
    %eq3A = arith.cmpi eq, %select_n3A, %iota3A_30 : vector<512x32xi32>
    %jit3A_55 = arith.constant 16 : i32
    %eq3A_56 = arith.constant 0 : i32
    %eq3A_57 = arith.cmpi eq, %jit3A_55, %eq3A_56 : i32
    %jit3A_58 = arith.constant 1 : i32
    %select_n3A_59 = arith.select %eq3A_57, %jit3A_58, %jit3A_55 : i32
    %rem3A_60 = vector.broadcast %select_n3A_59 : i32 to vector<512x32xi32>
    %rem3A_61 = arith.remsi %iota3A, %rem3A_60 : vector<512x32xi32>
    %ne3A_62 = arith.constant 0 : i32
    %ne3A_63 = vector.broadcast %ne3A_62 : i32 to vector<512x32xi32>
    %ne3A_64 = arith.cmpi ne, %rem3A_61, %ne3A_63 : vector<512x32xi32>
    %lt3A_65 = arith.constant 0 : i32
    %lt3A_66 = vector.broadcast %lt3A_65 : i32 to vector<512x32xi32>
    %lt3A_67 = arith.cmpi slt, %rem3A_61, %lt3A_66 : vector<512x32xi32>
    %lt3A_68 = arith.constant 0 : i32
    %lt3A_69 = arith.cmpi slt, %select_n3A_59, %lt3A_68 : i32
    %ne3A_70 = vector.broadcast %lt3A_69 : i1 to vector<512x32xi1>
    %ne3A_71 = vector.broadcast %ne3A_70 : vector<512x32xi1> to vector<512x32xi1>
    %ne3A_72 = arith.xori %lt3A_67, %ne3A_71 : vector<512x32xi1>
    %and3A_73 = arith.andi %ne3A_72, %ne3A_64 : vector<512x32xi1>
    %add3A_74 = vector.broadcast %select_n3A_59 : i32 to vector<512x32xi32>
    %add3A_75 = arith.addi %rem3A_61, %add3A_74 : vector<512x32xi32>
    %select_n3A_76 = arith.select %and3A_73, %add3A_75, %rem3A_61 : vector<512x32xi1>, vector<512x32xi32>
    %shift_left3A = arith.constant 1 : i32
    %shift_left3A_77 = vector.broadcast %shift_left3A : i32 to vector<512x32xi32>
    %shift_left3A_78 = arith.shli %shift_left3A_77, %select_n3A_76 : vector<512x32xi32>
    %jit3A_79 = arith.constant 0 : i32
    %broadcast_in_dim3A_80 = vector.broadcast %jit3A_79 : i32 to vector<512x32xi32>
    %select_n3A_81 = arith.select %eq3A, %shift_left3A_78, %broadcast_in_dim3A_80 : vector<512x32xi1>, vector<512x32xi32>
    %convert_element_type3A_82 = arith.sitofp %select_n3A_81 : vector<512x32xi32> to vector<512x32xf32>
    %slice3A = vector.extract_strided_slice %convert_element_type3A_29 {offsets = [0, 0], sizes = [256, 512], strides = [1, 1]} : vector<256x8192xf32> to vector<256x512xf32>
    %dot_general3A_83 = arith.constant dense<0.000000e+00> : vector<256x32xf32>
    %dot_general3A_84 = tpu.matmul %slice3A, %convert_element_type3A_82, %dot_general3A_83 {dimension_numbers = #tpu.dot_dimension_numbers<[1], [0], [0], [1], [0, 0, 1, 1], [], []>, transpose_lhs_hint = false} : vector<256x512xf32>, vector<512x32xf32>, vector<256x32xf32> -> vector<256x32xf32>
    %convert_element_type3A_85 = arith.fptosi %dot_general3A_84 : vector<256x32xf32> to vector<256x32xi32>
    %slice3A_86 = vector.extract_strided_slice %convert_element_type3A_29 {offsets = [0, 512], sizes = [256, 512], strides = [1, 1]} : vector<256x8192xf32> to vector<256x512xf32>
    %dot_general3A_87 = arith.constant dense<0.000000e+00> : vector<256x32xf32>
    %dot_general3A_88 = tpu.matmul %slice3A_86, %convert_element_type3A_82, %dot_general3A_87 {dimension_numbers = #tpu.dot_dimension_numbers<[1], [0], [0], [1], [0, 0, 1, 1], [], []>, transpose_lhs_hint = false} : vector<256x512xf32>, vector<512x32xf32>, vector<256x32xf32> -> vector<256x32xf32>
    %convert_element_type3A_89 = arith.fptosi %dot_general3A_88 : vector<256x32xf32> to vector<256x32xi32>
    %slice3A_90 = vector.extract_strided_slice %convert_element_type3A_29 {offsets = [0, 1024], sizes = [256, 512], strides = [1, 1]} : vector<256x8192xf32> to vector<256x512xf32>
    %dot_general3A_91 = arith.constant dense<0.000000e+00> : vector<256x32xf32>
    %dot_general3A_92 = tpu.matmul %slice3A_90, %convert_element_type3A_82, %dot_general3A_91 {dimension_numbers = #tpu.dot_dimension_numbers<[1], [0], [0], [1], [0, 0, 1, 1], [], []>, transpose_lhs_hint = false} : vector<256x512xf32>, vector<512x32xf32>, vector<256x32xf32> -> vector<256x32xf32>
    %convert_element_type3A_93 = arith.fptosi %dot_general3A_92 : vector<256x32xf32> to vector<256x32xi32>
    %slice3A_94 = vector.extract_strided_slice %convert_element_type3A_29 {offsets = [0, 1536], sizes = [256, 512], strides = [1, 1]} : vector<256x8192xf32> to vector<256x512xf32>
    %dot_general3A_95 = arith.constant dense<0.000000e+00> : vector<256x32xf32>
    %dot_general3A_96 = tpu.matmul %slice3A_94, %convert_element_type3A_82, %dot_general3A_95 {dimension_numbers = #tpu.dot_dimension_numbers<[1], [0], [0], [1], [0, 0, 1, 1], [], []>, transpose_lhs_hint = false} : vector<256x512xf32>, vector<512x32xf32>, vector<256x32xf32> -> vector<256x32xf32>
    %convert_element_type3A_97 = arith.fptosi %dot_general3A_96 : vector<256x32xf32> to vector<256x32xi32>
    %slice3A_98 = vector.extract_strided_slice %convert_element_type3A_29 {offsets = [0, 2048], sizes = [256, 512], strides = [1, 1]} : vector<256x8192xf32> to vector<256x512xf32>
    %dot_general3A_99 = arith.constant dense<0.000000e+00> : vector<256x32xf32>
    %dot_general3A_100 = tpu.matmul %slice3A_98, %convert_element_type3A_82, %dot_general3A_99 {dimension_numbers = #tpu.dot_dimension_numbers<[1], [0], [0], [1], [0, 0, 1, 1], [], []>, transpose_lhs_hint = false} : vector<256x512xf32>, vector<512x32xf32>, vector<256x32xf32> -> vector<256x32xf32>
    %convert_element_type3A_101 = arith.fptosi %dot_general3A_100 : vector<256x32xf32> to vector<256x32xi32>
    %slice3A_102 = vector.extract_strided_slice %convert_element_type3A_29 {offsets = [0, 2560], sizes = [256, 512], strides = [1, 1]} : vector<256x8192xf32> to vector<256x512xf32>
    %dot_general3A_103 = arith.constant dense<0.000000e+00> : vector<256x32xf32>
    %dot_general3A_104 = tpu.matmul %slice3A_102, %convert_element_type3A_82, %dot_general3A_103 {dimension_numbers = #tpu.dot_dimension_numbers<[1], [0], [0], [1], [0, 0, 1, 1], [], []>, transpose_lhs_hint = false} : vector<256x512xf32>, vector<512x32xf32>, vector<256x32xf32> -> vector<256x32xf32>
    %convert_element_type3A_105 = arith.fptosi %dot_general3A_104 : vector<256x32xf32> to vector<256x32xi32>
    %slice3A_106 = vector.extract_strided_slice %convert_element_type3A_29 {offsets = [0, 3072], sizes = [256, 512], strides = [1, 1]} : vector<256x8192xf32> to vector<256x512xf32>
    %dot_general3A_107 = arith.constant dense<0.000000e+00> : vector<256x32xf32>
    %dot_general3A_108 = tpu.matmul %slice3A_106, %convert_element_type3A_82, %dot_general3A_107 {dimension_numbers = #tpu.dot_dimension_numbers<[1], [0], [0], [1], [0, 0, 1, 1], [], []>, transpose_lhs_hint = false} : vector<256x512xf32>, vector<512x32xf32>, vector<256x32xf32> -> vector<256x32xf32>
    %convert_element_type3A_109 = arith.fptosi %dot_general3A_108 : vector<256x32xf32> to vector<256x32xi32>
    %slice3A_110 = vector.extract_strided_slice %convert_element_type3A_29 {offsets = [0, 3584], sizes = [256, 512], strides = [1, 1]} : vector<256x8192xf32> to vector<256x512xf32>
    %dot_general3A_111 = arith.constant dense<0.000000e+00> : vector<256x32xf32>
    %dot_general3A_112 = tpu.matmul %slice3A_110, %convert_element_type3A_82, %dot_general3A_111 {dimension_numbers = #tpu.dot_dimension_numbers<[1], [0], [0], [1], [0, 0, 1, 1], [], []>, transpose_lhs_hint = false} : vector<256x512xf32>, vector<512x32xf32>, vector<256x32xf32> -> vector<256x32xf32>
    %convert_element_type3A_113 = arith.fptosi %dot_general3A_112 : vector<256x32xf32> to vector<256x32xi32>
    %slice3A_114 = vector.extract_strided_slice %convert_element_type3A_29 {offsets = [0, 4096], sizes = [256, 512], strides = [1, 1]} : vector<256x8192xf32> to vector<256x512xf32>
    %dot_general3A_115 = arith.constant dense<0.000000e+00> : vector<256x32xf32>
    %dot_general3A_116 = tpu.matmul %slice3A_114, %convert_element_type3A_82, %dot_general3A_115 {dimension_numbers = #tpu.dot_dimension_numbers<[1], [0], [0], [1], [0, 0, 1, 1], [], []>, transpose_lhs_hint = false} : vector<256x512xf32>, vector<512x32xf32>, vector<256x32xf32> -> vector<256x32xf32>
    %convert_element_type3A_117 = arith.fptosi %dot_general3A_116 : vector<256x32xf32> to vector<256x32xi32>
    %slice3A_118 = vector.extract_strided_slice %convert_element_type3A_29 {offsets = [0, 4608], sizes = [256, 512], strides = [1, 1]} : vector<256x8192xf32> to vector<256x512xf32>
    %dot_general3A_119 = arith.constant dense<0.000000e+00> : vector<256x32xf32>
    %dot_general3A_120 = tpu.matmul %slice3A_118, %convert_element_type3A_82, %dot_general3A_119 {dimension_numbers = #tpu.dot_dimension_numbers<[1], [0], [0], [1], [0, 0, 1, 1], [], []>, transpose_lhs_hint = false} : vector<256x512xf32>, vector<512x32xf32>, vector<256x32xf32> -> vector<256x32xf32>
    %convert_element_type3A_121 = arith.fptosi %dot_general3A_120 : vector<256x32xf32> to vector<256x32xi32>
    %slice3A_122 = vector.extract_strided_slice %convert_element_type3A_29 {offsets = [0, 5120], sizes = [256, 512], strides = [1, 1]} : vector<256x8192xf32> to vector<256x512xf32>
    %dot_general3A_123 = arith.constant dense<0.000000e+00> : vector<256x32xf32>
    %dot_general3A_124 = tpu.matmul %slice3A_122, %convert_element_type3A_82, %dot_general3A_123 {dimension_numbers = #tpu.dot_dimension_numbers<[1], [0], [0], [1], [0, 0, 1, 1], [], []>, transpose_lhs_hint = false} : vector<256x512xf32>, vector<512x32xf32>, vector<256x32xf32> -> vector<256x32xf32>
    %convert_element_type3A_125 = arith.fptosi %dot_general3A_124 : vector<256x32xf32> to vector<256x32xi32>
    %slice3A_126 = vector.extract_strided_slice %convert_element_type3A_29 {offsets = [0, 5632], sizes = [256, 512], strides = [1, 1]} : vector<256x8192xf32> to vector<256x512xf32>
    %dot_general3A_127 = arith.constant dense<0.000000e+00> : vector<256x32xf32>
    %dot_general3A_128 = tpu.matmul %slice3A_126, %convert_element_type3A_82, %dot_general3A_127 {dimension_numbers = #tpu.dot_dimension_numbers<[1], [0], [0], [1], [0, 0, 1, 1], [], []>, transpose_lhs_hint = false} : vector<256x512xf32>, vector<512x32xf32>, vector<256x32xf32> -> vector<256x32xf32>
    %convert_element_type3A_129 = arith.fptosi %dot_general3A_128 : vector<256x32xf32> to vector<256x32xi32>
    %slice3A_130 = vector.extract_strided_slice %convert_element_type3A_29 {offsets = [0, 6144], sizes = [256, 512], strides = [1, 1]} : vector<256x8192xf32> to vector<256x512xf32>
    %dot_general3A_131 = arith.constant dense<0.000000e+00> : vector<256x32xf32>
    %dot_general3A_132 = tpu.matmul %slice3A_130, %convert_element_type3A_82, %dot_general3A_131 {dimension_numbers = #tpu.dot_dimension_numbers<[1], [0], [0], [1], [0, 0, 1, 1], [], []>, transpose_lhs_hint = false} : vector<256x512xf32>, vector<512x32xf32>, vector<256x32xf32> -> vector<256x32xf32>
    %convert_element_type3A_133 = arith.fptosi %dot_general3A_132 : vector<256x32xf32> to vector<256x32xi32>
    %slice3A_134 = vector.extract_strided_slice %convert_element_type3A_29 {offsets = [0, 6656], sizes = [256, 512], strides = [1, 1]} : vector<256x8192xf32> to vector<256x512xf32>
    %dot_general3A_135 = arith.constant dense<0.000000e+00> : vector<256x32xf32>
    %dot_general3A_136 = tpu.matmul %slice3A_134, %convert_element_type3A_82, %dot_general3A_135 {dimension_numbers = #tpu.dot_dimension_numbers<[1], [0], [0], [1], [0, 0, 1, 1], [], []>, transpose_lhs_hint = false} : vector<256x512xf32>, vector<512x32xf32>, vector<256x32xf32> -> vector<256x32xf32>
    %convert_element_type3A_137 = arith.fptosi %dot_general3A_136 : vector<256x32xf32> to vector<256x32xi32>
    %slice3A_138 = vector.extract_strided_slice %convert_element_type3A_29 {offsets = [0, 7168], sizes = [256, 512], strides = [1, 1]} : vector<256x8192xf32> to vector<256x512xf32>
    %dot_general3A_139 = arith.constant dense<0.000000e+00> : vector<256x32xf32>
    %dot_general3A_140 = tpu.matmul %slice3A_138, %convert_element_type3A_82, %dot_general3A_139 {dimension_numbers = #tpu.dot_dimension_numbers<[1], [0], [0], [1], [0, 0, 1, 1], [], []>, transpose_lhs_hint = false} : vector<256x512xf32>, vector<512x32xf32>, vector<256x32xf32> -> vector<256x32xf32>
    %convert_element_type3A_141 = arith.fptosi %dot_general3A_140 : vector<256x32xf32> to vector<256x32xi32>
    %slice3A_142 = vector.extract_strided_slice %convert_element_type3A_29 {offsets = [0, 7680], sizes = [256, 512], strides = [1, 1]} : vector<256x8192xf32> to vector<256x512xf32>
    %dot_general3A_143 = arith.constant dense<0.000000e+00> : vector<256x32xf32>
    %dot_general3A_144 = tpu.matmul %slice3A_142, %convert_element_type3A_82, %dot_general3A_143 {dimension_numbers = #tpu.dot_dimension_numbers<[1], [0], [0], [1], [0, 0, 1, 1], [], []>, transpose_lhs_hint = false} : vector<256x512xf32>, vector<512x32xf32>, vector<256x32xf32> -> vector<256x32xf32>
    %convert_element_type3A_145 = arith.fptosi %dot_general3A_144 : vector<256x32xf32> to vector<256x32xi32>
    %concatenate3A_146 = tpu.concatenate %convert_element_type3A_85, %convert_element_type3A_89, %convert_element_type3A_93, %convert_element_type3A_97, %convert_element_type3A_101, %convert_element_type3A_105, %convert_element_type3A_109, %convert_element_type3A_113, %convert_element_type3A_117, %convert_element_type3A_121, %convert_element_type3A_125, %convert_element_type3A_129, %convert_element_type3A_133, %convert_element_type3A_137, %convert_element_type3A_141, %convert_element_type3A_145 in 1 : vector<256x32xi32>, vector<256x32xi32>, vector<256x32xi32>, vector<256x32xi32>, vector<256x32xi32>, vector<256x32xi32>, vector<256x32xi32>, vector<256x32xi32>, vector<256x32xi32>, vector<256x32xi32>, vector<256x32xi32>, vector<256x32xi32>, vector<256x32xi32>, vector<256x32xi32>, vector<256x32xi32>, vector<256x32xi32> -> vector<256x512xi32>
    %swap3A_147 = arith.constant 0 : index
    %swap3A_148 = arith.constant 0 : index
    %swap3A_149 = arith.constant 0 : index
    %swap3A_150 = vector.load %arg4[%swap3A_147, %swap3A_148, %swap3A_149] : memref<1x256x512xi32, #tpu.memory_space<vmem>>, vector<1x256x512xi32>
    %swap3A_151 = vector.shape_cast %swap3A_150 : vector<1x256x512xi32> to vector<256x512xi32>
    %swap3A_152 = vector.shape_cast %concatenate3A_146 : vector<256x512xi32> to vector<1x256x512xi32>
    tpu.vector_store %arg4[%swap3A_147, %swap3A_148, %swap3A_149], %swap3A_152 {strides = array<i32>} : memref<1x256x512xi32, #tpu.memory_space<vmem>>, vector<1x256x512xi32>,
    return
  }
  func.func @transform_0(%arg0: i32, %arg1: i32) -> (i32, i32, i32) {
    %c0_i32 = arith.constant 0 : i32
    %c0_i32_0 = arith.constant 0 : i32
    return %arg0, %arg1, %c0_i32 : i32, i32, i32
  }
  func.func @transform_1(%arg0: i32, %arg1: i32) -> (i32, i32, i32) {
    %c0_i32 = arith.constant 0 : i32
    %c0_i32_0 = arith.constant 0 : i32
    %c0_i32_1 = arith.constant 0 : i32
    return %arg0, %c0_i32, %c0_i32_0 : i32, i32, i32
  }
  func.func @transform_2(%arg0: i32, %arg1: i32) -> (i32, i32, i32) {
    %c0_i32 = arith.constant 0 : i32
    %c0_i32_0 = arith.constant 0 : i32
    return %arg0, %arg1, %c0_i32 : i32, i32, i32
  }
  func.func @transform_3(%arg0: i32, %arg1: i32) -> (i32, i32, i32) {
    %c0_i32 = arith.constant 0 : i32
    %c0_i32_0 = arith.constant 0 : i32
    return %arg0, %arg1, %c0_i32 : i32, i32, i32
  }
}

</mosaic_0001>

<sc_bundles>
// kernel: kernel.5.cloned.1.call-start
scs
__scs_entry_jumppad:
0x0: {  	(pc) =	sbr.rel $0x88, $3  }
0x1: {  	(tag) =	ssettag $0x0;
	lr =	simm.s32 $0x1  }
0x2: {  	[smem:$0x3F9E] =	sst lr;
	_ =	strace $0xD0000000  }
0x3: {  	_ = 	snop  }
0x4: {  	_ = 	snop  }
0x5: {  	_ = 	snop  }
0x6: {  	_ = 	snop  }
0x7: {  	_ = 	snop  }
__scs_overlays_trampoline_lowered:
0x8: {  	[smem:$0x3FAD] =	sst s0  }
0x9: {  	[smem:$0x3FAE] =	sst s1  }
0xa: {  	[smem:$0x3FAF] =	sst s2  }
0xb: {  	[smem:$0x3FB0] =	sst s3  }
0xc: {  	[smem:$0x3FB1] =	sst s4  }
0xd: {  	[smem:$0x3FB2] =	sst s5  }
0xe: {  	[smem:$0x3FB3] =	sst s6  }
0xf: {  	[smem:$0x3FB4] =	sst s7  }
0x10: {  	[smem:$0x3FB5] =	sst s8  }
0x11: {  	[smem:$0x3FB6] =	sst s9;
	s0 =	simm.s32 @!p0 $0x0  }
0x12: {  	s1 =	sld [smem:$0x3F9C];
	s0 =	simm.s32 @p0 $0x1  }
0x13: {  	[smem:$0x3FB7] =	sst s0;
	s0 =	simm.s32 @!p1 $0x0  }
0x14: {  	s2 =	sld [smem:$0x3F9B];
	s0 =	simm.s32 @p1 $0x1  }
0x15: {  	[smem:$0x3FB8] =	sst s0;
	s0 =	simm.s32 @!p2 $0x0  }
0x16: {  	s3 =	sld [smem:$0x3FDB];
	s0 =	simm.s32 @p2 $0x1  }
0x17: {  	s4 =	simm.s32 $0x1BF5;
	[smem:$0x3FBA] =	sst s0  }
0x18: {  	s0 =	sld [smem:$0x3F9D];
	_ =	swait.ge [sflag:s4], $0x0  }
0x19: {  	s7 =	sld [smem:$0x3F9E]  }
0x1a: {  	s8 =	sadd.s32 $0xFFFFE003, lr  }
0x1b: {  	s9 =	sadd.s32 $0xFFFFFEF7, lr;
	s5 =	simm.s32 $0xFFFFFFFF;
	p2 =	slt.u32 s8, $0xFFFFF086  }
0x1c: {  	p1 =	slt.u32 s9, $0xF7A;
	s5 =	simm.s32 @!p2 $0x0  }
0x1d: {  	s5 =	simm.s32 @p1 $0x1;
	p0 =	seq.s32 s7, s2  }
0x1e: {  	s7 =	smul.u32 @!p0 $0xF7A, s2;
	p2 =	seq.s32 @!p0 s5, $0x0  }
0x1f: {  	s9 =	smul.u32 $0xF7A, s1;
	s8 =	simm.s32 @!p0 $0x1BF5;
	p2 =	por !p2, p0  }
0x20: {  	[sflag:s8] =	ssyncset.s32 @!p0 $0xFFFFF086;
	s6 =	sadd.s32 @!p0 s3, s7;
	s7 =	simm.s32 @!p0 $0x108  }
0x21: {  	s3 =	sadd.s32 s3, s9;
	s6 =	sadd.s32 @!p0 $0x88, s6;
	s7 =	simm.s32 @p2 $0x1082  }
0x22: {  	[simem:s7], [sflag:s8] =	dma.local @!p0 [hbm:s6], $0xF7A  }
0x23: {  	s9 =	sor.u32 $0xD0000000, s2;
	s6 =	simm.s32 $0x108;
	_ =	swait.ge @!p0 [sflag:s8], $0x0  }
0x24: {  	s3 =	sadd.s32 $0x88, s3;
	s6 =	simm.s32 @!p1 $0x1082;
	[sflag:s4] =	ssyncset.s32 $0xFFFFF086  }
0x25: {  	[simem:s6], [sflag:s4] =	dma.local [hbm:s3], $0xF7A  }
0x26: {  	[smem:$0x3F9E] =	sst s1;
	(tag) =	ssettag s2;
	_ =	strace s9  }
0x27: {  	s1 =	sld [smem:$0x3FAE]  }
0x28: {  	s2 =	sld [smem:$0x3FAF]  }
0x29: {  	s4 =	sld [smem:$0x3FB1]  }
0x2a: {  	p0 =	seq.s32 s5, $0x0;
	s5 =	sld [smem:$0x3FB2]  }
0x2b: {  	s6 =	sld [smem:$0x3FB3]  }
0x2c: {  	s7 =	sld [smem:$0x3FB4]  }
0x2d: {  	s3 =	simm.s32 $0x108;
	s8 =	sld [smem:$0x3FB5]  }
0x2e: {  	s3 =	simm.s32 @!p0 $0x1082;
	s9 =	sld [smem:$0x3FB6]  }
0x2f: {  	lr =	sadd.s32 s0, s3;
	s0 =	sld [smem:$0x3FAD]  }
0x30: {  	s3 =	sld [smem:$0x3FB0]  }
0x31: {  	[smem:$0x3FB9] =	sst s10  }
0x32: {  	s10 =	sld [smem:$0x3FB7];
	_ =	sdelay $0x3  }
0x33: {  	p0 =	seq.s32 s10, $0x1;
	s10 =	sld [smem:$0x3FB9];
	_ =	sdelay $0x3  }
0x34: {  	[smem:$0x3FB9] =	sst s10  }
0x35: {  	s10 =	sld [smem:$0x3FB8];
	_ =	sdelay $0x3  }
0x36: {  	p1 =	seq.s32 s10, $0x1;
	s10 =	sld [smem:$0x3FB9];
	_ =	sdelay $0x3  }
0x37: {  	[smem:$0x3FB9] =	sst s10  }
0x38: {  	s10 =	sld [smem:$0x3FBA]  }
0x39: {  	_ = 	snop;
	(pc) =	sbr.ind lr, $3  }
0x3a: {  	_ = 	snop  }
0x3b: {  	_ = 	snop  }
0x3c: {  	p2 =	seq.s32 s10, $0x1;
	s10 =	sld [smem:$0x3FB9]  }
0x3d: {  	_ =	shalt  }
0x3e: {  	_ =	shalt  }
0x3f: {  	_ =	shalt  }
0x40: {  	_ =	shalt  }
0x41: {  	_ =	shalt  }
0x42: {  	_ =	shalt  }
0x43: {  	_ =	shalt  }
0x44: {  	_ =	shalt  }
0x45: {  	_ =	shalt  }
0x46: {  	_ =	shalt  }
0x47: {  	_ =	shalt  }
0x48: {  	_ =	shalt  }
0x49: {  	_ =	shalt  }
0x4a: {  	_ =	shalt  }
0x4b: {  	_ =	shalt  }
0x4c: {  	_ =	shalt  }
0x4d: {  	_ =	shalt  }
0x4e: {  	_ =	shalt  }
0x4f: {  	_ =	shalt  }
0x50: {  	_ =	shalt  }
0x51: {  	_ =	shalt  }
0x52: {  	_ =	shalt  }
0x53: {  	_ =	shalt  }
0x54: {  	_ =	shalt  }
0x55: {  	_ =	shalt  }
0x56: {  	_ =	shalt  }
0x57: {  	_ =	shalt  }
0x58: {  	_ =	shalt  }
0x59: {  	_ =	shalt  }
0x5a: {  	_ =	shalt  }
0x5b: {  	_ =	shalt  }
0x5c: {  	_ =	shalt  }
0x5d: {  	_ =	shalt  }
0x5e: {  	_ =	shalt  }
0x5f: {  	_ =	shalt  }
0x60: {  	_ =	shalt  }
0x61: {  	_ =	shalt  }
0x62: {  	_ =	shalt  }
0x63: {  	_ =	shalt  }
0x64: {  	_ =	shalt  }
0x65: {  	_ =	shalt  }
0x66: {  	_ =	shalt  }
0x67: {  	_ =	shalt  }
0x68: {  	_ =	shalt  }
0x69: {  	_ =	shalt  }
0x6a: {  	_ =	shalt  }
0x6b: {  	_ =	shalt  }
0x6c: {  	_ =	shalt  }
0x6d: {  	_ =	shalt  }
0x6e: {  	_ =	shalt  }
0x6f: {  	_ =	shalt  }
0x70: {  	_ =	shalt  }
0x71: {  	_ =	shalt  }
0x72: {  	_ =	shalt  }
0x73: {  	_ =	shalt  }
0x74: {  	_ =	shalt  }
0x75: {  	_ =	shalt  }
0x76: {  	_ =	shalt  }
0x77: {  	_ =	shalt  }
0x78: {  	_ =	shalt  }
0x79: {  	_ =	shalt  }
0x7a: {  	_ =	shalt  }
0x7b: {  	_ =	shalt  }
0x7c: {  	_ =	shalt  }
0x7d: {  	_ =	shalt  }
0x7e: {  	_ =	shalt  }
0x7f: {  	_ =	shalt  }
0x80: {  	_ =	shalt  }
0x81: {  	_ =	shalt  }
0x82: {  	_ =	shalt  }
0x83: {  	_ =	shalt  }
0x84: {  	_ =	shalt  }
0x85: {  	_ =	shalt  }
0x86: {  	_ =	shalt  }
0x87: {  	_ =	shalt  }
.Lfunc_end0:
.L_simem_size_0:
called_computation.1_lowered:
.L_overlay_start_0:
0x88: {  	s2 =	sld [smem:$0x3FD9]  }
0x89: {  	s3 =	sld [smem:$0x3FFE];
	_ =	sdelay $0x1  }
0x8a: {  	s1 =	srdreg.scid  }
0x8b: {  	s0 =	sand.u32 $0x1, s1  }
0x8c: {  	s17 =	sshll.u32 s0, $0xA;
	s2 =	sadd.s32 s3, s2  }
0x8d: {  	s2 =	sadd.s32 s2, s17  }
0x8e: {  	[smem:$0x3FC5] =	sst s2  }
0x8f: {  	_ = 	snop  }
0x90: {  	s2 =	sld [smem:$0x3FD0];
	(tm) =	ssettm $0x1  }
0x91: {  	s18 =	sld [smem:$0x3FFB];
	_ =	sdelay $0x3  }
0x92: {  	_ =	strace s18  }
0x93: {  	s3 =	sld [smem:$0x3FFC];
	_ =	sdelay $0x3  }
0x94: {  	_ =	strace s3  }
0x95: {  	s3 =	sld [smem:$0x3FFD];
	_ =	sdelay $0x3  }
0x96: {  	_ =	strace s3  }
0x97: {  	_ =	strace $0x8FFFFFFF  }
0x98: {  	s19 =	sld [smem:$0x3FDB];
	_ =	sdelay $0x1  }
0x99: {  	s4 =	simm.s32 $_scs_section_size  }
0x9a: {  	s5 =	simm.s32 $_size__tile_overlayer_lowered;
	s6 =	simm.s32 $_tile_overlayer_lowered  }
0x9b: {  	s22 =	simm.s32 $0x1BFF;
	s21 =	sshll.u32 s6, $0x1;
	s3 =	sadd.s32 s4, s19  }
0x9c: {  	s7 =	simm.s32 $0x0;
	s20 =	sshll.u32 s5, $0x1;
	s5 =	sadd.s32 s21, s3  }
0x9d: {  	[timem:s7], [sflag:s22] =	dma.local [hbm:s5], s20  }
0x9e: {  	_ =	swait.ge [sflag:s22], s20  }
0x9f: {  	s4 =	ssub.s32 $0x0, s20;
	[sflag:s22] =	ssyncset.done $0x0  }
0xa0: {  	[sflag:s22] =	ssyncadd.s32 s4;
	_ =	sdelay $0x1  }
0xa1: {  	s23 =	simm.s32 $0x1B8B  }
0xa2: {  	_ =	swait.ge [sflag:s23], $0x1  }
0xa3: {  	[sflag:s23] =	ssyncset.done $0x0  }
0xa4: {  	s25 =	simm.s32 $0x1B8E;
	s24 =	sld [smem:$0x3FFE];
	[sflag:s23] =	ssyncadd.s32 $0xFFFFFFFF  }
0xa5: {  	s26 =	simm.s32 $execute0_lowered;
	[smem:$0x3FD2] =	sst s25  }
0xa6: {  	s5 =	sshll.u32 s26, $0x1;
	_ =	strace $0x80000046;
	[dreg:$0x1] =	wrdreg $0xFFFFFFFF  }
0xa7: {  	s28 =	simm.s32 $_size_execute0_lowered;
	s3 =	sadd.s32 s3, s5;
	[dreg:$0x0] =	wrdreg $0x0  }
0xa8: {  	s5 =	sshll.u32 s28, $0x1;
	[dreg:$0x2] =	wrdreg s3  }
0xa9: {  	[dreg:$0x3] =	wrdreg s5  }
0xaa: {  	[dreg:$0x4] =	wrdreg $0xC0  }
0xab: {  	_ =	task [dreg:s7], $0x5FFFF  }
0xac: {  	[dreg:$0x1] =	wrdreg $0xFFFFFFFF  }
0xad: {  	[dreg:$0x0] =	wrdreg $0x60  }
0xae: {  	[dreg:$0x2] =	wrdreg s24  }
0xaf: {  	[dreg:$0x3] =	wrdreg s2  }
0xb0: {  	[dreg:$0x4] =	wrdreg $0x9  }
0xb1: {  	_ =	task.clear_ibuf [dreg:s7], $0x5FFFF;
	_ =	strace $0x90000046  }
0xb2: {  	s29 =	simm.s32 $0x9;
	_ =	strace $0x80000048  }
0xb3: {  	_ =	swait.ge [sflag:s29], $0x1  }
0xb4: {  	[sflag:s29] =	ssyncadd.s32 $0xFFFFFFFF  }
0xb5: {  	_ =	strace $0x90000048  }
0xb6: {  	_ =	sfence  }
0xb7: {  	s30 =	sld [smem:$0x0];
	_ =	sdelay $0x2  }
0xb8: {  	s31 =	sshll.u32 s1, $0xD;
	s1 =	sshrl.u32 s1, $0x2  }
0xb9: {  	s3 =	sand.u32 $0x4000, s31;
	s1 =	sadd.s32 s1, s30  }
0xba: {  	s0 =	sor.u32 s3, s0;
	s1 =	sshll.u32 s1, $0x11  }
0xbb: {  	s0 =	sor.u32 s1, s0  }
0xbc: {  	s0 =	sadd.s32 $0x8F2B, s0  }
0xbd: {  	[sflag:s0] =	ssyncadd.remote.s32 $0x1  }
0xbe: {  	_ =	sfence.sel $0xFFFF  }
0xbf: {  	[dreg:$0x0] =	wrdreg $0xFFFFFFFF;
	(pc) =	sbr.abs _section_cstart, $3  }
0xc0: {  	[dreg:$0x1] =	wrdreg $0xFFFFFFFF  }
0xc1: {  	_ =	task.clear_ibuf [dreg:s7], $0x2FFFF;
	_ =	strace $0x9FFFFFFF  }
0xc2: {  	(tm) =	ssettm $0x7FFFFFFF  }
0xc3: {  	_ =	shalt  }
tec
execute0_lowered:
.L_overlay_start_1:
0x0: {  	(tag) =	ssettag $0x1  }
0x1: {  	s0 =	rddreg [dreg:$0x0]  }
0x2: {  	s1 =	rddreg [dreg:$0x1];
	s3 =	simm.s32 $0x0;
	s2 =	srdreg.scid  }
0x3: {  	s8 =	stileid.u32;
	s28 =	simm.s32 $0x3;
	s29 =	simm.s32 $0x4980  }
0x4: {  	s30 =	simm.s32 $0x5180;
	s31 =	simm.s32 $0x5980;
	[smem:$0x7FF] =	sst s3  }
0x5: {  	s2 =	sand.u32 $0x1, s2;
	s4 =	sadd.s32 $0x43600, s0;
	s6 =	sshll.u32 s8, $0x8  }
0x6: {  	s5 =	sadd.s32 $0x3600, s0;
	s18 =	sshrl.u32 s8, $0x3;
	_ =	strace $0x80000047  }
0x7: {  	s7 =	sshll.u32 s2, $0x7;
	s2 =	ssub.s32 $0x2, s2;
	s9 =	smul.u32 $0x180, s18  }
0x8: {  	v0 =	vimm.s32 $0x8040201;
	v1 =	vimm.s32 $0x80402010;
	s20 =	smul.u32 $0x30, s18;
	s6 =	sor.u32 s7, s6;
	s10 =	sshrl.u32 s2, $0x1  }
0x9: {  	v0 =	vunpack.c.0.s8.s32 v0;
	v1 =	vunpack.c.0.s8.s32 v1;
	s7 =	sshll.u32 s18, $0xD;
	s19 =	sshll.u32 s6, $0x4;
	s2 =	ssub.s32 s2, s10  }
0xa: {  	vm0 =	vcmask $0xF00;
	s9 =	sshrl.u32 s9, $0x3;
	s10 =	sshll.u32 s6, $0x6;
	s2 =	smax.u32 s2, $0x1  }
0xb: {  	vm7 =	vcmask $0x1F10;
	v0 =	vnsel vm0, $0x8000, v0;
	v1 =	vand.u32 $0xFF, v1;
	s8 =	sadd.s32 s19, s0;
	s24 =	sadd.s32 s4, s10;
	[dreg:$0x8] =	wrdreg s2  }
0xc: {  	vm8 =	vcmask $0x2320;
	v0 =	vsel vm7, v1, v0;
	s0 =	sadd.s32 $0x1600, s0;
	s8 =	sadd.s32 $0x83600, s8;
	[dreg:$0x7] =	wrdreg s24  }
0xd: {  	vm9 =	vcmask $0x2724;
	vm10 =	vcmask $0x2B28;
	v0 =	vsel vm8, $0x100, v0;
	s21 =	sadd.s32 s0, s9;
	s0 =	sadd.s32 s0, s20;
	[dreg:$0x3] =	wrdreg s8  }
0xe: {  	vm11 =	vcmask $0x2F2C;
	vm12 =	vcmask $0x3330;
	s18 =	simm.s32 $0xD400;
	v0 =	vsel vm9, $0x200, v0;
	s25 =	sadd.s32 $0x80, s24;
	[dreg:$0x4] =	wrdreg s0  }
0xf: {  	vm13 =	vcmask $0x3734;
	vm14 =	vcmask $0x3B38;
	s19 =	simm.s32 $0xF400;
	s26 =	sadd.s32 $0x100, s24;
	v0 =	vsel vm10, $0x400, v0;
	[dreg:$0x9] =	wrdreg s25  }
0x10: {  	vm15 =	vmmov $0xffff;
	v5 =	vimm.s32 $0x0;
	s20 =	simm.s32 $0x11400;
	s22 =	sadd.s32 $0x10, s21;
	[dreg:$0xa] =	wrdreg s26;
	v0 =	vsel vm11, $0x800, v0  }
0x11: {  	v3 =	vlaneseq.u32;
	v5 =	vsel vm15, $0xFFFFFFFF, v5;
	s2 =	simm.s32 $0x6980;
	s23 =	sadd.s32 $0x20, s21;
	[dreg:$0x5] =	wrdreg s22;
	v1 =	vsel vm12, $0x1000, v0  }
0x12: {  	v4 =	vor.u32 $0x10, v3;
	[tilespmem:$0x1FFF0] =	vst v5;
	v5 =	vmul.u32 $0x28, v3;
	s9 =	simm.s32 $0x0;
	s0 =	sadd.s32 $0x180, s24;
	[dreg:$0x6] =	wrdreg s23;
	v2 =	vsel vm13, $0x2000, v1  }
0x13: {  	s26 =	simm.s32 $0x1;
	[dreg:$0xb] =	wrdreg s0;
	s0 =	simm.s32 $0x6180;
	v0 =	vmov s7;
	v1 =	vimm.s32 $0x0;
	v2 =	vsel vm14, $0x4000, v2  }
.LBB2_1:
0x14: {  	[dreg:$0xc] =	wrdreg s9  }
0x15: {  	s7 =	rddreg [dreg:$0x3];
	s8 =	simm.s32 $0x800;
	s12 =	simm.s32 $0x4  }
0x16: {  	[tilespmem:s8], [sflag:$0x4] =	stream.linear.gather [hbm4b:s7+s3], $0x4000, $0x38;
	[tilespmem:$0x13400] =	vst v63  }
0x17: {  	_ =	swait.ge [sflag:s12], $0x4000  }
0x18: {  	s14 =	simm.s32 $0x80;
	[sflag:s12] =	ssyncset.done $0x0  }
0x19: {  	s11 =	simm.s32 $0x400;
	s13 =	rddreg [dreg:$0x4];
	[sflag:s12] =	ssyncadd.s32 $0xFFFFC000  }
0x1a: {  	[tilespmem:s18], [sflag:$0x4] =	stream.strided.gather [hbm4b:s13+s14], $0x2000, s11, s14, $0x38;
	[tilespmem:$0x13400] =	vst v63  }
0x1b: {  	_ =	swait.ge [sflag:s12], $0x2000  }
0x1c: {  	[sflag:s12] =	ssyncset.done $0x0  }
0x1d: {  	s15 =	rddreg [dreg:$0x5];
	[sflag:s12] =	ssyncadd.s32 $0xFFFFE000  }
0x1e: {  	[tilespmem:s19], [sflag:$0x4] =	stream.strided.gather [hbm4b:s15+s14], $0x2000, s11, s14, $0x38;
	[tilespmem:$0x13400] =	vst v63  }
0x1f: {  	_ =	swait.ge [sflag:s12], $0x2000  }
0x20: {  	[sflag:s12] =	ssyncset.done $0x0  }
0x21: {  	s16 =	rddreg [dreg:$0x6];
	[sflag:s12] =	ssyncadd.s32 $0xFFFFE000  }
0x22: {  	[tilespmem:s20], [sflag:$0x4] =	stream.strided.gather [hbm4b:s16+s14], $0x2000, s11, s14, $0x38;
	[tilespmem:$0x13400] =	vst v63  }
0x23: {  	_ =	swait.ge [sflag:s12], $0x2000  }
0x24: {  	[sflag:s12] =	ssyncset.done $0x0  }
0x25: {  	s17 =	rddreg [dreg:$0x7];
	[sflag:s12] =	ssyncadd.s32 $0xFFFFE000  }
0x26: {  	[tilespmem:s3], [sflag:$0x3] =	stream.linear.gather [hbm4b:s17+s3], $0x100, $0x38;
	[tilespmem:$0x13400] =	vst v63  }
0x27: {  	s22 =	simm.s32 $0x200;
	s21 =	rddreg [dreg:$0x9]  }
0x28: {  	[tilespmem:s22], [sflag:$0x3] =	stream.linear.gather [hbm4b:s21+s3], $0x100, $0x38;
	[tilespmem:$0x13400] =	vst v63  }
0x29: {  	s25 =	simm.s32 $0x600;
	s23 =	rddreg [dreg:$0xa]  }
0x2a: {  	[tilespmem:s11], [sflag:$0x3] =	stream.linear.gather [hbm4b:s23+s3], $0x100, $0x38;
	[tilespmem:$0x13400] =	vst v63  }
0x2b: {  	p0 =	por $0x0, $0x0;
	s24 =	rddreg [dreg:$0xb];
	s11 =	simm.s32 $0x0  }
0x2c: {  	[tilespmem:s25], [sflag:$0x3] =	stream.linear.gather [hbm4b:s24+s3], $0x100, $0x38;
	[tilespmem:$0x13400] =	vst v63  }
.LBB2_2:
0x2d: {  	s7 =	simm.s32 $0x1  }
0x2e: {  	_ =	swait.ge [sflag:s28], $0x400;
	s25 =	sadd.s32 $0x1, s11;
	p1 =	seq.s32 s11, $0x3F  }
0x2f: {  	s24 =	sshll.u32 s11, $0x1;
	s7 =	simm.s32 @!p0 $0x0;
	[sflag:s28] =	ssyncset.done $0x0  }
0x30: {  	s8 =	sshll.u32 @!p1 s25, $0x7;
	s9 =	sshll.u32 @!p1 s25, $0x5;
	s12 =	sshll.u32 @!p1 s25, $0x8  }
0x31: {  	s13 =	simm.s32 @!p1 $0x0;
	s8 =	sadd.s32 @!p1 s10, s8;
	s9 =	sand.u32 @!p1 $0x60, s9  }
0x32: {  	s7 =	smul.u32 $0x8300, s7;
	s8 =	sand.u32 @!p1 $0x7FE00, s8;
	s9 =	sadd.s32 @!p1 s4, s9  }
0x33: {  	[sflag:s28] =	ssyncadd.s32 $0xFFFFFC00;
	s12 =	sand.u32 @!p1 $0x100, s12;
	s8 =	sadd.s32 @!p1 s8, s9  }
0x34: {  	[tilespmem:s12], [sflag:$0x3] =	stream.linear.gather @!p1 [hbm4b:s8+s13], $0x100, $0x38;
	[tilespmem:$0x13400] =	vst v63  }
0x35: {  	s21 =	sor.u32 @!p1 $0x200, s12;
	s7 =	sshrl.u32 s7, $0x2;
	s9 =	sadd.s32 @!p1 $0x80, s8  }
0x36: {  	[tilespmem:s21], [sflag:$0x3] =	stream.linear.gather @!p1 [hbm4b:s9+s13], $0x100, $0x38;
	[tilespmem:$0x13400] =	vst v63  }
0x37: {  	s23 =	sor.u32 @!p1 $0x400, s12;
	s7 =	sadd.s32 $0x92A0, s7;
	s21 =	sadd.s32 @!p1 $0x100, s8  }
0x38: {  	[tilespmem:s23], [sflag:$0x3] =	stream.linear.gather @!p1 [hbm4b:s21+s13], $0x100, $0x38;
	[tilespmem:$0x13400] =	vst v63  }
0x39: {  	s12 =	sor.u32 @!p1 $0x600, s12;
	s9 =	sand.u32 $0x1, s11;
	s8 =	sadd.s32 @!p1 $0x180, s8  }
0x3a: {  	[tilespmem:s12], [sflag:$0x3] =	stream.linear.gather @!p1 [hbm4b:s8+s13], $0x100, $0x38;
	[tilespmem:$0x13400] =	vst v63  }
0x3b: {  	s21 =	simm.s32 $0xF0;
	s23 =	simm.s32 $0x0;
	s8 =	sadd.s32 s6, s24;
	[tilespmem:$0x4800] =	vst v1  }
0x3c: {  	s13 =	sshll.u32 s9, $0x8;
	s24 =	simm.s32 $0x0;
	s12 =	simm.s32 $0x0;
	[tilespmem:$0x4810] =	vst v1  }
.LBB2_3:
0x3d: {  	s16 =	sand.u32 $0x600, s23  }
0x3e: {  	s17 =	sand.u32 $0x70, s24;
	s16 =	sor.u32 s16, s13  }
0x3f: {  	s16 =	sadd.s32 s17, s16  }
0x40: {  	v6 =	vld [tilespmem:s16+$0x0];
	_ =	sdelay $0x4  }
0x41: {  	v7 =	vbroadcast v6, $0x0  }
0x42: {  	v8 =	vbroadcast v6, $0x1  }
0x43: {  	v9 =	vbroadcast v6, $0x2;
	v7 =	vand.u32 v2, v7  }
0x44: {  	vm13 =	vne.s32 v7, $0x0;
	v7 =	vand.u32 v2, v8  }
0x45: {  	v9 =	vand.u32 v2, v9;
	vm7 =	vne.s32 v7, $0x0;
	v7 =	vmpcnt.ones.xlane vm13  }
0x46: {  	vm1 =	vne.s32 v9, $0x0;
	v48 =	vmpcnt.ones.xlane vm7  }
0x47: {  	v47 =	vbroadcast v6, $0x3;
	(v2sf) =	vpush v7, $0x0;
	v7 =	vmpcnt.ones.xlane vm1  }
0x48: {  	v49 =	vbroadcast v6, $0x4;
	(v2sf) =	vpush v48, $0x0  }
0x49: {  	v8 =	vand.u32 v2, v47;
	(v2sf) =	vpush v7, $0x0;
	v7 =	vbroadcast v6, $0x5  }
0x4a: {  	v51 =	vbroadcast v6, $0x6;
	v50 =	vand.u32 v2, v49;
	vm2 =	vne.s32 v8, $0x0  }
0x4b: {  	vm14 =	vne.s32 v50, $0x0;
	v8 =	vmpcnt.ones.xlane vm2;
	v7 =	vand.u32 v2, v7  }
0x4c: {  	v9 =	vand.u32 v2, v51;
	vm8 =	vne.s32 v7, $0x0;
	v7 =	vmpcnt.ones.xlane vm14  }
0x4d: {  	vm3 =	vne.s32 v9, $0x0;
	(v2sf) =	vpush v8, $0x0;
	v53 =	vmpcnt.ones.xlane vm8  }
0x4e: {  	v52 =	vbroadcast v6, $0x7;
	(v2sf) =	vpush v7, $0x0;
	v7 =	vmpcnt.ones.xlane vm3  }
0x4f: {  	v54 =	vbroadcast v6, $0x8;
	v56 =	vbroadcast v6, $0xA;
	(v2sf) =	vpush v53, $0x0  }
0x50: {  	v8 =	vand.u32 v2, v52;
	(v2sf) =	vpush v7, $0x0;
	v7 =	vbroadcast v6, $0x9  }
0x51: {  	v59 =	vbroadcast v6, $0xC;
	v55 =	vand.u32 v2, v54;
	vm4 =	vne.s32 v8, $0x0  }
0x52: {  	vm15 =	vne.s32 v55, $0x0;
	v8 =	vmpcnt.ones.xlane vm4;
	v7 =	vand.u32 v2, v7  }
0x53: {  	v9 =	vand.u32 v2, v56;
	vm9 =	vne.s32 v7, $0x0;
	v7 =	vmpcnt.ones.xlane vm15  }
0x54: {  	vm5 =	vne.s32 v9, $0x0;
	(v2sf) =	vpush v8, $0x0;
	v58 =	vmpcnt.ones.xlane vm9  }
0x55: {  	v57 =	vbroadcast v6, $0xB;
	(v2sf) =	vpush v7, $0x0;
	v7 =	vmpcnt.ones.xlane vm5  }
0x56: {  	v61 =	vbroadcast v6, $0xE;
	v60 =	vand.u32 v2, v59;
	(v2sf) =	vpush v58, $0x0  }
0x57: {  	v8 =	vand.u32 v2, v57;
	(v2sf) =	vpush v7, $0x0;
	v7 =	vbroadcast v6, $0xD  }
0x58: {  	v62 =	vand.u32 v2, v61;
	vm0 =	vne.s32 v60, $0x0;
	vm6 =	vne.s32 v8, $0x0  }
0x59: {  	v8 =	vmpcnt.ones.xlane vm6;
	v6 =	vbroadcast v6, $0xF;
	v7 =	vand.u32 v2, v7  }
0x5a: {  	vm11 =	vne.s32 v62, $0x0;
	vm10 =	vne.s32 v7, $0x0;
	v7 =	vmpcnt.ones.xlane vm0  }
0x5b: {  	(v2sf) =	vpush v8, $0x0;
	v6 =	vand.u32 v2, v6;
	v63 =	vmpcnt.ones.xlane vm10  }
0x5c: {  	vm12 =	vne.s32 v6, $0x0;
	v6 =	vmpcnt.ones.xlane vm11;
	(v2sf) =	vpush v7, $0x0  }
0x5d: {  	v7 =	vmpcnt.ones.xlane vm12;
	(v2sf) =	vpush v63, $0x0  }
0x5e: {  	(v2sf) =	vpush v6, $0x0  }
0x5f: {  	s17 =	spop (v2sf);
	(v2sf) =	vpush v7, $0x0  }
0x60: {  	s22 =	spop (v2sf);
	s16 =	sadd.s32 s12, s17  }
0x61: {  	s15 =	sadd.s32 $0xFFFFFF10, s21;
	s14 =	spop (v2sf);
	s17 =	sadd.s32 s16, s22  }
0x62: {  	s22 =	spop (v2sf);
	s14 =	sadd.s32 s17, s14;
	v6 =	vor.u32 s15, v3;
	s15 =	sadd.s32 $0xFFFFFF20, s21  }
0x63: {  	s22 =	sadd.s32 s14, s22;
	[tilespmem:s12+$0x4800] =	vst.msk vm13, v6;
	s12 =	spop (v2sf);
	v6 =	vor.u32 s15, v3;
	s15 =	sadd.s32 $0xFFFFFF30, s21  }
0x64: {  	[tilespmem:s16+$0x4800] =	vst.msk vm7, v6;
	s16 =	spop (v2sf);
	v6 =	vor.u32 s15, v3;
	s15 =	sadd.s32 $0xFFFFFF40, s21;
	s12 =	sadd.s32 s22, s12  }
0x65: {  	[tilespmem:s17+$0x4800] =	vst.msk vm1, v6;
	s17 =	spop (v2sf);
	v6 =	vor.u32 s15, v3;
	s15 =	sadd.s32 $0xFFFFFF50, s21;
	s16 =	sadd.s32 s12, s16  }
0x66: {  	[tilespmem:s14+$0x4800] =	vst.msk vm2, v6;
	s14 =	spop (v2sf);
	v6 =	vor.u32 s15, v3;
	s15 =	sadd.s32 $0xFFFFFF60, s21;
	s17 =	sadd.s32 s16, s17  }
0x67: {  	[tilespmem:s22+$0x4800] =	vst.msk vm14, v6;
	v6 =	vor.u32 s15, v3;
	s15 =	sadd.s32 $0xFFFFFF70, s21;
	s14 =	sadd.s32 s17, s14;
	s22 =	spop (v2sf)  }
0x68: {  	[tilespmem:s12+$0x4800] =	vst.msk vm8, v6;
	v6 =	vor.u32 s15, v3;
	s15 =	sadd.s32 $0xFFFFFF80, s21;
	s12 =	spop (v2sf);
	s22 =	sadd.s32 s14, s22  }
0x69: {  	[tilespmem:s16+$0x4800] =	vst.msk vm3, v6;
	v6 =	vor.u32 s15, v3;
	s15 =	sadd.s32 $0xFFFFFF90, s21;
	s16 =	spop (v2sf);
	s12 =	sadd.s32 s22, s12  }
0x6a: {  	[tilespmem:s17+$0x4800] =	vst.msk vm4, v6;
	v6 =	vor.u32 s15, v3;
	s15 =	sadd.s32 $0xFFFFFFA0, s21;
	s17 =	spop (v2sf);
	s16 =	sadd.s32 s12, s16  }
0x6b: {  	[tilespmem:s14+$0x4800] =	vst.msk vm15, v6;
	v6 =	vor.u32 s15, v3;
	s15 =	sadd.s32 $0xFFFFFFB0, s21;
	s17 =	sadd.s32 s16, s17;
	s14 =	spop (v2sf)  }
0x6c: {  	[tilespmem:s22+$0x4800] =	vst.msk vm9, v6;
	v6 =	vor.u32 s15, v3;
	s15 =	sadd.s32 $0xFFFFFFC0, s21;
	s22 =	spop (v2sf);
	s14 =	sadd.s32 s17, s14  }
0x6d: {  	[tilespmem:s12+$0x4800] =	vst.msk vm5, v6;
	v6 =	vor.u32 s15, v3;
	s12 =	spop (v2sf);
	s22 =	sadd.s32 s14, s22  }
0x6e: {  	[tilespmem:s16+$0x4800] =	vst.msk vm6, v6;
	s16 =	sadd.s32 s22, s12;
	s12 =	spop (v2sf)  }
0x6f: {  	p1 =	sgt.u32 s24, $0x1EF;
	s12 =	sadd.s32 s16, s12  }
0x70: {  	p2 =	slt.s32 @!p1 s12, $0x20  }
0x71: {  	s15 =	sadd.s32 $0xFFFFFFD0, s21;
	p1 =	por p1, !p2  }
.Ltmp0:
0x72: {  	v6 =	vor.u32 s15, v3;
	s15 =	sadd.s32 $0xFFFFFFE0, s21;
	(pc) =	sbr.rel @!p1 .LBB2_3-.Ltmp0, $4  }
0x73: {  	[tilespmem:s17+$0x4800] =	vst.msk vm0, v6;
	v6 =	vor.u32 s15, v3;
	s17 =	sadd.s32 $0xFFFFFFF0, s21  }
0x74: {  	[tilespmem:s14+$0x4800] =	vst.msk vm10, v6;
	v6 =	vor.u32 s17, v3  }
0x75: {  	[tilespmem:s22+$0x4800] =	vst.msk vm11, v6;
	v6 =	vor.u32 s21, v3  }
0x76: {  	s24 =	sadd.s32 $0x10, s24;
	s23 =	sadd.s32 $0x40, s23;
	s21 =	sadd.s32 $0x100, s21;
	[tilespmem:s16+$0x4800] =	vst.msk vm12, v6  }
0x77: {  	v6 =	vld [tilespmem:$0x4800];
	_ =	sdelay $0x1  }
0x78: {  	v7 =	vld [tilespmem:$0x4810];
	_ =	sdelay $0x2  }
0x79: {  	v8 =	vmov s12;
	v10 =	vbroadcast v6, $0x0  }
0x7a: {  	vm0 =	vgt.s32 v8, v3;
	vm14 =	vgt.s32 v8, v4  }
0x7b: {  	v9 =	vsel vm0, v6, v10;
	v8 =	vsel vm14, v7, v10;
	v10 =	vld [tilespmem:$0x1FFF0]  }
0x7c: {  	v6 =	vadd.s32 v0, v9;
	_ =	sdelay $0x1  }
0x7d: {  	v7 =	vadd.s32 v0, v8;
	_ =	sdelay $0x1  }
0x7e: {  	s23 =	simm.s32 $0x0;
	vm15 =	vnez.u8 v10  }
0x7f: {  	[tilespmem:s29], [sflag:$0x1] =	stream.indirect_vreg.gather [hbm4b:s5+s23], $0x80, v6, vm15, $0xb8;
	[tilespmem:$0x13400] =	vst v63  }
0x80: {  	_ = 	snop  }
0x81: {  	[tilespmem:s30], [sflag:$0x1] =	stream.indirect_vreg.gather [hbm4b:s5+s23], $0x80, v7, vm15, $0xb8;
	[tilespmem:$0x13400] =	vst v63  }
0x82: {  	[tilespmem:$0x4800] =	vst v1  }
0x83: {  	s21 =	simm.s32 $0xF0;
	s24 =	simm.s32 $0x0;
	s12 =	simm.s32 $0x0;
	[tilespmem:$0x4810] =	vst v1  }
.LBB2_5:
0x84: {  	s14 =	sand.u32 $0x600, s24  }
0x85: {  	s15 =	sand.u32 $0x70, s23;
	s14 =	sor.u32 s14, s13  }
0x86: {  	s14 =	sadd.s32 s15, s14  }
0x87: {  	v6 =	vld [tilespmem:s14+$0x80];
	_ =	sdelay $0x4  }
0x88: {  	v7 =	vbroadcast v6, $0x0  }
0x89: {  	v10 =	vbroadcast v6, $0x1  }
0x8a: {  	v11 =	vbroadcast v6, $0x2;
	v7 =	vand.u32 v2, v7  }
0x8b: {  	vm0 =	vne.s32 v7, $0x0;
	v7 =	vand.u32 v2, v10;
	v10 =	vbroadcast v6, $0x3  }
0x8c: {  	v11 =	vand.u32 v2, v11;
	vm7 =	vne.s32 v7, $0x0;
	v7 =	vmpcnt.ones.xlane vm0  }
0x8d: {  	vm1 =	vne.s32 v11, $0x0;
	v11 =	vmpcnt.ones.xlane vm7;
	v10 =	vand.u32 v2, v10  }
0x8e: {  	(v2sf) =	vpush v7, $0x0;
	v7 =	vmpcnt.ones.xlane vm1;
	vm2 =	vne.s32 v10, $0x0  }
0x8f: {  	(v2sf) =	vpush v11, $0x0;
	v10 =	vmpcnt.ones.xlane vm2;
	v11 =	vbroadcast v6, $0x4  }
0x90: {  	(v2sf) =	vpush v7, $0x0;
	v7 =	vbroadcast v6, $0x5  }
0x91: {  	(v2sf) =	vpush v10, $0x0;
	v10 =	vand.u32 v2, v11;
	v11 =	vbroadcast v6, $0x6  }
0x92: {  	vm13 =	vne.s32 v10, $0x0;
	v7 =	vand.u32 v2, v7;
	v10 =	vbroadcast v6, $0x7  }
0x93: {  	vm8 =	vne.s32 v7, $0x0;
	v7 =	vmpcnt.ones.xlane vm13;
	v11 =	vand.u32 v2, v11  }
0x94: {  	vm3 =	vne.s32 v11, $0x0;
	v11 =	vmpcnt.ones.xlane vm8;
	v10 =	vand.u32 v2, v10  }
0x95: {  	(v2sf) =	vpush v7, $0x0;
	v7 =	vmpcnt.ones.xlane vm3;
	vm4 =	vne.s32 v10, $0x0  }
0x96: {  	(v2sf) =	vpush v11, $0x0;
	v10 =	vmpcnt.ones.xlane vm4;
	v11 =	vbroadcast v6, $0x8  }
0x97: {  	(v2sf) =	vpush v7, $0x0;
	v7 =	vbroadcast v6, $0x9  }
0x98: {  	(v2sf) =	vpush v10, $0x0;
	v10 =	vand.u32 v2, v11;
	v11 =	vbroadcast v6, $0xA  }
0x99: {  	vm14 =	vne.s32 v10, $0x0;
	v7 =	vand.u32 v2, v7;
	v10 =	vbroadcast v6, $0xB  }
0x9a: {  	vm9 =	vne.s32 v7, $0x0;
	v7 =	vmpcnt.ones.xlane vm14;
	v11 =	vand.u32 v2, v11  }
0x9b: {  	vm5 =	vne.s32 v11, $0x0;
	v11 =	vmpcnt.ones.xlane vm9;
	v10 =	vand.u32 v2, v10  }
0x9c: {  	(v2sf) =	vpush v7, $0x0;
	v7 =	vmpcnt.ones.xlane vm5;
	vm6 =	vne.s32 v10, $0x0  }
0x9d: {  	(v2sf) =	vpush v11, $0x0;
	v10 =	vmpcnt.ones.xlane vm6;
	v11 =	vbroadcast v6, $0xC  }
0x9e: {  	(v2sf) =	vpush v7, $0x0;
	v7 =	vbroadcast v6, $0xD  }
0x9f: {  	(v2sf) =	vpush v10, $0x0;
	v10 =	vand.u32 v2, v11;
	v11 =	vbroadcast v6, $0xE  }
0xa0: {  	v6 =	vbroadcast v6, $0xF;
	vm15 =	vne.s32 v10, $0x0;
	v7 =	vand.u32 v2, v7  }
0xa1: {  	vm10 =	vne.s32 v7, $0x0;
	v7 =	vmpcnt.ones.xlane vm15;
	v10 =	vand.u32 v2, v11  }
0xa2: {  	v6 =	vand.u32 v2, v6;
	vm11 =	vne.s32 v10, $0x0;
	v10 =	vmpcnt.ones.xlane vm10  }
0xa3: {  	vm12 =	vne.s32 v6, $0x0;
	(v2sf) =	vpush v7, $0x0;
	v6 =	vmpcnt.ones.xlane vm11  }
0xa4: {  	v7 =	vmpcnt.ones.xlane vm12;
	(v2sf) =	vpush v10, $0x0  }
0xa5: {  	(v2sf) =	vpush v6, $0x0  }
0xa6: {  	s17 =	spop (v2sf);
	(v2sf) =	vpush v7, $0x0  }
0xa7: {  	s22 =	spop (v2sf);
	s14 =	sadd.s32 s12, s17  }
0xa8: {  	s17 =	sadd.s32 $0xFFFFFF10, s21;
	s16 =	spop (v2sf);
	s15 =	sadd.s32 s14, s22  }
0xa9: {  	s22 =	spop (v2sf);
	s16 =	sadd.s32 s15, s16;
	v6 =	vor.u32 s17, v3;
	s17 =	sadd.s32 $0xFFFFFF20, s21  }
0xaa: {  	s22 =	sadd.s32 s16, s22;
	[tilespmem:s12+$0x4800] =	vst.msk vm0, v6;
	s12 =	spop (v2sf);
	v6 =	vor.u32 s17, v3;
	s17 =	sadd.s32 $0xFFFFFF30, s21  }
0xab: {  	[tilespmem:s14+$0x4800] =	vst.msk vm7, v6;
	s14 =	spop (v2sf);
	v6 =	vor.u32 s17, v3;
	s17 =	sadd.s32 $0xFFFFFF40, s21;
	s12 =	sadd.s32 s22, s12  }
0xac: {  	[tilespmem:s15+$0x4800] =	vst.msk vm1, v6;
	s15 =	spop (v2sf);
	v6 =	vor.u32 s17, v3;
	s17 =	sadd.s32 $0xFFFFFF50, s21;
	s14 =	sadd.s32 s12, s14  }
0xad: {  	[tilespmem:s16+$0x4800] =	vst.msk vm2, v6;
	s16 =	spop (v2sf);
	v6 =	vor.u32 s17, v3;
	s17 =	sadd.s32 $0xFFFFFF60, s21;
	s15 =	sadd.s32 s14, s15  }
0xae: {  	[tilespmem:s22+$0x4800] =	vst.msk vm13, v6;
	v6 =	vor.u32 s17, v3;
	s17 =	sadd.s32 $0xFFFFFF70, s21;
	s16 =	sadd.s32 s15, s16;
	s22 =	spop (v2sf)  }
0xaf: {  	[tilespmem:s12+$0x4800] =	vst.msk vm8, v6;
	v6 =	vor.u32 s17, v3;
	s17 =	sadd.s32 $0xFFFFFF80, s21;
	s12 =	spop (v2sf);
	s22 =	sadd.s32 s16, s22  }
0xb0: {  	[tilespmem:s14+$0x4800] =	vst.msk vm3, v6;
	v6 =	vor.u32 s17, v3;
	s17 =	sadd.s32 $0xFFFFFF90, s21;
	s14 =	spop (v2sf);
	s12 =	sadd.s32 s22, s12  }
0xb1: {  	[tilespmem:s15+$0x4800] =	vst.msk vm4, v6;
	v6 =	vor.u32 s17, v3;
	s17 =	sadd.s32 $0xFFFFFFA0, s21;
	s15 =	spop (v2sf);
	s14 =	sadd.s32 s12, s14  }
0xb2: {  	[tilespmem:s16+$0x4800] =	vst.msk vm14, v6;
	v6 =	vor.u32 s17, v3;
	s17 =	sadd.s32 $0xFFFFFFB0, s21;
	s15 =	sadd.s32 s14, s15;
	s16 =	spop (v2sf)  }
0xb3: {  	[tilespmem:s22+$0x4800] =	vst.msk vm9, v6;
	v6 =	vor.u32 s17, v3;
	s17 =	sadd.s32 $0xFFFFFFC0, s21;
	s22 =	spop (v2sf);
	s16 =	sadd.s32 s15, s16  }
0xb4: {  	[tilespmem:s12+$0x4800] =	vst.msk vm5, v6;
	v6 =	vor.u32 s17, v3;
	s17 =	sadd.s32 $0xFFFFFFD0, s21;
	s12 =	spop (v2sf);
	s22 =	sadd.s32 s16, s22  }
0xb5: {  	[tilespmem:s14+$0x4800] =	vst.msk vm6, v6;
	v6 =	vor.u32 s17, v3;
	s17 =	sadd.s32 s22, s12;
	s12 =	spop (v2sf)  }
0xb6: {  	p1 =	sgt.u32 s23, $0x1EF;
	s12 =	sadd.s32 s17, s12  }
0xb7: {  	p2 =	slt.s32 @!p1 s12, $0x20  }
0xb8: {  	p1 =	por p1, !p2  }
.Ltmp1:
0xb9: {  	s14 =	sadd.s32 $0xFFFFFFE0, s21;
	(pc) =	sbr.rel @!p1 .LBB2_5-.Ltmp1, $4  }
0xba: {  	[tilespmem:s15+$0x4800] =	vst.msk vm15, v6;
	v6 =	vor.u32 s14, v3;
	s15 =	sadd.s32 $0xFFFFFFF0, s21  }
0xbb: {  	[tilespmem:s16+$0x4800] =	vst.msk vm10, v6;
	v6 =	vor.u32 s15, v3  }
0xbc: {  	[tilespmem:s22+$0x4800] =	vst.msk vm11, v6;
	v6 =	vor.u32 s21, v3  }
0xbd: {  	s23 =	sadd.s32 $0x10, s23;
	s24 =	sadd.s32 $0x40, s24;
	s21 =	sadd.s32 $0x100, s21;
	[tilespmem:s17+$0x4800] =	vst.msk vm12, v6  }
0xbe: {  	v6 =	vld [tilespmem:$0x4800];
	_ =	sdelay $0x3  }
0xbf: {  	v10 =	vld [tilespmem:$0x4810]  }
0xc0: {  	v11 =	vmov s12;
	v12 =	vbroadcast v6, $0x0  }
0xc1: {  	vm0 =	vgt.s32 v11, v3  }
0xc2: {  	v58 =	vld [tilespmem:$0x1FFF0];
	v7 =	vsel vm0, v6, v12  }
0xc3: {  	vm14 =	vgt.s32 v11, v4;
	v57 =	vadd.s32 v0, v7  }
0xc4: {  	v6 =	vsel vm14, v10, v12  }
0xc5: {  	v10 =	vadd.s32 v0, v6;
	_ =	sdelay $0x1  }
0xc6: {  	p1 =	slt.u32 s11, $0x2;
	vm15 =	vnez.u8 v58  }
0xc7: {  	[tilespmem:s31], [sflag:$0x1] =	stream.indirect_vreg.gather [hbm4b:s5+s3], $0x80, v57, vm15, $0xb8;
	[tilespmem:$0x13400] =	vst v63  }
0xc8: {  	s12 =	simm.s32 @!p1 $0x2  }
0xc9: {  	[tilespmem:s0], [sflag:$0x1] =	stream.indirect_vreg.gather [hbm4b:s5+s3], $0x80, v10, vm15, $0xb8;
	[tilespmem:$0x13400] =	vst v63  }
0xca: {  	_ =	swait.ge @!p1 [sflag:s12], $0x20C0  }
0xcb: {  	[sflag:s12] =	ssyncset.done @!p1 $0x0  }
0xcc: {  	[sflag:s12] =	ssyncadd.s32 @!p1 $0xFFFFDF40  }
0xcd: {  	_ =	swait.ge [sflag:s26], $0x800  }
0xce: {  	[sflag:s26] =	ssyncset.done $0x0  }
0xcf: {  	[sflag:s26] =	ssyncadd.s32 $0xFFFFF800  }
0xd0: {  	_ =	swait.ge [sflag:s26], $0x800  }
0xd1: {  	s24 =	sshll.u32 s11, $0x8;
	[sflag:s26] =	ssyncset.done $0x0  }
0xd2: {  	s11 =	sand.u32 $0x3FFFFF00, s24;
	[sflag:s26] =	ssyncadd.s32 $0xFFFFF800  }
0xd3: {  	v59 =	vld [tilespmem:s11+$0x800];
	_ =	sdelay $0x1  }
0xd4: {  	v60 =	vld.idx.msk [tilespmem:v9+s18+$0x0], $0xffff;
	_ =	sdelay $0x2  }
0xd5: {  	v61 =	vbroadcast v59, $0x0;
	_ =	sdelay $0x1  }
0xd6: {  	v11 =	vsub.f32 v60, v61;
	_ =	sdelay $0x1  }
0xd7: {  	[tilespmem:$0x6980] =	vst v11  }
0xd8: {  	v11 =	vld.idx.msk [tilespmem:v8+s18+$0x0], $0xffff;
	_ =	sdelay $0x4  }
0xd9: {  	v11 =	vsub.f32 v11, v61;
	_ =	sdelay $0x1  }
0xda: {  	[tilespmem:$0x6990] =	vst v11  }
0xdb: {  	v11 =	vld.idx.msk [tilespmem:v9+s19+$0x0], $0xffff;
	_ =	sdelay $0x2  }
0xdc: {  	v62 =	vbroadcast v59, $0x1;
	_ =	sdelay $0x1  }
0xdd: {  	v11 =	vsub.f32 v11, v62;
	_ =	sdelay $0x1  }
0xde: {  	[tilespmem:$0x69A8] =	vst v11  }
0xdf: {  	v11 =	vld.idx.msk [tilespmem:v8+s19+$0x0], $0xffff;
	_ =	sdelay $0x4  }
0xe0: {  	v11 =	vsub.f32 v11, v62;
	_ =	sdelay $0x1  }
0xe1: {  	[tilespmem:$0x69B8] =	vst v11  }
0xe2: {  	v63 =	vld.idx.msk [tilespmem:v9+s20+$0x0], $0xffff;
	_ =	sdelay $0x2  }
0xe3: {  	v10 =	vbroadcast v59, $0x2;
	_ =	sdelay $0x1  }
0xe4: {  	v9 =	vsub.f32 v63, v10;
	_ =	sdelay $0x1  }
0xe5: {  	[tilespmem:$0x69D0] =	vst v9  }
0xe6: {  	v8 =	vld.idx.msk [tilespmem:v8+s20+$0x0], $0xffff;
	_ =	sdelay $0x4  }
0xe7: {  	v8 =	vsub.f32 v8, v10  }
0xe8: {  	s13 =	simm.s32 $0xA78  }
0xe9: {  	s21 =	simm.s32 $0x4A80;
	s23 =	simm.s32 $0xA7C;
	s12 =	simm.s32 $0x78;
	[tilespmem:$0x69E0] =	vst v8  }
.LBB2_7:
0xea: {  	p1 =	sne.s32 s23, $0xA94;
	v8 =	vld [tilespmem:s21+$0xFFFFFF00];
	v9 =	vadd.s32 s12, v5;
	_ =	sdelay $0x4  }
0xeb: {  	s12 =	sadd.s32 $0xFFFFF880, s13;
	[tilespmem:v9+s2+$0x0] =	vst.idx.msk $0xffff, v8  }
0xec: {  	v9 =	vadd.s32 s12, v5;
	v8 =	vld [tilespmem:s21+$0xFFFFFF10];
	_ =	sdelay $0x4  }
0xed: {  	s12 =	sadd.s32 $0xFFFFFB00, s13;
	[tilespmem:v9+s2+$0x0] =	vst.idx.msk $0xffff, v8  }
0xee: {  	v9 =	vadd.s32 s12, v5;
	v8 =	vld [tilespmem:s21+$0xFFFFFF20];
	_ =	sdelay $0x4  }
0xef: {  	s12 =	sadd.s32 $0xFFFFFD80, s13;
	[tilespmem:v9+s2+$0x0] =	vst.idx.msk $0xffff, v8  }
0xf0: {  	v9 =	vadd.s32 s12, v5;
	v8 =	vld [tilespmem:s21+$0xFFFFFF30];
	_ =	sdelay $0x4  }
0xf1: {  	[tilespmem:v9+s2+$0x0] =	vst.idx.msk $0xffff, v8  }
0xf2: {  	v9 =	vadd.s32 s13, v5;
	v8 =	vld [tilespmem:s21+$0xFFFFFF40];
	_ =	sdelay $0x4  }
0xf3: {  	s12 =	sadd.s32 $0x280, s13;
	[tilespmem:v9+s2+$0x0] =	vst.idx.msk $0xffff, v8  }
0xf4: {  	v9 =	vadd.s32 s12, v5;
	v8 =	vld [tilespmem:s21+$0xFFFFFF50];
	_ =	sdelay $0x4  }
0xf5: {  	s12 =	sadd.s32 $0x500, s13;
	[tilespmem:v9+s2+$0x0] =	vst.idx.msk $0xffff, v8  }
0xf6: {  	v9 =	vadd.s32 s12, v5;
	v8 =	vld [tilespmem:s21+$0xFFFFFF60];
	_ =	sdelay $0x4  }
0xf7: {  	s12 =	sadd.s32 $0x780, s13;
	[tilespmem:v9+s2+$0x0] =	vst.idx.msk $0xffff, v8  }
0xf8: {  	v9 =	vadd.s32 s12, v5;
	v8 =	vld [tilespmem:s21+$0xFFFFFF70];
	_ =	sdelay $0x4  }
0xf9: {  	s12 =	sadd.s32 $0xFFFFF601, s13;
	[tilespmem:v9+s2+$0x0] =	vst.idx.msk $0xffff, v8  }
0xfa: {  	v9 =	vadd.s32 s12, v5;
	v8 =	vld [tilespmem:s21+$0xFFFFFF80];
	_ =	sdelay $0x4  }
0xfb: {  	s12 =	sadd.s32 $0xFFFFF881, s13;
	[tilespmem:v9+s2+$0x0] =	vst.idx.msk $0xffff, v8  }
0xfc: {  	v9 =	vadd.s32 s12, v5;
	v8 =	vld [tilespmem:s21+$0xFFFFFF90];
	_ =	sdelay $0x4  }
0xfd: {  	s12 =	sadd.s32 $0xFFFFFB01, s13;
	[tilespmem:v9+s2+$0x0] =	vst.idx.msk $0xffff, v8  }
0xfe: {  	v9 =	vadd.s32 s12, v5;
	v8 =	vld [tilespmem:s21+$0xFFFFFFA0];
	_ =	sdelay $0x4  }
0xff: {  	s12 =	sadd.s32 $0xFFFFFD81, s13;
	[tilespmem:v9+s2+$0x0] =	vst.idx.msk $0xffff, v8  }
0x100: {  	v9 =	vadd.s32 s12, v5;
	v8 =	vld [tilespmem:s21+$0xFFFFFFB0];
	_ =	sdelay $0x4  }
0x101: {  	s12 =	sadd.s32 $0x1, s13;
	[tilespmem:v9+s2+$0x0] =	vst.idx.msk $0xffff, v8  }
0x102: {  	v9 =	vadd.s32 s12, v5;
	v8 =	vld [tilespmem:s21+$0xFFFFFFC0];
	_ =	sdelay $0x4  }
0x103: {  	s12 =	sadd.s32 $0x281, s13;
	[tilespmem:v9+s2+$0x0] =	vst.idx.msk $0xffff, v8  }
0x104: {  	v9 =	vadd.s32 s12, v5;
	v8 =	vld [tilespmem:s21+$0xFFFFFFD0];
	_ =	sdelay $0x4  }
0x105: {  	s12 =	sadd.s32 $0x501, s13;
	[tilespmem:v9+s2+$0x0] =	vst.idx.msk $0xffff, v8  }
0x106: {  	v9 =	vadd.s32 s12, v5;
	v8 =	vld [tilespmem:s21+$0xFFFFFFE0];
	_ =	sdelay $0x4  }
0x107: {  	s12 =	sadd.s32 $0x781, s13;
	[tilespmem:v9+s2+$0x0] =	vst.idx.msk $0xffff, v8  }
0x108: {  	v9 =	vadd.s32 s12, v5;
	v8 =	vld [tilespmem:s21+$0xFFFFFFF0];
	_ =	sdelay $0x4  }
0x109: {  	s12 =	sadd.s32 $0xFFFFF602, s13;
	[tilespmem:v9+s2+$0x0] =	vst.idx.msk $0xffff, v8  }
0x10a: {  	v9 =	vadd.s32 s12, v5;
	v8 =	vld [tilespmem:s21+$0x0];
	_ =	sdelay $0x4  }
0x10b: {  	s12 =	sadd.s32 $0xFFFFF882, s13;
	[tilespmem:v9+s2+$0x0] =	vst.idx.msk $0xffff, v8  }
0x10c: {  	v9 =	vadd.s32 s12, v5;
	v8 =	vld [tilespmem:s21+$0x10];
	_ =	sdelay $0x4  }
0x10d: {  	s12 =	sadd.s32 $0xFFFFFB02, s13;
	[tilespmem:v9+s2+$0x0] =	vst.idx.msk $0xffff, v8  }
0x10e: {  	v9 =	vadd.s32 s12, v5;
	v8 =	vld [tilespmem:s21+$0x20];
	_ =	sdelay $0x4  }
0x10f: {  	s12 =	sadd.s32 $0xFFFFFD82, s13;
	[tilespmem:v9+s2+$0x0] =	vst.idx.msk $0xffff, v8  }
0x110: {  	v9 =	vadd.s32 s12, v5;
	v8 =	vld [tilespmem:s21+$0x30];
	_ =	sdelay $0x4  }
0x111: {  	s12 =	sadd.s32 $0x2, s13;
	[tilespmem:v9+s2+$0x0] =	vst.idx.msk $0xffff, v8  }
0x112: {  	v9 =	vadd.s32 s12, v5;
	v8 =	vld [tilespmem:s21+$0x40];
	_ =	sdelay $0x4  }
0x113: {  	s12 =	sadd.s32 $0x282, s13;
	[tilespmem:v9+s2+$0x0] =	vst.idx.msk $0xffff, v8  }
0x114: {  	v9 =	vadd.s32 s12, v5;
	v8 =	vld [tilespmem:s21+$0x50];
	_ =	sdelay $0x4  }
0x115: {  	s12 =	sadd.s32 $0x502, s13;
	[tilespmem:v9+s2+$0x0] =	vst.idx.msk $0xffff, v8  }
0x116: {  	v9 =	vadd.s32 s12, v5;
	v8 =	vld [tilespmem:s21+$0x60];
	_ =	sdelay $0x4  }
0x117: {  	s12 =	sadd.s32 $0x782, s13;
	[tilespmem:v9+s2+$0x0] =	vst.idx.msk $0xffff, v8  }
0x118: {  	v9 =	vadd.s32 s12, v5;
	v8 =	vld [tilespmem:s21+$0x70];
	_ =	sdelay $0x4  }
0x119: {  	s12 =	sadd.s32 $0xFFFFF603, s13;
	[tilespmem:v9+s2+$0x0] =	vst.idx.msk $0xffff, v8  }
0x11a: {  	v9 =	vadd.s32 s12, v5;
	v8 =	vld [tilespmem:s21+$0x80];
	_ =	sdelay $0x4  }
0x11b: {  	s12 =	sadd.s32 $0xFFFFF883, s13;
	[tilespmem:v9+s2+$0x0] =	vst.idx.msk $0xffff, v8  }
0x11c: {  	v9 =	vadd.s32 s12, v5;
	v8 =	vld [tilespmem:s21+$0x90];
	_ =	sdelay $0x4  }
0x11d: {  	s12 =	sadd.s32 $0xFFFFFB03, s13;
	[tilespmem:v9+s2+$0x0] =	vst.idx.msk $0xffff, v8  }
0x11e: {  	v9 =	vadd.s32 s12, v5;
	v8 =	vld [tilespmem:s21+$0xA0];
	_ =	sdelay $0x4  }
0x11f: {  	s12 =	sadd.s32 $0xFFFFFD83, s13;
	[tilespmem:v9+s2+$0x0] =	vst.idx.msk $0xffff, v8  }
0x120: {  	v9 =	vadd.s32 s12, v5;
	v8 =	vld [tilespmem:s21+$0xB0];
	_ =	sdelay $0x4  }
0x121: {  	s12 =	sadd.s32 $0x3, s13;
	[tilespmem:v9+s2+$0x0] =	vst.idx.msk $0xffff, v8  }
0x122: {  	v9 =	vadd.s32 s12, v5;
	v8 =	vld [tilespmem:s21+$0xC0];
	_ =	sdelay $0x4  }
0x123: {  	s12 =	sadd.s32 $0x283, s13;
	[tilespmem:v9+s2+$0x0] =	vst.idx.msk $0xffff, v8  }
0x124: {  	v9 =	vadd.s32 s12, v5;
	v8 =	vld [tilespmem:s21+$0xD0];
	_ =	sdelay $0x4  }
0x125: {  	s12 =	sadd.s32 $0x503, s13;
	[tilespmem:v9+s2+$0x0] =	vst.idx.msk $0xffff, v8  }
0x126: {  	v9 =	vadd.s32 s12, v5;
	v8 =	vld [tilespmem:s21+$0xE0];
	_ =	sdelay $0x4  }
0x127: {  	s12 =	sadd.s32 $0x783, s13;
	s13 =	smov.u32 s23;
	[tilespmem:v9+s2+$0x0] =	vst.idx.msk $0xffff, v8  }
0x128: {  	v9 =	vadd.s32 s12, v5;
	v8 =	vld [tilespmem:s21+$0xF0]  }
.Ltmp2:
0x129: {  	(pc) =	sbr.rel @p1 .LBB2_7-.Ltmp2, $2  }
0x12a: {  	_ =	sdelay $0x2  }
0x12b: {  	s23 =	sadd.s32 $0x4, s23;
	s12 =	sadd.s32 $0xFFFFF600, s13;
	s21 =	sadd.s32 $0x200, s21;
	[tilespmem:v9+s2+$0x0] =	vst.idx.msk $0xffff, v8  }
0x12c: {  	v8 =	vld [tilespmem:s21+$0xFFFFFF00];
	v9 =	vadd.s32 s12, v5;
	_ =	sdelay $0x4  }
0x12d: {  	s23 =	sadd.s32 $0xFFFFF880, s13;
	[tilespmem:v9+s2+$0x0] =	vst.idx.msk $0xffff, v8  }
0x12e: {  	v31 =	vadd.s32 s23, v5;
	v8 =	vld [tilespmem:s21+$0xFFFFFF10];
	_ =	sdelay $0x4  }
0x12f: {  	s24 =	sadd.s32 $0xFFFFFB00, s13;
	[tilespmem:v31+s2+$0x0] =	vst.idx.msk $0xffff, v8  }
0x130: {  	v32 =	vadd.s32 s24, v5;
	v8 =	vld [tilespmem:s21+$0xFFFFFF20];
	_ =	sdelay $0x4  }
0x131: {  	s14 =	sadd.s32 $0xFFFFFD80, s13;
	[tilespmem:v32+s2+$0x0] =	vst.idx.msk $0xffff, v8  }
0x132: {  	v33 =	vadd.s32 s14, v5;
	v8 =	vld [tilespmem:s21+$0xFFFFFF30];
	_ =	sdelay $0x4  }
0x133: {  	[tilespmem:v33+s2+$0x0] =	vst.idx.msk $0xffff, v8  }
0x134: {  	v34 =	vadd.s32 s13, v5;
	v8 =	vld [tilespmem:s21+$0xFFFFFF40];
	_ =	sdelay $0x4  }
0x135: {  	s15 =	sadd.s32 $0x280, s13;
	[tilespmem:v34+s2+$0x0] =	vst.idx.msk $0xffff, v8  }
0x136: {  	v35 =	vadd.s32 s15, v5;
	v8 =	vld [tilespmem:s21+$0xFFFFFF50];
	_ =	sdelay $0x4  }
0x137: {  	s16 =	sadd.s32 $0x500, s13;
	[tilespmem:v35+s2+$0x0] =	vst.idx.msk $0xffff, v8  }
0x138: {  	v36 =	vadd.s32 s16, v5;
	v8 =	vld [tilespmem:s21+$0xFFFFFF60];
	_ =	sdelay $0x4  }
0x139: {  	s17 =	sadd.s32 $0x780, s13;
	[tilespmem:v36+s2+$0x0] =	vst.idx.msk $0xffff, v8  }
0x13a: {  	v37 =	vadd.s32 s17, v5;
	v8 =	vld [tilespmem:s21+$0xFFFFFF70];
	_ =	sdelay $0x4  }
0x13b: {  	s22 =	sadd.s32 $0xFFFFF601, s13;
	[tilespmem:v37+s2+$0x0] =	vst.idx.msk $0xffff, v8  }
0x13c: {  	v38 =	vadd.s32 s22, v5;
	v8 =	vld [tilespmem:s21+$0xFFFFFF80];
	_ =	sdelay $0x4  }
0x13d: {  	s23 =	sadd.s32 $0xFFFFF881, s13;
	[tilespmem:v38+s2+$0x0] =	vst.idx.msk $0xffff, v8  }
0x13e: {  	v39 =	vadd.s32 s23, v5;
	v8 =	vld [tilespmem:s21+$0xFFFFFF90];
	_ =	sdelay $0x4  }
0x13f: {  	s24 =	sadd.s32 $0xFFFFFB01, s13;
	[tilespmem:v39+s2+$0x0] =	vst.idx.msk $0xffff, v8  }
0x140: {  	v40 =	vadd.s32 s24, v5;
	v8 =	vld [tilespmem:s21+$0xFFFFFFA0];
	_ =	sdelay $0x4  }
0x141: {  	s14 =	sadd.s32 $0xFFFFFD81, s13;
	[tilespmem:v40+s2+$0x0] =	vst.idx.msk $0xffff, v8  }
0x142: {  	v41 =	vadd.s32 s14, v5;
	v8 =	vld [tilespmem:s21+$0xFFFFFFB0];
	_ =	sdelay $0x4  }
0x143: {  	s15 =	sadd.s32 $0x1, s13;
	[tilespmem:v41+s2+$0x0] =	vst.idx.msk $0xffff, v8  }
0x144: {  	v42 =	vadd.s32 s15, v5;
	v8 =	vld [tilespmem:s21+$0xFFFFFFC0];
	_ =	sdelay $0x4  }
0x145: {  	s16 =	sadd.s32 $0x281, s13;
	[tilespmem:v42+s2+$0x0] =	vst.idx.msk $0xffff, v8  }
0x146: {  	v43 =	vadd.s32 s16, v5;
	v8 =	vld [tilespmem:s21+$0xFFFFFFD0];
	_ =	sdelay $0x4  }
0x147: {  	s17 =	sadd.s32 $0x501, s13;
	[tilespmem:v43+s2+$0x0] =	vst.idx.msk $0xffff, v8  }
0x148: {  	v44 =	vadd.s32 s17, v5;
	v8 =	vld [tilespmem:s21+$0xFFFFFFE0];
	_ =	sdelay $0x4  }
0x149: {  	s22 =	sadd.s32 $0x781, s13;
	[tilespmem:v44+s2+$0x0] =	vst.idx.msk $0xffff, v8  }
0x14a: {  	v45 =	vadd.s32 s22, v5;
	v8 =	vld [tilespmem:s21+$0xFFFFFFF0];
	_ =	sdelay $0x4  }
0x14b: {  	s23 =	sadd.s32 $0xFFFFF602, s13;
	[tilespmem:v45+s2+$0x0] =	vst.idx.msk $0xffff, v8  }
0x14c: {  	v46 =	vadd.s32 s23, v5;
	v8 =	vld [tilespmem:s21+$0x0];
	_ =	sdelay $0x4  }
0x14d: {  	s24 =	sadd.s32 $0xFFFFF882, s13;
	[tilespmem:v46+s2+$0x0] =	vst.idx.msk $0xffff, v8  }
0x14e: {  	v47 =	vadd.s32 s24, v5;
	v8 =	vld [tilespmem:s21+$0x10];
	_ =	sdelay $0x4  }
0x14f: {  	s14 =	sadd.s32 $0xFFFFFB02, s13;
	[tilespmem:v47+s2+$0x0] =	vst.idx.msk $0xffff, v8  }
0x150: {  	v48 =	vadd.s32 s14, v5;
	v8 =	vld [tilespmem:s21+$0x20];
	_ =	sdelay $0x4  }
0x151: {  	s15 =	sadd.s32 $0xFFFFFD82, s13;
	[tilespmem:v48+s2+$0x0] =	vst.idx.msk $0xffff, v8  }
0x152: {  	v49 =	vadd.s32 s15, v5;
	v8 =	vld [tilespmem:s21+$0x30];
	_ =	sdelay $0x4  }
0x153: {  	s16 =	sadd.s32 $0x2, s13;
	[tilespmem:v49+s2+$0x0] =	vst.idx.msk $0xffff, v8  }
0x154: {  	v50 =	vadd.s32 s16, v5;
	v8 =	vld [tilespmem:s21+$0x40];
	_ =	sdelay $0x4  }
0x155: {  	s17 =	sadd.s32 $0x282, s13;
	[tilespmem:v50+s2+$0x0] =	vst.idx.msk $0xffff, v8  }
0x156: {  	v51 =	vadd.s32 s17, v5;
	v8 =	vld [tilespmem:s21+$0x50];
	_ =	sdelay $0x4  }
0x157: {  	s22 =	sadd.s32 $0x502, s13;
	[tilespmem:v51+s2+$0x0] =	vst.idx.msk $0xffff, v8  }
0x158: {  	v52 =	vadd.s32 s22, v5;
	v8 =	vld [tilespmem:s21+$0x60];
	_ =	sdelay $0x4  }
0x159: {  	s23 =	sadd.s32 $0x782, s13;
	[tilespmem:v52+s2+$0x0] =	vst.idx.msk $0xffff, v8  }
0x15a: {  	v53 =	vadd.s32 s23, v5;
	v8 =	vld [tilespmem:s21+$0x70];
	_ =	sdelay $0x4  }
0x15b: {  	s24 =	sadd.s32 $0xFFFFF603, s13;
	[tilespmem:v53+s2+$0x0] =	vst.idx.msk $0xffff, v8  }
0x15c: {  	v54 =	vadd.s32 s24, v5;
	v8 =	vld [tilespmem:s21+$0x80];
	_ =	sdelay $0x4  }
0x15d: {  	s14 =	sadd.s32 $0xFFFFF883, s13;
	[tilespmem:v54+s2+$0x0] =	vst.idx.msk $0xffff, v8  }
0x15e: {  	v55 =	vadd.s32 s14, v5;
	v8 =	vld [tilespmem:s21+$0x90];
	_ =	sdelay $0x4  }
0x15f: {  	s15 =	sadd.s32 $0xFFFFFB03, s13;
	[tilespmem:v55+s2+$0x0] =	vst.idx.msk $0xffff, v8  }
0x160: {  	v56 =	vadd.s32 s15, v5;
	v8 =	vld [tilespmem:s21+$0xA0];
	_ =	sdelay $0x4  }
0x161: {  	s16 =	sadd.s32 $0xFFFFFD83, s13;
	[tilespmem:v56+s2+$0x0] =	vst.idx.msk $0xffff, v8  }
0x162: {  	v57 =	vadd.s32 s16, v5;
	v8 =	vld [tilespmem:s21+$0xB0];
	_ =	sdelay $0x4  }
0x163: {  	s17 =	sadd.s32 $0x3, s13;
	[tilespmem:v57+s2+$0x0] =	vst.idx.msk $0xffff, v8  }
0x164: {  	v58 =	vadd.s32 s17, v5;
	v8 =	vld [tilespmem:s21+$0xC0];
	_ =	sdelay $0x4  }
0x165: {  	s22 =	sadd.s32 $0x283, s13;
	[tilespmem:v58+s2+$0x0] =	vst.idx.msk $0xffff, v8  }
0x166: {  	v59 =	vadd.s32 s22, v5;
	v8 =	vld [tilespmem:s21+$0xD0];
	_ =	sdelay $0x4  }
0x167: {  	s23 =	sadd.s32 $0x503, s13;
	[tilespmem:v59+s2+$0x0] =	vst.idx.msk $0xffff, v8  }
0x168: {  	v60 =	vadd.s32 s23, v5;
	v8 =	vld [tilespmem:s21+$0xE0];
	_ =	sdelay $0x4  }
0x169: {  	s24 =	sadd.s32 $0x783, s13;
	[tilespmem:v60+s2+$0x0] =	vst.idx.msk $0xffff, v8  }
0x16a: {  	v61 =	vadd.s32 s24, v5;
	v8 =	vld [tilespmem:s21+$0xF0];
	_ =	sdelay $0x4  }
0x16b: {  	[tilespmem:v61+s2+$0x0] =	vst.idx.msk $0xffff, v8  }
0x16c: {  	_ =	swait.ge [sflag:s26], $0x800  }
0x16d: {  	[sflag:s26] =	ssyncset.done $0x0  }
0x16e: {  	[sflag:s26] =	ssyncadd.s32 $0xFFFFF800  }
0x16f: {  	_ =	swait.ge [sflag:s26], $0x800  }
0x170: {  	[sflag:s26] =	ssyncset.done $0x0  }
0x171: {  	[sflag:s26] =	ssyncadd.s32 $0xFFFFF800  }
0x172: {  	v8 =	vld [tilespmem:s11+$0x880];
	_ =	sdelay $0x1  }
0x173: {  	v62 =	vld.idx.msk [tilespmem:v7+s18+$0x0], $0xffff;
	_ =	sdelay $0x2  }
0x174: {  	v10 =	vbroadcast v8, $0x0;
	_ =	sdelay $0x1  }
0x175: {  	v9 =	vsub.f32 v62, v10;
	_ =	sdelay $0x1  }
0x176: {  	[tilespmem:$0x7DF8] =	vst v9  }
0x177: {  	v9 =	vld.idx.msk [tilespmem:v6+s18+$0x0], $0xffff;
	_ =	sdelay $0x4  }
0x178: {  	v9 =	vsub.f32 v9, v10;
	_ =	sdelay $0x1  }
0x179: {  	[tilespmem:$0x7E08] =	vst v9  }
0x17a: {  	v9 =	vld.idx.msk [tilespmem:v7+s19+$0x0], $0xffff;
	_ =	sdelay $0x2  }
0x17b: {  	v63 =	vbroadcast v8, $0x1;
	_ =	sdelay $0x1  }
0x17c: {  	v9 =	vsub.f32 v9, v63;
	_ =	sdelay $0x1  }
0x17d: {  	[tilespmem:$0x7E20] =	vst v9  }
0x17e: {  	v9 =	vld.idx.msk [tilespmem:v6+s19+$0x0], $0xffff;
	_ =	sdelay $0x4  }
0x17f: {  	v9 =	vsub.f32 v9, v63;
	_ =	sdelay $0x1  }
0x180: {  	[tilespmem:$0x7E30] =	vst v9  }
0x181: {  	v7 =	vld.idx.msk [tilespmem:v7+s20+$0x0], $0xffff;
	_ =	sdelay $0x2  }
0x182: {  	v8 =	vbroadcast v8, $0x2;
	_ =	sdelay $0x1  }
0x183: {  	v7 =	vsub.f32 v7, v8;
	_ =	sdelay $0x1  }
0x184: {  	[tilespmem:$0x7E48] =	vst v7  }
0x185: {  	v6 =	vld.idx.msk [tilespmem:v6+s20+$0x0], $0xffff;
	_ =	sdelay $0x4  }
0x186: {  	v6 =	vsub.f32 v6, v8;
	_ =	sdelay $0x1  }
0x187: {  	s13 =	simm.s32 $0x14F0;
	s11 =	simm.s32 $0x5B70;
	[tilespmem:$0x7E58] =	vst v6  }
0x188: {  	s21 =	simm.s32 $0x14F4;
	v7 =	vadd.s32 s13, v5;
	v6 =	vld [tilespmem:s11+$0xFFFFFE10]  }
.LBB2_9:
0x189: {  	p1 =	seq.s32 s21, $0x150C;
	_ =	sdelay $0x3  }
0x18a: {  	s12 =	sadd.s32 $0x280, s13;
	[tilespmem:v7+s2+$0x0] =	vst.idx.msk $0xffff, v6  }
0x18b: {  	v7 =	vadd.s32 s12, v5;
	v6 =	vld [tilespmem:s11+$0xFFFFFE20];
	_ =	sdelay $0x4  }
0x18c: {  	s12 =	sadd.s32 $0x500, s13;
	[tilespmem:v7+s2+$0x0] =	vst.idx.msk $0xffff, v6  }
0x18d: {  	v7 =	vadd.s32 s12, v5;
	v6 =	vld [tilespmem:s11+$0xFFFFFE30];
	_ =	sdelay $0x4  }
0x18e: {  	s12 =	sadd.s32 $0x780, s13;
	[tilespmem:v7+s2+$0x0] =	vst.idx.msk $0xffff, v6  }
0x18f: {  	v7 =	vadd.s32 s12, v5;
	v6 =	vld [tilespmem:s11+$0xFFFFFE40];
	_ =	sdelay $0x4  }
0x190: {  	s12 =	sadd.s32 $0xA00, s13;
	[tilespmem:v7+s2+$0x0] =	vst.idx.msk $0xffff, v6  }
0x191: {  	v7 =	vadd.s32 s12, v5;
	v6 =	vld [tilespmem:s11+$0xFFFFFE50];
	_ =	sdelay $0x4  }
0x192: {  	s12 =	sadd.s32 $0xC80, s13;
	[tilespmem:v7+s2+$0x0] =	vst.idx.msk $0xffff, v6  }
0x193: {  	v7 =	vadd.s32 s12, v5;
	v6 =	vld [tilespmem:s11+$0xFFFFFE60];
	_ =	sdelay $0x4  }
0x194: {  	s12 =	sadd.s32 $0xF00, s13;
	[tilespmem:v7+s2+$0x0] =	vst.idx.msk $0xffff, v6  }
0x195: {  	v7 =	vadd.s32 s12, v5;
	v6 =	vld [tilespmem:s11+$0xFFFFFE70];
	_ =	sdelay $0x4  }
0x196: {  	s12 =	sadd.s32 $0x1180, s13;
	[tilespmem:v7+s2+$0x0] =	vst.idx.msk $0xffff, v6  }
0x197: {  	v7 =	vadd.s32 s12, v5;
	v6 =	vld [tilespmem:s11+$0xFFFFFE80];
	_ =	sdelay $0x4  }
0x198: {  	s12 =	sadd.s32 $0x1, s13;
	[tilespmem:v7+s2+$0x0] =	vst.idx.msk $0xffff, v6  }
0x199: {  	v7 =	vadd.s32 s12, v5;
	v6 =	vld [tilespmem:s11+$0xFFFFFE90];
	_ =	sdelay $0x4  }
0x19a: {  	s12 =	sadd.s32 $0x281, s13;
	[tilespmem:v7+s2+$0x0] =	vst.idx.msk $0xffff, v6  }
0x19b: {  	v7 =	vadd.s32 s12, v5;
	v6 =	vld [tilespmem:s11+$0xFFFFFEA0];
	_ =	sdelay $0x4  }
0x19c: {  	s12 =	sadd.s32 $0x501, s13;
	[tilespmem:v7+s2+$0x0] =	vst.idx.msk $0xffff, v6  }
0x19d: {  	v7 =	vadd.s32 s12, v5;
	v6 =	vld [tilespmem:s11+$0xFFFFFEB0];
	_ =	sdelay $0x4  }
0x19e: {  	s12 =	sadd.s32 $0x781, s13;
	[tilespmem:v7+s2+$0x0] =	vst.idx.msk $0xffff, v6  }
0x19f: {  	v7 =	vadd.s32 s12, v5;
	v6 =	vld [tilespmem:s11+$0xFFFFFEC0];
	_ =	sdelay $0x4  }
0x1a0: {  	s12 =	sadd.s32 $0xA01, s13;
	[tilespmem:v7+s2+$0x0] =	vst.idx.msk $0xffff, v6  }
0x1a1: {  	v7 =	vadd.s32 s12, v5;
	v6 =	vld [tilespmem:s11+$0xFFFFFED0];
	_ =	sdelay $0x4  }
0x1a2: {  	s12 =	sadd.s32 $0xC81, s13;
	[tilespmem:v7+s2+$0x0] =	vst.idx.msk $0xffff, v6  }
0x1a3: {  	v7 =	vadd.s32 s12, v5;
	v6 =	vld [tilespmem:s11+$0xFFFFFEE0];
	_ =	sdelay $0x4  }
0x1a4: {  	s12 =	sadd.s32 $0xF01, s13;
	[tilespmem:v7+s2+$0x0] =	vst.idx.msk $0xffff, v6  }
0x1a5: {  	v7 =	vadd.s32 s12, v5;
	v6 =	vld [tilespmem:s11+$0xFFFFFEF0];
	_ =	sdelay $0x4  }
0x1a6: {  	s12 =	sadd.s32 $0x1181, s13;
	[tilespmem:v7+s2+$0x0] =	vst.idx.msk $0xffff, v6  }
0x1a7: {  	v7 =	vadd.s32 s12, v5;
	v6 =	vld [tilespmem:s11+$0xFFFFFF00];
	_ =	sdelay $0x4  }
0x1a8: {  	s12 =	sadd.s32 $0x2, s13;
	[tilespmem:v7+s2+$0x0] =	vst.idx.msk $0xffff, v6  }
0x1a9: {  	v7 =	vadd.s32 s12, v5;
	v6 =	vld [tilespmem:s11+$0xFFFFFF10];
	_ =	sdelay $0x4  }
0x1aa: {  	s12 =	sadd.s32 $0x282, s13;
	[tilespmem:v7+s2+$0x0] =	vst.idx.msk $0xffff, v6  }
0x1ab: {  	v7 =	vadd.s32 s12, v5;
	v6 =	vld [tilespmem:s11+$0xFFFFFF20];
	_ =	sdelay $0x4  }
0x1ac: {  	s12 =	sadd.s32 $0x502, s13;
	[tilespmem:v7+s2+$0x0] =	vst.idx.msk $0xffff, v6  }
0x1ad: {  	v7 =	vadd.s32 s12, v5;
	v6 =	vld [tilespmem:s11+$0xFFFFFF30];
	_ =	sdelay $0x4  }
0x1ae: {  	s12 =	sadd.s32 $0x782, s13;
	[tilespmem:v7+s2+$0x0] =	vst.idx.msk $0xffff, v6  }
0x1af: {  	v7 =	vadd.s32 s12, v5;
	v6 =	vld [tilespmem:s11+$0xFFFFFF40];
	_ =	sdelay $0x4  }
0x1b0: {  	s12 =	sadd.s32 $0xA02, s13;
	[tilespmem:v7+s2+$0x0] =	vst.idx.msk $0xffff, v6  }
0x1b1: {  	v7 =	vadd.s32 s12, v5;
	v6 =	vld [tilespmem:s11+$0xFFFFFF50];
	_ =	sdelay $0x4  }
0x1b2: {  	s12 =	sadd.s32 $0xC82, s13;
	[tilespmem:v7+s2+$0x0] =	vst.idx.msk $0xffff, v6  }
0x1b3: {  	v7 =	vadd.s32 s12, v5;
	v6 =	vld [tilespmem:s11+$0xFFFFFF60];
	_ =	sdelay $0x4  }
0x1b4: {  	s12 =	sadd.s32 $0xF02, s13;
	[tilespmem:v7+s2+$0x0] =	vst.idx.msk $0xffff, v6  }
0x1b5: {  	v7 =	vadd.s32 s12, v5;
	v6 =	vld [tilespmem:s11+$0xFFFFFF70];
	_ =	sdelay $0x4  }
0x1b6: {  	s12 =	sadd.s32 $0x1182, s13;
	[tilespmem:v7+s2+$0x0] =	vst.idx.msk $0xffff, v6  }
0x1b7: {  	v7 =	vadd.s32 s12, v5;
	v6 =	vld [tilespmem:s11+$0xFFFFFF80];
	_ =	sdelay $0x4  }
0x1b8: {  	s12 =	sadd.s32 $0x3, s13;
	[tilespmem:v7+s2+$0x0] =	vst.idx.msk $0xffff, v6  }
0x1b9: {  	v7 =	vadd.s32 s12, v5;
	v6 =	vld [tilespmem:s11+$0xFFFFFF90];
	_ =	sdelay $0x4  }
0x1ba: {  	s12 =	sadd.s32 $0x283, s13;
	[tilespmem:v7+s2+$0x0] =	vst.idx.msk $0xffff, v6  }
0x1bb: {  	v7 =	vadd.s32 s12, v5;
	v6 =	vld [tilespmem:s11+$0xFFFFFFA0];
	_ =	sdelay $0x4  }
0x1bc: {  	s12 =	sadd.s32 $0x503, s13;
	[tilespmem:v7+s2+$0x0] =	vst.idx.msk $0xffff, v6  }
0x1bd: {  	v7 =	vadd.s32 s12, v5;
	v6 =	vld [tilespmem:s11+$0xFFFFFFB0];
	_ =	sdelay $0x4  }
0x1be: {  	s12 =	sadd.s32 $0x783, s13;
	[tilespmem:v7+s2+$0x0] =	vst.idx.msk $0xffff, v6  }
0x1bf: {  	v7 =	vadd.s32 s12, v5;
	v6 =	vld [tilespmem:s11+$0xFFFFFFC0];
	_ =	sdelay $0x4  }
0x1c0: {  	s12 =	sadd.s32 $0xA03, s13;
	[tilespmem:v7+s2+$0x0] =	vst.idx.msk $0xffff, v6  }
0x1c1: {  	v7 =	vadd.s32 s12, v5;
	v6 =	vld [tilespmem:s11+$0xFFFFFFD0];
	_ =	sdelay $0x4  }
0x1c2: {  	s12 =	sadd.s32 $0xC83, s13;
	[tilespmem:v7+s2+$0x0] =	vst.idx.msk $0xffff, v6  }
0x1c3: {  	v7 =	vadd.s32 s12, v5;
	v6 =	vld [tilespmem:s11+$0xFFFFFFE0];
	_ =	sdelay $0x4  }
0x1c4: {  	s12 =	sadd.s32 $0xF03, s13;
	[tilespmem:v7+s2+$0x0] =	vst.idx.msk $0xffff, v6  }
0x1c5: {  	v7 =	vadd.s32 s12, v5;
	v6 =	vld [tilespmem:s11+$0xFFFFFFF0];
	_ =	sdelay $0x4  }
0x1c6: {  	s12 =	sadd.s32 $0x1183, s13;
	s13 =	smov.u32 s21;
	[tilespmem:v7+s2+$0x0] =	vst.idx.msk $0xffff, v6  }
0x1c7: {  	v7 =	vadd.s32 s12, v5;
	v6 =	vld [tilespmem:s11+$0x0];
	_ =	sdelay $0x1  }
.Ltmp3:
0x1c8: {  	(pc) =	sbr.rel @!p1 .LBB2_9-.Ltmp3, $3  }
0x1c9: {  	_ =	sdelay $0x1  }
0x1ca: {  	s11 =	sadd.s32 $0x200, s11;
	[tilespmem:v7+s2+$0x0] =	vst.idx.msk $0xffff, v6  }
0x1cb: {  	s21 =	sadd.s32 $0x4, s21;
	v7 =	vadd.s32 s13, v5;
	v6 =	vld [tilespmem:s11+$0xFFFFFE10]  }
0x1cc: {  	_ =	sdelay $0x3  }
0x1cd: {  	s12 =	sadd.s32 $0x280, s13;
	[tilespmem:v7+s2+$0x0] =	vst.idx.msk $0xffff, v6  }
0x1ce: {  	v7 =	vadd.s32 s12, v5;
	v6 =	vld [tilespmem:s11+$0xFFFFFE20];
	_ =	sdelay $0x4  }
0x1cf: {  	s15 =	sadd.s32 $0x500, s13;
	[tilespmem:v7+s2+$0x0] =	vst.idx.msk $0xffff, v6  }
0x1d0: {  	v7 =	vadd.s32 s15, v5;
	v6 =	vld [tilespmem:s11+$0xFFFFFE30];
	_ =	sdelay $0x4  }
0x1d1: {  	s16 =	sadd.s32 $0x780, s13;
	[tilespmem:v7+s2+$0x0] =	vst.idx.msk $0xffff, v6  }
0x1d2: {  	v7 =	vadd.s32 s16, v5;
	v6 =	vld [tilespmem:s11+$0xFFFFFE40];
	_ =	sdelay $0x4  }
0x1d3: {  	s17 =	sadd.s32 $0xA00, s13;
	[tilespmem:v7+s2+$0x0] =	vst.idx.msk $0xffff, v6  }
0x1d4: {  	v7 =	vadd.s32 s17, v5;
	v6 =	vld [tilespmem:s11+$0xFFFFFE50];
	_ =	sdelay $0x4  }
0x1d5: {  	s21 =	sadd.s32 $0xC80, s13;
	[tilespmem:v7+s2+$0x0] =	vst.idx.msk $0xffff, v6  }
0x1d6: {  	v7 =	vadd.s32 s21, v5;
	v6 =	vld [tilespmem:s11+$0xFFFFFE60];
	_ =	sdelay $0x4  }
0x1d7: {  	s22 =	sadd.s32 $0xF00, s13;
	[tilespmem:v7+s2+$0x0] =	vst.idx.msk $0xffff, v6  }
0x1d8: {  	v7 =	vadd.s32 s22, v5;
	v6 =	vld [tilespmem:s11+$0xFFFFFE70];
	_ =	sdelay $0x4  }
0x1d9: {  	s23 =	sadd.s32 $0x1180, s13;
	[tilespmem:v7+s2+$0x0] =	vst.idx.msk $0xffff, v6  }
0x1da: {  	v7 =	vadd.s32 s23, v5;
	v6 =	vld [tilespmem:s11+$0xFFFFFE80];
	_ =	sdelay $0x4  }
0x1db: {  	s24 =	sadd.s32 $0x1, s13;
	[tilespmem:v7+s2+$0x0] =	vst.idx.msk $0xffff, v6  }
0x1dc: {  	v7 =	vadd.s32 s24, v5;
	v6 =	vld [tilespmem:s11+$0xFFFFFE90];
	_ =	sdelay $0x4  }
0x1dd: {  	s14 =	sadd.s32 $0x281, s13;
	[tilespmem:v7+s2+$0x0] =	vst.idx.msk $0xffff, v6  }
0x1de: {  	v7 =	vadd.s32 s14, v5;
	v6 =	vld [tilespmem:s11+$0xFFFFFEA0];
	_ =	sdelay $0x4  }
0x1df: {  	s15 =	sadd.s32 $0x501, s13;
	[tilespmem:v7+s2+$0x0] =	vst.idx.msk $0xffff, v6  }
0x1e0: {  	v7 =	vadd.s32 s15, v5;
	v6 =	vld [tilespmem:s11+$0xFFFFFEB0];
	_ =	sdelay $0x4  }
0x1e1: {  	s16 =	sadd.s32 $0x781, s13;
	[tilespmem:v7+s2+$0x0] =	vst.idx.msk $0xffff, v6  }
0x1e2: {  	v7 =	vadd.s32 s16, v5;
	v6 =	vld [tilespmem:s11+$0xFFFFFEC0];
	_ =	sdelay $0x4  }
0x1e3: {  	s17 =	sadd.s32 $0xA01, s13;
	[tilespmem:v7+s2+$0x0] =	vst.idx.msk $0xffff, v6  }
0x1e4: {  	v7 =	vadd.s32 s17, v5;
	v6 =	vld [tilespmem:s11+$0xFFFFFED0];
	_ =	sdelay $0x4  }
0x1e5: {  	s21 =	sadd.s32 $0xC81, s13;
	[tilespmem:v7+s2+$0x0] =	vst.idx.msk $0xffff, v6  }
0x1e6: {  	v7 =	vadd.s32 s21, v5;
	v6 =	vld [tilespmem:s11+$0xFFFFFEE0];
	_ =	sdelay $0x4  }
0x1e7: {  	s22 =	sadd.s32 $0xF01, s13;
	[tilespmem:v7+s2+$0x0] =	vst.idx.msk $0xffff, v6  }
0x1e8: {  	v7 =	vadd.s32 s22, v5;
	v6 =	vld [tilespmem:s11+$0xFFFFFEF0];
	_ =	sdelay $0x4  }
0x1e9: {  	s23 =	sadd.s32 $0x1181, s13;
	[tilespmem:v7+s2+$0x0] =	vst.idx.msk $0xffff, v6  }
0x1ea: {  	v7 =	vadd.s32 s23, v5;
	v6 =	vld [tilespmem:s11+$0xFFFFFF00];
	_ =	sdelay $0x4  }
0x1eb: {  	s24 =	sadd.s32 $0x2, s13;
	[tilespmem:v7+s2+$0x0] =	vst.idx.msk $0xffff, v6  }
0x1ec: {  	v7 =	vadd.s32 s24, v5;
	v6 =	vld [tilespmem:s11+$0xFFFFFF10];
	_ =	sdelay $0x4  }
0x1ed: {  	s14 =	sadd.s32 $0x282, s13;
	[tilespmem:v7+s2+$0x0] =	vst.idx.msk $0xffff, v6  }
0x1ee: {  	v7 =	vadd.s32 s14, v5;
	v6 =	vld [tilespmem:s11+$0xFFFFFF20];
	_ =	sdelay $0x4  }
0x1ef: {  	s15 =	sadd.s32 $0x502, s13;
	[tilespmem:v7+s2+$0x0] =	vst.idx.msk $0xffff, v6  }
0x1f0: {  	v7 =	vadd.s32 s15, v5;
	v6 =	vld [tilespmem:s11+$0xFFFFFF30];
	_ =	sdelay $0x4  }
0x1f1: {  	s16 =	sadd.s32 $0x782, s13;
	[tilespmem:v7+s2+$0x0] =	vst.idx.msk $0xffff, v6  }
0x1f2: {  	v7 =	vadd.s32 s16, v5;
	v6 =	vld [tilespmem:s11+$0xFFFFFF40];
	_ =	sdelay $0x4  }
0x1f3: {  	s17 =	sadd.s32 $0xA02, s13;
	[tilespmem:v7+s2+$0x0] =	vst.idx.msk $0xffff, v6  }
0x1f4: {  	v7 =	vadd.s32 s17, v5;
	v6 =	vld [tilespmem:s11+$0xFFFFFF50];
	_ =	sdelay $0x4  }
0x1f5: {  	s21 =	sadd.s32 $0xC82, s13;
	[tilespmem:v7+s2+$0x0] =	vst.idx.msk $0xffff, v6  }
0x1f6: {  	v7 =	vadd.s32 s21, v5;
	v6 =	vld [tilespmem:s11+$0xFFFFFF60];
	_ =	sdelay $0x4  }
0x1f7: {  	s22 =	sadd.s32 $0xF02, s13;
	[tilespmem:v7+s2+$0x0] =	vst.idx.msk $0xffff, v6  }
0x1f8: {  	v7 =	vadd.s32 s22, v5;
	v6 =	vld [tilespmem:s11+$0xFFFFFF70];
	_ =	sdelay $0x4  }
0x1f9: {  	s23 =	sadd.s32 $0x1182, s13;
	[tilespmem:v7+s2+$0x0] =	vst.idx.msk $0xffff, v6  }
0x1fa: {  	v7 =	vadd.s32 s23, v5;
	v6 =	vld [tilespmem:s11+$0xFFFFFF80];
	_ =	sdelay $0x4  }
0x1fb: {  	s24 =	sadd.s32 $0x3, s13;
	[tilespmem:v7+s2+$0x0] =	vst.idx.msk $0xffff, v6  }
0x1fc: {  	v7 =	vadd.s32 s24, v5;
	v6 =	vld [tilespmem:s11+$0xFFFFFF90];
	_ =	sdelay $0x4  }
0x1fd: {  	s14 =	sadd.s32 $0x283, s13;
	[tilespmem:v7+s2+$0x0] =	vst.idx.msk $0xffff, v6  }
0x1fe: {  	v7 =	vadd.s32 s14, v5;
	v6 =	vld [tilespmem:s11+$0xFFFFFFA0];
	_ =	sdelay $0x4  }
0x1ff: {  	s15 =	sadd.s32 $0x503, s13;
	[tilespmem:v7+s2+$0x0] =	vst.idx.msk $0xffff, v6  }
0x200: {  	v7 =	vadd.s32 s15, v5;
	v6 =	vld [tilespmem:s11+$0xFFFFFFB0];
	_ =	sdelay $0x4  }
0x201: {  	s16 =	sadd.s32 $0x783, s13;
	[tilespmem:v7+s2+$0x0] =	vst.idx.msk $0xffff, v6  }
0x202: {  	v7 =	vadd.s32 s16, v5;
	v6 =	vld [tilespmem:s11+$0xFFFFFFC0];
	_ =	sdelay $0x4  }
0x203: {  	s17 =	sadd.s32 $0xA03, s13;
	[tilespmem:v7+s2+$0x0] =	vst.idx.msk $0xffff, v6  }
0x204: {  	v7 =	vadd.s32 s17, v5;
	v6 =	vld [tilespmem:s11+$0xFFFFFFD0];
	_ =	sdelay $0x4  }
0x205: {  	s21 =	sadd.s32 $0xC83, s13;
	[tilespmem:v7+s2+$0x0] =	vst.idx.msk $0xffff, v6  }
0x206: {  	v7 =	vadd.s32 s21, v5;
	v6 =	vld [tilespmem:s11+$0xFFFFFFE0];
	_ =	sdelay $0x4  }
0x207: {  	s22 =	sadd.s32 $0xF03, s13;
	[tilespmem:v7+s2+$0x0] =	vst.idx.msk $0xffff, v6  }
0x208: {  	v7 =	vadd.s32 s22, v5;
	v6 =	vld [tilespmem:s11+$0xFFFFFFF0];
	_ =	sdelay $0x4  }
0x209: {  	s23 =	sadd.s32 $0x1183, s13;
	[tilespmem:v7+s2+$0x0] =	vst.idx.msk $0xffff, v6  }
0x20a: {  	v7 =	vadd.s32 s23, v5;
	v6 =	vld [tilespmem:s11+$0x0];
	_ =	sdelay $0x4  }
0x20b: {  	s24 =	simm.s32 $0x0;
	[tilespmem:v7+s2+$0x0] =	vst.idx.msk $0xffff, v6  }
0x20c: {  	v6 =	vld [tilespmem:s24+$0x6980];
	_ =	sdelay $0x4  }
0x20d: {  	[tilespmem:s7+$0xFFFFFFE0] =	vst v6  }
0x20e: {  	v6 =	vld [tilespmem:s24+$0x6990];
	_ =	sdelay $0x4  }
0x20f: {  	[tilespmem:s7+$0xFFFFFFF0] =	vst v6  }
0x210: {  	v6 =	vld [tilespmem:s24+$0x69A8];
	_ =	sdelay $0x4  }
0x211: {  	[tilespmem:s7+$0x0] =	vst v6  }
0x212: {  	v6 =	vld [tilespmem:s24+$0x69B8];
	_ =	sdelay $0x1  }
0x213: {  	s9 =	smul.u32 $0x8300, s9;
	_ =	sdelay $0x1  }
0x214: {  	s9 =	sshrl.u32 s9, $0x2  }
0x215: {  	s9 =	sadd.s32 $0x9280, s9;
	s12 =	simm.s32 $0x280;
	s11 =	simm.s32 $0x50;
	[tilespmem:s7+$0x10] =	vst v6  }
.LBB2_11:
0x216: {  	p1 =	sne.s32 s12, $0xA280;
	v6 =	vld [tilespmem:s11+$0x6980];
	_ =	sdelay $0x3  }
0x217: {  	s7 =	sadd.s32 $0x40, s7  }
0x218: {  	[tilespmem:s7+$0xFFFFFFE0] =	vst v6  }
0x219: {  	v6 =	vld [tilespmem:s11+$0x6990];
	_ =	sdelay $0x4  }
0x21a: {  	[tilespmem:s7+$0xFFFFFFF0] =	vst v6  }
0x21b: {  	v6 =	vld [tilespmem:s11+$0x69A8];
	_ =	sdelay $0x4  }
0x21c: {  	[tilespmem:s7+$0x0] =	vst v6  }
0x21d: {  	v6 =	vld [tilespmem:s11+$0x69B8]  }
.Ltmp4:
0x21e: {  	(pc) =	sbr.rel @p1 .LBB2_11-.Ltmp4, $2  }
0x21f: {  	_ =	sdelay $0x2  }
0x220: {  	s11 =	sshra.s32 s12, $0x2;
	s12 =	sadd.s32 $0x140, s12;
	[tilespmem:s7+$0x10] =	vst v6  }
0x221: {  	v6 =	vld [tilespmem:s11+$0x6980];
	_ =	sdelay $0x3  }
0x222: {  	s7 =	sadd.s32 $0x40, s7  }
0x223: {  	[tilespmem:s7+$0xFFFFFFE0] =	vst v6  }
0x224: {  	v6 =	vld [tilespmem:s11+$0x6990];
	_ =	sdelay $0x4  }
0x225: {  	[tilespmem:s7+$0xFFFFFFF0] =	vst v6  }
0x226: {  	v6 =	vld [tilespmem:s11+$0x69A8];
	_ =	sdelay $0x4  }
0x227: {  	[tilespmem:s7+$0x0] =	vst v6  }
0x228: {  	v6 =	vld [tilespmem:s11+$0x69B8]  }
0x229: {  	p1 =	sne.s32 s25, $0x40  }
.Ltmp5:
0x22a: {  	_ = 	snop;
	(pc) =	sbr.rel @p1 .LBB2_2-.Ltmp5, $3  }
0x22b: {  	s8 =	smul.u32 $0x20C, s8;
	_ =	sdelay $0x1  }
0x22c: {  	p0 =	por !p0, !p0;
	s24 =	sadd.s32 s1, s8;
	s11 =	smov.u32 s25;
	[tilespmem:s7+$0x10] =	vst v6  }
0x22d: {  	[hbm4b:s24+s3] =	stream.linear.scatter [tilespmem:s9], [sflag:$0x2], $0x20C0, $0x38;
	[tilespmem:$0x13400] =	vst v63  }
0x22e: {  	s8 =	simm.s32 $0x2  }
0x22f: {  	_ =	swait.ge [sflag:s8], $0x20C0  }
0x230: {  	[sflag:s8] =	ssyncset.done $0x0  }
0x231: {  	[sflag:s8] =	ssyncadd.s32 $0xFFFFDF40  }
0x232: {  	_ =	swait.ge [sflag:s8], $0x20C0  }
0x233: {  	s9 =	rddreg [dreg:$0xc]  }
0x234: {  	s7 =	rddreg [dreg:$0x8];
	s9 =	sadd.s32 $0x1, s9  }
0x235: {  	p0 =	sne.s32 s9, s7  }
.Ltmp6:
0x236: {  	_ = 	snop;
	(pc) =	sbr.rel @p0 .LBB2_1-.Ltmp6, $3  }
0x237: {  	_ =	sdelay $0x1  }
0x238: {  	[sflag:s8] =	ssyncset.done $0x0  }
0x239: {  	[sflag:s8] =	ssyncadd.s32 $0xFFFFDF40  }
0x23a: {  	_ =	sfence.sel $0x180000  }
0x23b: {  	[bflag:$0x0] =	sbarrier.arrive $0xFFFF  }
0x23c: {  	_ =	strace $0x90000047  }
0x23d: {  	s0 =	stileid.u32;
	[bflag:$0x2] =	sbarrier.arrive $0xFFFF  }
0x23e: {  	p0 =	sne.s32 s0, $0x0;
	s0 =	rddreg [dreg:$0x2]  }
0x23f: {  	s0 =	sadd.s32 @!p0 $0x100000, s0  }
0x240: {  	[sflag:s0] =	ssyncadd.tile.s32 @!p0 $0x1;
	_ =	shalt  }
.Lfunc_end2:
_tile_overlayer_lowered:
.L_overlay_start_2:
0x241: {  	(tag) =	ssettag $0x2  }
0x242: {  	s0 =	rddreg [dreg:$0x0];
	s2 =	stileid.u32  }
0x243: {  	s1 =	rddreg [dreg:$0x1];
	p0 =	sne.s32 s2, $0x0  }
0x244: {  	s3 =	rddreg [dreg:$0x2];
	[bflag:$0x3] =	sbarrier.arrive $0xFFFF;
	s2 =	simm.s32 @!p0 $0x1C04  }
0x245: {  	[timem:s3], [sflag:s2] =	dma.local @!p0 [hbm:s0], s1  }
0x246: {  	s0 =	simm.s32 @!p0 $0x4  }
0x247: {  	_ =	swait.ge @!p0 [sflag:s0], s1  }
0x248: {  	s1 =	ssub.s32 @!p0 $0x0, s1;
	[sflag:s0] =	ssyncset.done @!p0 $0x0  }
0x249: {  	[sflag:s0] =	ssyncadd.s32 @!p0 s1  }
0x24a: {  	[bflag:$0x3] =	sbarrier.arrive $0xFFFF  }
0x24b: {  	_ =	shalt  }

// kernel: sparse-core-data-format-call.cloned.1.call-start
scs
called_computation_lowered:
.L_overlay_start_0:
0x0: {  	s2 =	sld [smem:$0x3FD9]  }
0x1: {  	s3 =	sld [smem:$0x3FFE];
	_ =	sdelay $0x1  }
0x2: {  	s1 =	srdreg.scid  }
0x3: {  	s0 =	sand.u32 $0x1, s1  }
0x4: {  	s18 =	sshll.u32 s0, $0xA;
	s2 =	sadd.s32 s3, s2  }
0x5: {  	s2 =	sadd.s32 s2, s18  }
0x6: {  	[smem:$0x3FC5] =	sst s2  }
0x7: {  	_ = 	snop  }
0x8: {  	s2 =	sld [smem:$0x3FD0];
	(tm) =	ssettm $0x1  }
0x9: {  	s19 =	sld [smem:$0x3FFB];
	_ =	sdelay $0x3  }
0xa: {  	_ =	strace s19  }
0xb: {  	s3 =	sld [smem:$0x3FFC];
	_ =	sdelay $0x3  }
0xc: {  	_ =	strace s3  }
0xd: {  	s3 =	sld [smem:$0x3FFD];
	_ =	sdelay $0x3  }
0xe: {  	_ =	strace s3  }
0xf: {  	_ =	strace $0x8FFFFFFF  }
0x10: {  	s20 =	sld [smem:$0x3FDB];
	_ =	sdelay $0x1  }
0x11: {  	s4 =	simm.s32 $_scs_section_size  }
0x12: {  	s5 =	simm.s32 $_size__tile_overlayer_lowered;
	s6 =	simm.s32 $_tile_overlayer_lowered  }
0x13: {  	s23 =	simm.s32 $0x1BFF;
	s22 =	sshll.u32 s6, $0x1;
	s3 =	sadd.s32 s4, s20  }
0x14: {  	s7 =	simm.s32 $0x0;
	s21 =	sshll.u32 s5, $0x1;
	s5 =	sadd.s32 s22, s3  }
0x15: {  	[timem:s7], [sflag:s23] =	dma.local [hbm:s5], s21  }
0x16: {  	_ =	swait.ge [sflag:s23], s21  }
0x17: {  	s4 =	ssub.s32 $0x0, s21;
	[sflag:s23] =	ssyncset.done $0x0  }
0x18: {  	[sflag:s23] =	ssyncadd.s32 s4;
	_ =	sdelay $0x1  }
0x19: {  	s24 =	simm.s32 $0x1B8B  }
0x1a: {  	_ =	swait.ge [sflag:s24], $0x1  }
0x1b: {  	[sflag:s24] =	ssyncset.done $0x0  }
0x1c: {  	s26 =	simm.s32 $0x1B8E;
	s25 =	sld [smem:$0x3FFE];
	[sflag:s24] =	ssyncadd.s32 $0xFFFFFFFF  }
0x1d: {  	s27 =	simm.s32 $execute0_lowered;
	[smem:$0x3FD2] =	sst s26  }
0x1e: {  	s5 =	sshll.u32 s27, $0x1;
	_ =	strace $0x80000049;
	[dreg:$0x1] =	wrdreg $0xFFFFFFFF  }
0x1f: {  	s28 =	simm.s32 $_size_execute0_lowered;
	s3 =	sadd.s32 s3, s5;
	[dreg:$0x0] =	wrdreg $0x0  }
0x20: {  	s5 =	sshll.u32 s28, $0x1;
	[dreg:$0x2] =	wrdreg s3  }
0x21: {  	[dreg:$0x3] =	wrdreg s5  }
0x22: {  	[dreg:$0x4] =	wrdreg $0xC0  }
0x23: {  	_ =	task [dreg:s7], $0x5FFFF  }
0x24: {  	[dreg:$0x1] =	wrdreg $0xFFFFFFFF  }
0x25: {  	[dreg:$0x0] =	wrdreg $0x60  }
0x26: {  	[dreg:$0x2] =	wrdreg s25  }
0x27: {  	[dreg:$0x3] =	wrdreg s2  }
0x28: {  	[dreg:$0x4] =	wrdreg $0x9  }
0x29: {  	_ =	task.clear_ibuf [dreg:s7], $0x5FFFF;
	_ =	strace $0x90000049  }
0x2a: {  	s29 =	simm.s32 $0x9;
	_ =	strace $0x8000004B  }
0x2b: {  	_ =	swait.ge [sflag:s29], $0x1  }
0x2c: {  	[sflag:s29] =	ssyncadd.s32 $0xFFFFFFFF  }
0x2d: {  	_ =	strace $0x9000004B  }
0x2e: {  	_ =	sfence  }
0x2f: {  	s30 =	sld [smem:$0x0];
	_ =	sdelay $0x2  }
0x30: {  	s31 =	sshll.u32 s1, $0xD;
	s1 =	sshrl.u32 s1, $0x2  }
0x31: {  	s3 =	sand.u32 $0x4000, s31;
	s1 =	sadd.s32 s1, s30  }
0x32: {  	s0 =	sor.u32 s3, s0;
	s1 =	sshll.u32 s1, $0x11  }
0x33: {  	s0 =	sor.u32 s1, s0  }
0x34: {  	s0 =	sadd.s32 $0x8F2B, s0  }
0x35: {  	[sflag:s0] =	ssyncadd.remote.s32 $0x1  }
0x36: {  	_ =	sfence.sel $0xFFFF  }
0x37: {  	[dreg:$0x0] =	wrdreg $0xFFFFFFFF;
	(pc) =	sbr.abs _section_cstart, $3  }
0x38: {  	[dreg:$0x1] =	wrdreg $0xFFFFFFFF  }
0x39: {  	_ =	task.clear_ibuf [dreg:s7], $0x2FFFF;
	_ =	strace $0x9FFFFFFF  }
0x3a: {  	(tm) =	ssettm $0x7FFFFFFF  }
0x3b: {  	_ =	shalt  }
tec
execute0_lowered:
.L_overlay_start_1:
0x0: {  	(tag) =	ssettag $0x1  }
0x1: {  	s0 =	stileid.u32;
	s1 =	srdreg.scid  }
0x2: {  	s2 =	sshll.u32 s0, $0x6;
	s1 =	sshll.u32 s1, $0xA  }
0x3: {  	s1 =	sor.u32 s2, s1  }
0x4: {  	s7 =	rddreg [dreg:$0x0];
	s1 =	sand.u32 $0x780, s1  }
0x5: {  	s8 =	simm.s32 $0x2;
	s2 =	sand.u32 $0x1, s0;
	s3 =	ssub.s32 $0x800, s1  }
0x6: {  	s14 =	simm.s32 $0x0;
	s4 =	ssub.s32 $0x2, s2;
	s5 =	sand.u32 $0x780, s3  }
0x7: {  	s6 =	sshrl.u32 s4, $0x1;
	p0 =	sne.s32 s5, $0x0;
	s5 =	simm.s32 $0x1  }
0x8: {  	s4 =	sand.u32 $0x1, s4;
	s3 =	sshrl.u32 s3, $0xB;
	s5 =	simm.s32 @!p0 $0x0  }
0x9: {  	s9 =	simm.s32 $0x4000;
	s6 =	sadd.s32 s4, s6;
	s3 =	sadd.s32 s5, s3  }
0xa: {  	s15 =	simm.s32 $0x0;
	s16 =	simm.s32 $0x0;
	s6 =	smul.u32 s3, s6  }
.Ltmp0:
0xb: {  	s10 =	simm.s32 $0x0;
	s13 =	simm.s32 $0x0;
	(pc) =	sbr.rel .LBB1_1-.Ltmp0, $4  }
0xc: {  	s7 =	sadd.s32 $0x1600, s7;
	s4 =	rddreg [dreg:$0x1];
	s5 =	simm.s32 $0x1  }
0xd: {  	s3 =	rddreg [dreg:$0x2];
	_ =	strace $0x8000004A;
	s6 =	smul.u32 $0x83, s6  }
0xe: {  	s12 =	smov.u32 s2;
	s11 =	smov.u32 s1;
	[sflag:s5] =	ssyncpa.u1 $0x0  }
0xf: {  	p0 =	por $0x0, $0x0;
	[sflag:s8] =	ssyncpa.u1 $0x0;
	s8 =	sadd.s32 $0x1, s6  }
.LBB1_4:
0x10: {  	s16 =	smul.u32 $0x106000, s16  }
0x11: {  	s19 =	sshll.u32 s15, $0x3;
	s20 =	sand.u32 $0x78, s15;
	s30 =	sand.u32 $0x1F00, s15  }
0x12: {  	s14 =	sshll.u32 s14, $0xD;
	s19 =	sand.u32 $0x400, s19;
	s16 =	sadd.s32 s4, s16  }
0x13: {  	s31 =	sand.u32 $0x7, s15;
	s19 =	sor.u32 s20, s19;
	s16 =	sadd.s32 s30, s16  }
0x14: {  	s15 =	sshll.u32 s31, $0x12;
	s19 =	sshrl.u32 s19, $0x3;
	s14 =	sadd.s32 s14, s16  }
0x15: {  	[tilespmem:s18+$0x0 ss:$0x81] =	vst.msk $0xffff, v0;
	s15 =	sor.u32 $0x400, s15;
	s14 =	sadd.s32 s19, s14  }
0x16: {  	[hbm4b:s14+s15] =	stream.strided.scatter [tilespmem:s17], [sflag:$0x2], $0x1000, s9, s15, $0x20;
	[tilespmem:$0x4040] =	vst v63  }
.LBB1_5:
0x17: {  	s17 =	sadd.s32 $0x1, s10  }
0x18: {  	s14 =	sadd.s32 $0x800, s11;
	s18 =	smov.u32 s11;
	p2 =	sgt.s32 s17, $0x82  }
0x19: {  	s18 =	smov.u32 @p2 s14  }
0x1a: {  	s20 =	smov.u32 s12;
	s14 =	sadd.s32 $0x2, s12;
	p3 =	sgt.s32 s18, $0x7FF  }
0x1b: {  	s20 =	smov.u32 @p3 s14  }
0x1c: {  	s17 =	simm.s32 @p2 $0x0;
	p2 =	sgt.s32 s20, $0x1  }
0x1d: {  	p1 =	slt.u32 s13, $0x2;
	s20 =	smov.u32 @p2 s2;
	p2 =	sne.s32 s13, s8  }
.Ltmp1:
0x1e: {  	s19 =	simm.s32 @!p1 $0x2;
	(pc) =	sbr.rel @!p2 .LBB1_6-.Ltmp1, $4  }
0x1f: {  	s15 =	smov.u32 s11;
	s16 =	smov.u32 s12;
	_ =	swait.ge @!p1 [sflag:s19], $0x1000  }
0x20: {  	p0 =	por !p0, !p0;
	[sflag:s19] =	ssyncset.done @!p1 $0x0;
	s18 =	smov.u32 @p3 s1  }
0x21: {  	s14 =	smov.u32 s10;
	[sflag:s19] =	ssyncadd.s32 @!p1 $0xFFFFF000;
	s10 =	smov.u32 s17  }
0x22: {  	s11 =	smov.u32 s18;
	s13 =	sadd.s32 $0x1, s13;
	s12 =	smov.u32 s20  }
.LBB1_1:
0x23: {  	p1 =	sge.u32 s13, s6  }
0x24: {  	s17 =	sand.u32 @!p1 $0x1FFFFFF, s10;
	s19 =	smul.u32 @!p1 $0x440000, s12  }
0x25: {  	s18 =	smulhi.u32 @!p1 $0x1E1E1E2, s17  }
0x26: {  	s21 =	smul.u32 @!p1 $0x880, s11  }
0x27: {  	s18 =	smul.u32 @!p1 $0x88, s18  }
0x28: {  	s31 =	sadd.s32 $0xFFFFFFFF, s13;
	s19 =	sadd.s32 @!p1 s7, s19  }
0x29: {  	s20 =	sxor.u32 @!p1 $0xFFFFFFFF, s13;
	s19 =	sadd.s32 @!p1 s21, s19;
	s17 =	ssub.s32 @!p1 s17, s18  }
0x2a: {  	s18 =	sshll.u32 @!p1 s20, $0xC;
	s20 =	simm.s32 @!p1 $0x4400;
	s17 =	sshll.u32 @!p1 s17, $0x4  }
0x2b: {  	s18 =	sand.u32 @!p1 $0x1000, s18;
	s17 =	sadd.s32 @!p1 s17, s19;
	s19 =	simm.s32 @!p1 $0x20  }
0x2c: {  	[tilespmem:s18], [sflag:$0x1] =	stream.strided.gather @!p1 [hbm4b:s17+s19], $0x1000, s20, s19, $0x38;
	[tilespmem:$0x4040] =	vst v63  }
0x2d: {  	p1 =	sge.u32 s31, s6  }
.Ltmp2:
0x2e: {  	_ = 	snop;
	(pc) =	sbr.rel @p1 .LBB1_5-.Ltmp2, $1  }
0x2f: {  	_ =	sdelay $0x3  }
0x30: {  	s17 =	simm.s32 $0x1  }
0x31: {  	_ =	swait.ge [sflag:s5], $0x1000;
	s17 =	simm.s32 @!p0 $0x0  }
0x32: {  	[sflag:s5] =	ssyncset.done $0x0;
	s18 =	sshll.u32 s17, $0xC  }
0x33: {  	[sflag:s5] =	ssyncadd.s32 $0xFFFFF000;
	s21 =	sor.u32 $0x10, s18  }
0x34: {  	s17 =	smul.u32 $0x4080, s17;
	v1 =	vld [tilespmem:s21+$0x0]  }
0x35: {  	s30 =	sand.u32 $0x1, s13;
	v0 =	vld [tilespmem:s21+$0xFFFFFFF0]  }
0x36: {  	s18 =	smul.u32 $0x4080, s30;
	s17 =	sshrl.u32 s17, $0x2  }
0x37: {  	s19 =	sor.u32 $0x2000, s17  }
0x38: {  	s31 =	sshrl.u32 s18, $0x2;
	s18 =	sadd.s32 $0x0, s19  }
0x39: {  	s20 =	simm.s32 $0x4;
	s21 =	sadd.s32 $0x20, s21;
	s17 =	sor.u32 $0x2000, s31;
	[tilespmem:s18+$0x810 ss:$0x81] =	vst.msk $0xffff, v1  }
.LBB1_3:
0x3a: {  	v1 =	vld [tilespmem:s21+$0x0];
	p1 =	sne.s32 s20, $0x1FC;
	[tilespmem:s18+$0x0 ss:$0x81] =	vst.msk $0xffff, v0;
	s18 =	smov.u32 s20;
	s20 =	sadd.s32 $0x4, s20  }
.Ltmp3:
0x3b: {  	v0 =	vld [tilespmem:s21+$0xFFFFFFF0];
	(pc) =	sbr.rel @p1 .LBB1_3-.Ltmp3, $4  }
0x3c: {  	_ = 	snop  }
0x3d: {  	s18 =	sshra.s32 s18, $0x2  }
0x3e: {  	s18 =	sadd.s32 s18, s19  }
0x3f: {  	s21 =	sadd.s32 $0x20, s21;
	[tilespmem:s18+$0x810 ss:$0x81] =	vst.msk $0xffff, v1  }
.Ltmp4:
0x40: {  	_ = 	snop;
	(pc) =	sbr.rel .LBB1_4-.Ltmp4, $1  }
0x41: {  	_ =	sdelay $0x3  }
.LBB1_6:
0x42: {  	_ =	sfence.sel $0x180000  }
0x43: {  	s1 =	simm.s32 $0x1;
	[bflag:$0x0] =	sbarrier.arrive $0xFFFF  }
0x44: {  	s31 =	simm.s32 $0x2;
	[sflag:s1] =	ssyncpa.u1 $0x1  }
0x45: {  	[sflag:s31] =	ssyncpa.u1 $0x1  }
0x46: {  	p0 =	sne.s32 s0, $0x0;
	_ =	strace $0x9000004A  }
0x47: {  	s0 =	sadd.s32 @!p0 $0x100000, s3;
	[bflag:$0x2] =	sbarrier.arrive $0xFFFF  }
0x48: {  	[sflag:s0] =	ssyncadd.tile.s32 @!p0 $0x1;
	_ =	shalt  }
.Lfunc_end1:
_tile_overlayer_lowered:
.L_overlay_start_2:
0x49: {  	(tag) =	ssettag $0x2  }
0x4a: {  	s0 =	rddreg [dreg:$0x0];
	s2 =	stileid.u32  }
0x4b: {  	s1 =	rddreg [dreg:$0x1];
	p0 =	sne.s32 s2, $0x0  }
0x4c: {  	s3 =	rddreg [dreg:$0x2];
	[bflag:$0x3] =	sbarrier.arrive $0xFFFF;
	s2 =	simm.s32 @!p0 $0x1C01  }
0x4d: {  	[timem:s3], [sflag:s2] =	dma.local @!p0 [hbm:s0], s1  }
0x4e: {  	s0 =	simm.s32 @!p0 $0x1  }
0x4f: {  	_ =	swait.ge @!p0 [sflag:s0], s1  }
0x50: {  	s1 =	ssub.s32 @!p0 $0x0, s1;
	[sflag:s0] =	ssyncset.done @!p0 $0x0  }
0x51: {  	[sflag:s0] =	ssyncadd.s32 @!p0 s1  }
0x52: {  	[bflag:$0x3] =	sbarrier.arrive $0xFFFF  }
0x53: {  	_ =	shalt  }

</sc_bundles>
